<compile_context>
chip_gen: v7x
topology: tpu7x:2x2x1
jax: 0.10.2.dev20260603
libtpu: 0.0.44.dev20260713+nightly
codegen_flags: <defaults>
</compile_context>

<pallas_src>
import functools

import jax
import jax.numpy as jnp
from jax import lax
from jax.experimental import pallas as pl
from jax.experimental.pallas import tpu as pltpu
from jax.experimental.pallas import tpu_sc as plsc

N_NODES = 100000
MEM_DIM = 128
MSG_DIM = 256
B = 16384

NC = 2
NS = 16
NW = NC * NS
B_PER_W = B // NW
CHUNK = 128
N_CHUNKS = B_PER_W // CHUNK
LANES = 16
LU_PER_W = 3128

_MESH = plsc.VectorSubcoreMesh(
    core_axis_name="c", subcore_axis_name="s", num_cores=NC, num_subcores=NS
)


def _wid():
    return lax.axis_index("s") * NC + lax.axis_index("c")


@functools.partial(
    pl.kernel,
    mesh=_MESH,
    out_type=(
        jax.ShapeDtypeStruct((B, MEM_DIM), jnp.float32),
        jax.ShapeDtypeStruct((N_NODES,), jnp.float32),
    ),
    scratch_types=[
        pltpu.VMEM((B_PER_W,), jnp.int32),
        pltpu.VMEM((B,), jnp.int32),
        pltpu.VMEM((B_PER_W, MEM_DIM), jnp.float32),
        pltpu.VMEM((LU_PER_W,), jnp.float32),
        pltpu.VMEM((LANES,), jnp.float32),
        pltpu.SemaphoreType.DMA,
        pltpu.SemaphoreType.DMA,
    ],
    compiler_params=pltpu.CompilerParams(needs_layout_passes=False),
)
def _sc_gather(mem_hbm, idx_hbm, tvals_hbm, lu_hbm, h_hbm, lu_out_hbm,
               idx_v, idxf_v, rows_v, lu_v, tv_v, sem, sem_in):
    wid = _wid()
    base = wid * B_PER_W
    pltpu.sync_copy(idx_hbm.at[pl.ds(base, B_PER_W)], idx_v)
    copies = []
    for j in range(N_CHUNKS):
        copies.append(
            pltpu.async_copy(
                mem_hbm.at[idx_v.at[pl.ds(j * CHUNK, CHUNK)]],
                rows_v.at[pl.ds(j * CHUNK, CHUNK)],
                sem,
            )
        )
    idxf_cps = []
    for k in range(NW):
        src = ((wid + k) % NW) * B_PER_W
        idxf_cps.append(
            pltpu.async_copy(
                idx_hbm.at[pl.ds(src, B_PER_W)],
                idxf_v.at[pl.ds(k * B_PER_W, B_PER_W)],
                sem_in,
            )
        )
    lub = jnp.minimum(wid * LU_PER_W, N_NODES - LU_PER_W)
    pltpu.sync_copy(lu_hbm.at[pl.ds(lub, LU_PER_W)], lu_v)
    pltpu.sync_copy(tvals_hbm, tv_v)
    tvec = tv_v[...]
    for c in idxf_cps:
        c.wait()

    _UNROLL = 8
    _PART = B // (LANES * _UNROLL * N_CHUNKS)

    def _scan_body(i, tv):
        for k in range(_UNROLL):
            v = idxf_v[pl.ds((i * _UNROLL + k) * LANES, LANES)]
            rel = v - lub
            m = (rel >= 0) & (rel < LU_PER_W)
            plsc.store_scatter(lu_v, [rel], tv, mask=m)
        return tv

    outs = []
    for j in range(N_CHUNKS):
        lax.fori_loop(j * _PART, (j + 1) * _PART, _scan_body, tvec)
        copies[j].wait()
        outs.append(
            pltpu.async_copy(
                rows_v.at[pl.ds(j * CHUNK, CHUNK)],
                h_hbm.at[pl.ds(base + j * CHUNK, CHUNK)],
                sem,
            )
        )
    pltpu.sync_copy(lu_v, lu_out_hbm.at[pl.ds(lub, LU_PER_W)])
    for o in outs:
        o.wait()


_BLK = 4096


def _gru_body(x_ref, h_ref, wi_ref, wh_ref, bi_ref, bh_ref, o_ref):
    h = h_ref[...]
    gi = jnp.dot(x_ref[...], wi_ref[...], preferred_element_type=jnp.float32)
    gh = jnp.dot(h, wh_ref[...], preferred_element_type=jnp.float32)
    gi = gi + bi_ref[...]
    gh = gh + bh_ref[...]
    r = jax.nn.sigmoid(gi[:, :MEM_DIM] + gh[:, :MEM_DIM])
    z = jax.nn.sigmoid(gi[:, MEM_DIM:2 * MEM_DIM] + gh[:, MEM_DIM:2 * MEM_DIM])
    n = jnp.tanh(gi[:, 2 * MEM_DIM:] + r * gh[:, 2 * MEM_DIM:])
    o_ref[...] = (1.0 - z) * n + z * h


def _tc_gru(x, h, wi_t, wh_t, bi, bh):
    grid = (B // _BLK,)
    return pl.pallas_call(
        _gru_body,
        grid=grid,
        in_specs=[
            pl.BlockSpec((_BLK, MSG_DIM), lambda i: (i, 0)),
            pl.BlockSpec((_BLK, MEM_DIM), lambda i: (i, 0)),
            pl.BlockSpec((MSG_DIM, 3 * MEM_DIM), lambda i: (0, 0)),
            pl.BlockSpec((MEM_DIM, 3 * MEM_DIM), lambda i: (0, 0)),
            pl.BlockSpec((1, 3 * MEM_DIM), lambda i: (0, 0)),
            pl.BlockSpec((1, 3 * MEM_DIM), lambda i: (0, 0)),
        ],
        out_specs=pl.BlockSpec((_BLK, MEM_DIM), lambda i: (i, 0)),
        out_shape=jax.ShapeDtypeStruct((B, MEM_DIM), jnp.float32),
    )(x, h, wi_t, wh_t, bi, bh)


@functools.partial(
    pl.kernel,
    mesh=_MESH,
    out_type=(),
    scratch_types=[
        pltpu.VMEM((N_CHUNKS, CHUNK), jnp.int32),
        pltpu.VMEM((B_PER_W, MEM_DIM), jnp.float32),
        pltpu.SemaphoreType.DMA,
        pltpu.SemaphoreType.DMA,
    ],
)
def _sc_scatter(mem_ref, hnew_hbm, idx_hbm, idx_v, rows_v, sem, sem_in):
    wid = _wid()
    base = wid * B_PER_W
    pltpu.sync_copy(idx_hbm.at[pl.ds(wid * N_CHUNKS, N_CHUNKS)], idx_v)
    stage = []
    for j in range(N_CHUNKS):
        stage.append(
            pltpu.async_copy(
                hnew_hbm.at[pl.ds(base + j * CHUNK, CHUNK)],
                rows_v.at[pl.ds(j * CHUNK, CHUNK)],
                sem_in,
            )
        )
    copies = []
    for j in range(N_CHUNKS):
        stage[j].wait()
        copies.append(
            pltpu.async_copy(
                rows_v.at[pl.ds(j * CHUNK, CHUNK)],
                mem_ref.at[idx_v.at[j]],
                sem,
            )
        )
    for c in copies:
        c.wait()


def kernel(unique_nids, unique_msg, time, memory, last_update,
           W_ih, W_hh, b_ih, b_hh):
    idx = unique_nids.astype(jnp.int32)
    idx2d = jnp.reshape(idx, (NW * N_CHUNKS, CHUNK))
    tvals = jnp.full((LANES,), time, dtype=jnp.float32)
    mem_ref = jax.new_ref(memory)
    h, lu_out = _sc_gather(memory, idx, tvals, last_update)
    h_new = _tc_gru(
        unique_msg, h,
        W_ih.T, W_hh.T,
        b_ih.reshape(1, -1), b_hh.reshape(1, -1),
    )
    _sc_scatter(mem_ref, h_new, idx2d)
    return mem_ref[...], lu_out

# --- scband reference (transcript-rebuilt; emitter-appended) ---
"""Pipeline reference for scband-grumemory-updater-8881992368211 (READ-ONLY COPY).

The authoritative reference and input builder live on the scoring server;
editing this copy changes nothing except your own understanding.
"""

import jax, jax.numpy as jnp
import numpy as np

N_NODES = 100000
MEM_DIM = 128
MSG_DIM = 256
B = 16384


def setup_inputs(seed: int = 0) -> dict:
    key = jax.random.key(seed)
    k1, k2, k3, k4, k5, k6, k7 = jax.random.split(key, 7)
    # unique node ids (permutation slice guarantees uniqueness, matching 'unique_nids')
    unique_nids = jax.random.permutation(k1, N_NODES)[:B]
    unique_msg = jax.random.normal(k2, (B, MSG_DIM), dtype=jnp.float32)
    # Memory module state
    memory = jax.random.normal(k3, (N_NODES, MEM_DIM), dtype=jnp.float32) * 0.1
    last_update = jnp.zeros((N_NODES,), dtype=jnp.float32)
    # GRUCell parameters (torch layout: W_ih [3H, I], W_hh [3H, H], biases [3H])
    s = 1.0 / np.sqrt(MEM_DIM)
    W_ih = jax.random.uniform(k4, (3 * MEM_DIM, MSG_DIM), dtype=jnp.float32, minval=-s, maxval=s)
    W_hh = jax.random.uniform(k5, (3 * MEM_DIM, MEM_DIM), dtype=jnp.float32, minval=-s, maxval=s)
    b_ih = jax.random.uniform(k6, (3 * MEM_DIM,), dtype=jnp.float32, minval=-s, maxval=s)
    b_hh = jax.random.uniform(k7, (3 * MEM_DIM,), dtype=jnp.float32, minval=-s, maxval=s)
    time = 100
    return {"unique_nids": unique_nids, "unique_msg": unique_msg, "time": time,
            "memory": memory, "last_update": last_update,
            "W_ih": W_ih, "W_hh": W_hh, "b_ih": b_ih, "b_hh": b_hh}


def _gru_cell(x, h, W_ih, W_hh, b_ih, b_hh):
    gi = x @ W_ih.T + b_ih
    gh = h @ W_hh.T + b_hh
    i_r, i_z, i_n = jnp.split(gi, 3, axis=1)
    h_r, h_z, h_n = jnp.split(gh, 3, axis=1)
    r = jax.nn.sigmoid(i_r + h_r)
    z = jax.nn.sigmoid(i_z + h_z)
    n = jnp.tanh(i_n + r * h_n)
    return (1.0 - z) * n + z * h


def reference(unique_nids, unique_msg, time, memory, last_update, W_ih, W_hh, b_ih, b_hh):
    # GRUMemoryUpdater.get_updated_memory: clone memory, gather rows, GRU update, scatter back
    h = jnp.take(memory, unique_nids, axis=0)
    h_new = _gru_cell(unique_msg, h, W_ih, W_hh, b_ih, b_hh)
    updated_memory = memory.at[unique_nids].set(h_new)
    updated_last_update = last_update.at[unique_nids].set(jnp.float32(time))
    return (updated_memory, updated_last_update)

if __name__ == "__main__":
    import jax
    _d = setup_inputs()
    print(jax.jit(kernel)(*tuple(_d.values())))

</pallas_src>

<mosaic_0001>
#map = affine_map<(d0, d1) -> (0, 0)>
module attributes {stable_mosaic.version = 14 : i64} {
  func.func @new_body(%arg0: i32, %arg1: i32, %arg2: memref<100000x128xf32, #tpu.memory_space<hbm>>, %arg3: memref<16384x128xf32, #tpu.memory_space<hbm>>, %arg4: memref<128x128xi32, #tpu.memory_space<hbm>>, %arg5: memref<100000x128xf32, #tpu.memory_space<hbm>>, %arg6: memref<4x128xi32, #tpu.memory_space<vmem>>, %arg7: memref<512x128xf32, #tpu.memory_space<vmem>>, %arg8: memref<!tpu.dma_semaphore, #tpu.memory_space<semaphore_mem>>, %arg9: memref<!tpu.dma_semaphore, #tpu.memory_space<semaphore_mem>>) attributes {dimension_semantics = [#tpu.dimension_semantics<core_parallel>, #tpu.dimension_semantics<subcore_parallel>], iteration_bounds = array<i64: 2, 16>, scalar_prefetch = 0 : i64, scratch_operands = 4 : i64, tpu.core_type = #tpu.core_type<sc_vector_subcore>, window_params = [{transform_indices = #map}, {transform_indices = #map}, {transform_indices = #map}, {transform_indices = #map}]} {
    %mul3A = arith.constant 2 : i32
    %mul3A_0 = arith.muli %arg1, %mul3A : i32
    %add3A = arith.addi %mul3A_0, %arg0 : i32
    %mul3A_1 = arith.constant 512 : i32
    %mul3A_2 = arith.muli %add3A, %mul3A_1 : i32
    %mul3A_3 = arith.constant 4 : i32
    %mul3A_4 = arith.muli %add3A, %mul3A_3 : i32
    "tpu.region"() ({
      %run_scoped3A = tpu.sem_alloc : memref<!tpu.dma_semaphore, #tpu.memory_space<semaphore_mem>>
      %dma_start3A_171 = arith.constant 0 : i32
      %dma_start3A_172 = tpu.memref_slice %arg4[%mul3A_4, %dma_start3A_171] : memref<128x128xi32, #tpu.memory_space<hbm>> -> memref<4x128xi32, #tpu.memory_space<hbm>>
      %dma_start3A_173 = arith.constant 0 : i32
      %dma_start3A_174 = tpu.memref_slice %arg4[%mul3A_4, %dma_start3A_173] : memref<128x128xi32, #tpu.memory_space<hbm>> -> memref<4x128xi32, #tpu.memory_space<hbm>>
      tpu.enqueue_dma source(%dma_start3A_174 : memref<4x128xi32, #tpu.memory_space<hbm>>) target(%arg6 : memref<4x128xi32, #tpu.memory_space<vmem>>) target_semaphore(%run_scoped3A : memref<!tpu.dma_semaphore, #tpu.memory_space<semaphore_mem>>)
      %dma_wait3A_175 = arith.constant 0 : i32
      %dma_wait3A_176 = tpu.memref_slice %arg4[%mul3A_4, %dma_wait3A_175] : memref<128x128xi32, #tpu.memory_space<hbm>> -> memref<4x128xi32, #tpu.memory_space<hbm>>
      %dma_wait3A_177 = arith.constant 0 : i32
      %dma_wait3A_178 = tpu.memref_slice %arg4[%mul3A_4, %dma_wait3A_177] : memref<128x128xi32, #tpu.memory_space<hbm>> -> memref<4x128xi32, #tpu.memory_space<hbm>>
      tpu.wait_dma2 semaphore(%run_scoped3A : memref<!tpu.dma_semaphore, #tpu.memory_space<semaphore_mem>>) src(%dma_wait3A_178 : memref<4x128xi32, #tpu.memory_space<hbm>>) dst(%arg6 : memref<4x128xi32, #tpu.memory_space<vmem>>)
      tpu.yield
    }) : () -> ()
    %add3A_5 = arith.constant 0 : i32
    %add3A_6 = arith.addi %mul3A_2, %add3A_5 : i32
    %dma_start3A = arith.constant 0 : i32
    %dma_start3A_7 = arith.constant 0 : i32
    %dma_start3A_8 = tpu.memref_slice %arg7[%dma_start3A, %dma_start3A_7] : memref<512x128xf32, #tpu.memory_space<vmem>> -> memref<128x128xf32, #tpu.memory_space<vmem>>
    %dma_start3A_9 = arith.constant 0 : i32
    %dma_start3A_10 = tpu.memref_slice %arg3[%add3A_6, %dma_start3A_9] : memref<16384x128xf32, #tpu.memory_space<hbm>> -> memref<128x128xf32, #tpu.memory_space<hbm>>
    %dma_start3A_11 = arith.constant 0 : i32
    %dma_start3A_12 = arith.constant 0 : i32
    %dma_start3A_13 = tpu.memref_slice %arg7[%dma_start3A_11, %dma_start3A_12] : memref<512x128xf32, #tpu.memory_space<vmem>> -> memref<128x128xf32, #tpu.memory_space<vmem>>
    %dma_start3A_14 = arith.constant 0 : i32
    %dma_start3A_15 = tpu.memref_slice %arg3[%add3A_6, %dma_start3A_14] : memref<16384x128xf32, #tpu.memory_space<hbm>> -> memref<128x128xf32, #tpu.memory_space<hbm>>
    tpu.enqueue_dma source(%dma_start3A_15 : memref<128x128xf32, #tpu.memory_space<hbm>>) target(%dma_start3A_13 : memref<128x128xf32, #tpu.memory_space<vmem>>) target_semaphore(%arg9 : memref<!tpu.dma_semaphore, #tpu.memory_space<semaphore_mem>>)
    %add3A_16 = arith.constant 128 : i32
    %add3A_17 = arith.addi %mul3A_2, %add3A_16 : i32
    %dma_start3A_18 = arith.constant 128 : i32
    %dma_start3A_19 = arith.constant 0 : i32
    %dma_start3A_20 = tpu.memref_slice %arg7[%dma_start3A_18, %dma_start3A_19] : memref<512x128xf32, #tpu.memory_space<vmem>> -> memref<128x128xf32, #tpu.memory_space<vmem>>
    %dma_start3A_21 = arith.constant 0 : i32
    %dma_start3A_22 = tpu.memref_slice %arg3[%add3A_17, %dma_start3A_21] : memref<16384x128xf32, #tpu.memory_space<hbm>> -> memref<128x128xf32, #tpu.memory_space<hbm>>
    %dma_start3A_23 = arith.constant 128 : i32
    %dma_start3A_24 = arith.constant 0 : i32
    %dma_start3A_25 = tpu.memref_slice %arg7[%dma_start3A_23, %dma_start3A_24] : memref<512x128xf32, #tpu.memory_space<vmem>> -> memref<128x128xf32, #tpu.memory_space<vmem>>
    %dma_start3A_26 = arith.constant 0 : i32
    %dma_start3A_27 = tpu.memref_slice %arg3[%add3A_17, %dma_start3A_26] : memref<16384x128xf32, #tpu.memory_space<hbm>> -> memref<128x128xf32, #tpu.memory_space<hbm>>
    tpu.enqueue_dma source(%dma_start3A_27 : memref<128x128xf32, #tpu.memory_space<hbm>>) target(%dma_start3A_25 : memref<128x128xf32, #tpu.memory_space<vmem>>) target_semaphore(%arg9 : memref<!tpu.dma_semaphore, #tpu.memory_space<semaphore_mem>>)
    %add3A_28 = arith.constant 256 : i32
    %add3A_29 = arith.addi %mul3A_2, %add3A_28 : i32
    %dma_start3A_30 = arith.constant 256 : i32
    %dma_start3A_31 = arith.constant 0 : i32
    %dma_start3A_32 = tpu.memref_slice %arg7[%dma_start3A_30, %dma_start3A_31] : memref<512x128xf32, #tpu.memory_space<vmem>> -> memref<128x128xf32, #tpu.memory_space<vmem>>
    %dma_start3A_33 = arith.constant 0 : i32
    %dma_start3A_34 = tpu.memref_slice %arg3[%add3A_29, %dma_start3A_33] : memref<16384x128xf32, #tpu.memory_space<hbm>> -> memref<128x128xf32, #tpu.memory_space<hbm>>
    %dma_start3A_35 = arith.constant 256 : i32
    %dma_start3A_36 = arith.constant 0 : i32
    %dma_start3A_37 = tpu.memref_slice %arg7[%dma_start3A_35, %dma_start3A_36] : memref<512x128xf32, #tpu.memory_space<vmem>> -> memref<128x128xf32, #tpu.memory_space<vmem>>
    %dma_start3A_38 = arith.constant 0 : i32
    %dma_start3A_39 = tpu.memref_slice %arg3[%add3A_29, %dma_start3A_38] : memref<16384x128xf32, #tpu.memory_space<hbm>> -> memref<128x128xf32, #tpu.memory_space<hbm>>
    tpu.enqueue_dma source(%dma_start3A_39 : memref<128x128xf32, #tpu.memory_space<hbm>>) target(%dma_start3A_37 : memref<128x128xf32, #tpu.memory_space<vmem>>) target_semaphore(%arg9 : memref<!tpu.dma_semaphore, #tpu.memory_space<semaphore_mem>>)
    %add3A_40 = arith.constant 384 : i32
    %add3A_41 = arith.addi %mul3A_2, %add3A_40 : i32
    %dma_start3A_42 = arith.constant 384 : i32
    %dma_start3A_43 = arith.constant 0 : i32
    %dma_start3A_44 = tpu.memref_slice %arg7[%dma_start3A_42, %dma_start3A_43] : memref<512x128xf32, #tpu.memory_space<vmem>> -> memref<128x128xf32, #tpu.memory_space<vmem>>
    %dma_start3A_45 = arith.constant 0 : i32
    %dma_start3A_46 = tpu.memref_slice %arg3[%add3A_41, %dma_start3A_45] : memref<16384x128xf32, #tpu.memory_space<hbm>> -> memref<128x128xf32, #tpu.memory_space<hbm>>
    %dma_start3A_47 = arith.constant 384 : i32
    %dma_start3A_48 = arith.constant 0 : i32
    %dma_start3A_49 = tpu.memref_slice %arg7[%dma_start3A_47, %dma_start3A_48] : memref<512x128xf32, #tpu.memory_space<vmem>> -> memref<128x128xf32, #tpu.memory_space<vmem>>
    %dma_start3A_50 = arith.constant 0 : i32
    %dma_start3A_51 = tpu.memref_slice %arg3[%add3A_41, %dma_start3A_50] : memref<16384x128xf32, #tpu.memory_space<hbm>> -> memref<128x128xf32, #tpu.memory_space<hbm>>
    tpu.enqueue_dma source(%dma_start3A_51 : memref<128x128xf32, #tpu.memory_space<hbm>>) target(%dma_start3A_49 : memref<128x128xf32, #tpu.memory_space<vmem>>) target_semaphore(%arg9 : memref<!tpu.dma_semaphore, #tpu.memory_space<semaphore_mem>>)
    %dma_wait3A = arith.constant 0 : i32
    %dma_wait3A_52 = arith.constant 0 : i32
    %dma_wait3A_53 = tpu.memref_slice %arg7[%dma_wait3A, %dma_wait3A_52] : memref<512x128xf32, #tpu.memory_space<vmem>> -> memref<128x128xf32, #tpu.memory_space<vmem>>
    %dma_wait3A_54 = arith.constant 0 : i32
    %dma_wait3A_55 = tpu.memref_slice %arg3[%add3A_6, %dma_wait3A_54] : memref<16384x128xf32, #tpu.memory_space<hbm>> -> memref<128x128xf32, #tpu.memory_space<hbm>>
    %dma_wait3A_56 = arith.constant 0 : i32
    %dma_wait3A_57 = arith.constant 0 : i32
    %dma_wait3A_58 = tpu.memref_slice %arg7[%dma_wait3A_56, %dma_wait3A_57] : memref<512x128xf32, #tpu.memory_space<vmem>> -> memref<128x128xf32, #tpu.memory_space<vmem>>
    %dma_wait3A_59 = arith.constant 0 : i32
    %dma_wait3A_60 = tpu.memref_slice %arg3[%add3A_6, %dma_wait3A_59] : memref<16384x128xf32, #tpu.memory_space<hbm>> -> memref<128x128xf32, #tpu.memory_space<hbm>>
    tpu.wait_dma2 semaphore(%arg9 : memref<!tpu.dma_semaphore, #tpu.memory_space<semaphore_mem>>) src(%dma_wait3A_60 : memref<128x128xf32, #tpu.memory_space<hbm>>) dst(%dma_wait3A_58 : memref<128x128xf32, #tpu.memory_space<vmem>>)
    %dma_start3A_61 = arith.constant 0 : i32
    %dma_start3A_62 = arith.constant 0 : i32
    %dma_start3A_63 = arith.constant 0 : i32
    %dma_start3A_64 = tpu.memref_slice %arg7[%dma_start3A_62, %dma_start3A_63] : memref<512x128xf32, #tpu.memory_space<vmem>> -> memref<128x128xf32, #tpu.memory_space<vmem>>
    %dma_start3A_65 = arith.constant 0 : i32
    %dma_start3A_66 = tpu.memref_slice %arg6[%dma_start3A_61, %dma_start3A_65] : memref<4x128xi32, #tpu.memory_space<vmem>> -> memref<1x128xi32, #tpu.memory_space<vmem>>
    %dma_start3A_67 = tpu.memref_squeeze %dma_start3A_66 : memref<1x128xi32, #tpu.memory_space<vmem>> -> memref<128xi32, #tpu.memory_space<vmem>>
    %dma_start3A_68 = arith.constant 0 : i32
    %dma_start3A_69 = arith.constant 0 : i32
    %dma_start3A_70 = tpu.memref_slice %arg2[%dma_start3A_68, %dma_start3A_69] : memref<100000x128xf32, #tpu.memory_space<hbm>> -> memref<100000x128xf32, #tpu.memory_space<hbm>>
    tpu.enqueue_indirect_dma source(%dma_start3A_64 : memref<128x128xf32, #tpu.memory_space<vmem>>) target(%dma_start3A_70 : memref<100000x128xf32, #tpu.memory_space<hbm>>) offsets(%dma_start3A_67 : memref<128xi32, #tpu.memory_space<vmem>>) semaphore(%arg8 : memref<!tpu.dma_semaphore, #tpu.memory_space<semaphore_mem>>)
    %dma_wait3A_71 = arith.constant 128 : i32
    %dma_wait3A_72 = arith.constant 0 : i32
    %dma_wait3A_73 = tpu.memref_slice %arg7[%dma_wait3A_71, %dma_wait3A_72] : memref<512x128xf32, #tpu.memory_space<vmem>> -> memref<128x128xf32, #tpu.memory_space<vmem>>
    %dma_wait3A_74 = arith.constant 0 : i32
    %dma_wait3A_75 = tpu.memref_slice %arg3[%add3A_17, %dma_wait3A_74] : memref<16384x128xf32, #tpu.memory_space<hbm>> -> memref<128x128xf32, #tpu.memory_space<hbm>>
    %dma_wait3A_76 = arith.constant 128 : i32
    %dma_wait3A_77 = arith.constant 0 : i32
    %dma_wait3A_78 = tpu.memref_slice %arg7[%dma_wait3A_76, %dma_wait3A_77] : memref<512x128xf32, #tpu.memory_space<vmem>> -> memref<128x128xf32, #tpu.memory_space<vmem>>
    %dma_wait3A_79 = arith.constant 0 : i32
    %dma_wait3A_80 = tpu.memref_slice %arg3[%add3A_17, %dma_wait3A_79] : memref<16384x128xf32, #tpu.memory_space<hbm>> -> memref<128x128xf32, #tpu.memory_space<hbm>>
    tpu.wait_dma2 semaphore(%arg9 : memref<!tpu.dma_semaphore, #tpu.memory_space<semaphore_mem>>) src(%dma_wait3A_80 : memref<128x128xf32, #tpu.memory_space<hbm>>) dst(%dma_wait3A_78 : memref<128x128xf32, #tpu.memory_space<vmem>>)
    %dma_start3A_81 = arith.constant 1 : i32
    %dma_start3A_82 = arith.constant 128 : i32
    %dma_start3A_83 = arith.constant 0 : i32
    %dma_start3A_84 = tpu.memref_slice %arg7[%dma_start3A_82, %dma_start3A_83] : memref<512x128xf32, #tpu.memory_space<vmem>> -> memref<128x128xf32, #tpu.memory_space<vmem>>
    %dma_start3A_85 = arith.constant 0 : i32
    %dma_start3A_86 = tpu.memref_slice %arg6[%dma_start3A_81, %dma_start3A_85] : memref<4x128xi32, #tpu.memory_space<vmem>> -> memref<1x128xi32, #tpu.memory_space<vmem>>
    %dma_start3A_87 = tpu.memref_squeeze %dma_start3A_86 : memref<1x128xi32, #tpu.memory_space<vmem>> -> memref<128xi32, #tpu.memory_space<vmem>>
    %dma_start3A_88 = arith.constant 0 : i32
    %dma_start3A_89 = arith.constant 0 : i32
    %dma_start3A_90 = tpu.memref_slice %arg2[%dma_start3A_88, %dma_start3A_89] : memref<100000x128xf32, #tpu.memory_space<hbm>> -> memref<100000x128xf32, #tpu.memory_space<hbm>>
    tpu.enqueue_indirect_dma source(%dma_start3A_84 : memref<128x128xf32, #tpu.memory_space<vmem>>) target(%dma_start3A_90 : memref<100000x128xf32, #tpu.memory_space<hbm>>) offsets(%dma_start3A_87 : memref<128xi32, #tpu.memory_space<vmem>>) semaphore(%arg8 : memref<!tpu.dma_semaphore, #tpu.memory_space<semaphore_mem>>)
    %dma_wait3A_91 = arith.constant 256 : i32
    %dma_wait3A_92 = arith.constant 0 : i32
    %dma_wait3A_93 = tpu.memref_slice %arg7[%dma_wait3A_91, %dma_wait3A_92] : memref<512x128xf32, #tpu.memory_space<vmem>> -> memref<128x128xf32, #tpu.memory_space<vmem>>
    %dma_wait3A_94 = arith.constant 0 : i32
    %dma_wait3A_95 = tpu.memref_slice %arg3[%add3A_29, %dma_wait3A_94] : memref<16384x128xf32, #tpu.memory_space<hbm>> -> memref<128x128xf32, #tpu.memory_space<hbm>>
    %dma_wait3A_96 = arith.constant 256 : i32
    %dma_wait3A_97 = arith.constant 0 : i32
    %dma_wait3A_98 = tpu.memref_slice %arg7[%dma_wait3A_96, %dma_wait3A_97] : memref<512x128xf32, #tpu.memory_space<vmem>> -> memref<128x128xf32, #tpu.memory_space<vmem>>
    %dma_wait3A_99 = arith.constant 0 : i32
    %dma_wait3A_100 = tpu.memref_slice %arg3[%add3A_29, %dma_wait3A_99] : memref<16384x128xf32, #tpu.memory_space<hbm>> -> memref<128x128xf32, #tpu.memory_space<hbm>>
    tpu.wait_dma2 semaphore(%arg9 : memref<!tpu.dma_semaphore, #tpu.memory_space<semaphore_mem>>) src(%dma_wait3A_100 : memref<128x128xf32, #tpu.memory_space<hbm>>) dst(%dma_wait3A_98 : memref<128x128xf32, #tpu.memory_space<vmem>>)
    %dma_start3A_101 = arith.constant 2 : i32
    %dma_start3A_102 = arith.constant 256 : i32
    %dma_start3A_103 = arith.constant 0 : i32
    %dma_start3A_104 = tpu.memref_slice %arg7[%dma_start3A_102, %dma_start3A_103] : memref<512x128xf32, #tpu.memory_space<vmem>> -> memref<128x128xf32, #tpu.memory_space<vmem>>
    %dma_start3A_105 = arith.constant 0 : i32
    %dma_start3A_106 = tpu.memref_slice %arg6[%dma_start3A_101, %dma_start3A_105] : memref<4x128xi32, #tpu.memory_space<vmem>> -> memref<1x128xi32, #tpu.memory_space<vmem>>
    %dma_start3A_107 = tpu.memref_squeeze %dma_start3A_106 : memref<1x128xi32, #tpu.memory_space<vmem>> -> memref<128xi32, #tpu.memory_space<vmem>>
    %dma_start3A_108 = arith.constant 0 : i32
    %dma_start3A_109 = arith.constant 0 : i32
    %dma_start3A_110 = tpu.memref_slice %arg2[%dma_start3A_108, %dma_start3A_109] : memref<100000x128xf32, #tpu.memory_space<hbm>> -> memref<100000x128xf32, #tpu.memory_space<hbm>>
    tpu.enqueue_indirect_dma source(%dma_start3A_104 : memref<128x128xf32, #tpu.memory_space<vmem>>) target(%dma_start3A_110 : memref<100000x128xf32, #tpu.memory_space<hbm>>) offsets(%dma_start3A_107 : memref<128xi32, #tpu.memory_space<vmem>>) semaphore(%arg8 : memref<!tpu.dma_semaphore, #tpu.memory_space<semaphore_mem>>)
    %dma_wait3A_111 = arith.constant 384 : i32
    %dma_wait3A_112 = arith.constant 0 : i32
    %dma_wait3A_113 = tpu.memref_slice %arg7[%dma_wait3A_111, %dma_wait3A_112] : memref<512x128xf32, #tpu.memory_space<vmem>> -> memref<128x128xf32, #tpu.memory_space<vmem>>
    %dma_wait3A_114 = arith.constant 0 : i32
    %dma_wait3A_115 = tpu.memref_slice %arg3[%add3A_41, %dma_wait3A_114] : memref<16384x128xf32, #tpu.memory_space<hbm>> -> memref<128x128xf32, #tpu.memory_space<hbm>>
    %dma_wait3A_116 = arith.constant 384 : i32
    %dma_wait3A_117 = arith.constant 0 : i32
    %dma_wait3A_118 = tpu.memref_slice %arg7[%dma_wait3A_116, %dma_wait3A_117] : memref<512x128xf32, #tpu.memory_space<vmem>> -> memref<128x128xf32, #tpu.memory_space<vmem>>
    %dma_wait3A_119 = arith.constant 0 : i32
    %dma_wait3A_120 = tpu.memref_slice %arg3[%add3A_41, %dma_wait3A_119] : memref<16384x128xf32, #tpu.memory_space<hbm>> -> memref<128x128xf32, #tpu.memory_space<hbm>>
    tpu.wait_dma2 semaphore(%arg9 : memref<!tpu.dma_semaphore, #tpu.memory_space<semaphore_mem>>) src(%dma_wait3A_120 : memref<128x128xf32, #tpu.memory_space<hbm>>) dst(%dma_wait3A_118 : memref<128x128xf32, #tpu.memory_space<vmem>>)
    %dma_start3A_121 = arith.constant 3 : i32
    %dma_start3A_122 = arith.constant 384 : i32
    %dma_start3A_123 = arith.constant 0 : i32
    %dma_start3A_124 = tpu.memref_slice %arg7[%dma_start3A_122, %dma_start3A_123] : memref<512x128xf32, #tpu.memory_space<vmem>> -> memref<128x128xf32, #tpu.memory_space<vmem>>
    %dma_start3A_125 = arith.constant 0 : i32
    %dma_start3A_126 = tpu.memref_slice %arg6[%dma_start3A_121, %dma_start3A_125] : memref<4x128xi32, #tpu.memory_space<vmem>> -> memref<1x128xi32, #tpu.memory_space<vmem>>
    %dma_start3A_127 = tpu.memref_squeeze %dma_start3A_126 : memref<1x128xi32, #tpu.memory_space<vmem>> -> memref<128xi32, #tpu.memory_space<vmem>>
    %dma_start3A_128 = arith.constant 0 : i32
    %dma_start3A_129 = arith.constant 0 : i32
    %dma_start3A_130 = tpu.memref_slice %arg2[%dma_start3A_128, %dma_start3A_129] : memref<100000x128xf32, #tpu.memory_space<hbm>> -> memref<100000x128xf32, #tpu.memory_space<hbm>>
    tpu.enqueue_indirect_dma source(%dma_start3A_124 : memref<128x128xf32, #tpu.memory_space<vmem>>) target(%dma_start3A_130 : memref<100000x128xf32, #tpu.memory_space<hbm>>) offsets(%dma_start3A_127 : memref<128xi32, #tpu.memory_space<vmem>>) semaphore(%arg8 : memref<!tpu.dma_semaphore, #tpu.memory_space<semaphore_mem>>)
    %dma_wait3A_131 = arith.constant 0 : i32
    %dma_wait3A_132 = arith.constant 0 : i32
    %dma_wait3A_133 = arith.constant 0 : i32
    %dma_wait3A_134 = tpu.memref_slice %arg7[%dma_wait3A_132, %dma_wait3A_133] : memref<512x128xf32, #tpu.memory_space<vmem>> -> memref<128x128xf32, #tpu.memory_space<vmem>>
    %dma_wait3A_135 = arith.constant 0 : i32
    %dma_wait3A_136 = tpu.memref_slice %arg6[%dma_wait3A_131, %dma_wait3A_135] : memref<4x128xi32, #tpu.memory_space<vmem>> -> memref<1x128xi32, #tpu.memory_space<vmem>>
    %dma_wait3A_137 = tpu.memref_squeeze %dma_wait3A_136 : memref<1x128xi32, #tpu.memory_space<vmem>> -> memref<128xi32, #tpu.memory_space<vmem>>
    %dma_wait3A_138 = arith.constant 0 : i32
    %dma_wait3A_139 = arith.constant 0 : i32
    %dma_wait3A_140 = tpu.memref_slice %arg2[%dma_wait3A_138, %dma_wait3A_139] : memref<100000x128xf32, #tpu.memory_space<hbm>> -> memref<100000x128xf32, #tpu.memory_space<hbm>>
    tpu.wait_indirect_dma semaphore(%arg8 : memref<!tpu.dma_semaphore, #tpu.memory_space<semaphore_mem>>) src(%dma_wait3A_134 : memref<128x128xf32, #tpu.memory_space<vmem>>) dst(%dma_wait3A_140 : memref<100000x128xf32, #tpu.memory_space<hbm>>)
    %dma_wait3A_141 = arith.constant 1 : i32
    %dma_wait3A_142 = arith.constant 128 : i32
    %dma_wait3A_143 = arith.constant 0 : i32
    %dma_wait3A_144 = tpu.memref_slice %arg7[%dma_wait3A_142, %dma_wait3A_143] : memref<512x128xf32, #tpu.memory_space<vmem>> -> memref<128x128xf32, #tpu.memory_space<vmem>>
    %dma_wait3A_145 = arith.constant 0 : i32
    %dma_wait3A_146 = tpu.memref_slice %arg6[%dma_wait3A_141, %dma_wait3A_145] : memref<4x128xi32, #tpu.memory_space<vmem>> -> memref<1x128xi32, #tpu.memory_space<vmem>>
    %dma_wait3A_147 = tpu.memref_squeeze %dma_wait3A_146 : memref<1x128xi32, #tpu.memory_space<vmem>> -> memref<128xi32, #tpu.memory_space<vmem>>
    %dma_wait3A_148 = arith.constant 0 : i32
    %dma_wait3A_149 = arith.constant 0 : i32
    %dma_wait3A_150 = tpu.memref_slice %arg2[%dma_wait3A_148, %dma_wait3A_149] : memref<100000x128xf32, #tpu.memory_space<hbm>> -> memref<100000x128xf32, #tpu.memory_space<hbm>>
    tpu.wait_indirect_dma semaphore(%arg8 : memref<!tpu.dma_semaphore, #tpu.memory_space<semaphore_mem>>) src(%dma_wait3A_144 : memref<128x128xf32, #tpu.memory_space<vmem>>) dst(%dma_wait3A_150 : memref<100000x128xf32, #tpu.memory_space<hbm>>)
    %dma_wait3A_151 = arith.constant 2 : i32
    %dma_wait3A_152 = arith.constant 256 : i32
    %dma_wait3A_153 = arith.constant 0 : i32
    %dma_wait3A_154 = tpu.memref_slice %arg7[%dma_wait3A_152, %dma_wait3A_153] : memref<512x128xf32, #tpu.memory_space<vmem>> -> memref<128x128xf32, #tpu.memory_space<vmem>>
    %dma_wait3A_155 = arith.constant 0 : i32
    %dma_wait3A_156 = tpu.memref_slice %arg6[%dma_wait3A_151, %dma_wait3A_155] : memref<4x128xi32, #tpu.memory_space<vmem>> -> memref<1x128xi32, #tpu.memory_space<vmem>>
    %dma_wait3A_157 = tpu.memref_squeeze %dma_wait3A_156 : memref<1x128xi32, #tpu.memory_space<vmem>> -> memref<128xi32, #tpu.memory_space<vmem>>
    %dma_wait3A_158 = arith.constant 0 : i32
    %dma_wait3A_159 = arith.constant 0 : i32
    %dma_wait3A_160 = tpu.memref_slice %arg2[%dma_wait3A_158, %dma_wait3A_159] : memref<100000x128xf32, #tpu.memory_space<hbm>> -> memref<100000x128xf32, #tpu.memory_space<hbm>>
    tpu.wait_indirect_dma semaphore(%arg8 : memref<!tpu.dma_semaphore, #tpu.memory_space<semaphore_mem>>) src(%dma_wait3A_154 : memref<128x128xf32, #tpu.memory_space<vmem>>) dst(%dma_wait3A_160 : memref<100000x128xf32, #tpu.memory_space<hbm>>)
    %dma_wait3A_161 = arith.constant 3 : i32
    %dma_wait3A_162 = arith.constant 384 : i32
    %dma_wait3A_163 = arith.constant 0 : i32
    %dma_wait3A_164 = tpu.memref_slice %arg7[%dma_wait3A_162, %dma_wait3A_163] : memref<512x128xf32, #tpu.memory_space<vmem>> -> memref<128x128xf32, #tpu.memory_space<vmem>>
    %dma_wait3A_165 = arith.constant 0 : i32
    %dma_wait3A_166 = tpu.memref_slice %arg6[%dma_wait3A_161, %dma_wait3A_165] : memref<4x128xi32, #tpu.memory_space<vmem>> -> memref<1x128xi32, #tpu.memory_space<vmem>>
    %dma_wait3A_167 = tpu.memref_squeeze %dma_wait3A_166 : memref<1x128xi32, #tpu.memory_space<vmem>> -> memref<128xi32, #tpu.memory_space<vmem>>
    %dma_wait3A_168 = arith.constant 0 : i32
    %dma_wait3A_169 = arith.constant 0 : i32
    %dma_wait3A_170 = tpu.memref_slice %arg2[%dma_wait3A_168, %dma_wait3A_169] : memref<100000x128xf32, #tpu.memory_space<hbm>> -> memref<100000x128xf32, #tpu.memory_space<hbm>>
    tpu.wait_indirect_dma semaphore(%arg8 : memref<!tpu.dma_semaphore, #tpu.memory_space<semaphore_mem>>) src(%dma_wait3A_164 : memref<128x128xf32, #tpu.memory_space<vmem>>) dst(%dma_wait3A_170 : memref<100000x128xf32, #tpu.memory_space<hbm>>)
    return
  }
}

#map = affine_map<(d0, d1) -> (0, 0)>
#map1 = affine_map<(d0, d1) -> (0)>
module attributes {stable_mosaic.version = 14 : i64} {
  func.func @_sc_gather(%arg0: i32, %arg1: i32, %arg2: memref<100000x128xf32, #tpu.memory_space<hbm>>, %arg3: memref<16384xi32, #tpu.memory_space<hbm>>, %arg4: memref<16xf32, #tpu.memory_space<hbm>>, %arg5: memref<100000xf32, #tpu.memory_space<hbm>>, %arg6: memref<16384x128xf32, #tpu.memory_space<hbm>>, %arg7: memref<100000xf32, #tpu.memory_space<hbm>>, %arg8: memref<512xi32, #tpu.memory_space<vmem>>, %arg9: memref<16384xi32, #tpu.memory_space<vmem>>, %arg10: memref<512x128xf32, #tpu.memory_space<vmem>>, %arg11: memref<3128xf32, #tpu.memory_space<vmem>>, %arg12: memref<16xf32, #tpu.memory_space<vmem>>, %arg13: memref<!tpu.dma_semaphore, #tpu.memory_space<semaphore_mem>>, %arg14: memref<!tpu.dma_semaphore, #tpu.memory_space<semaphore_mem>>) attributes {dimension_semantics = [#tpu.dimension_semantics<core_parallel>, #tpu.dimension_semantics<subcore_parallel>], iteration_bounds = array<i64: 2, 16>, scalar_prefetch = 0 : i64, scratch_operands = 7 : i64, tpu.core_type = #tpu.core_type<sc_vector_subcore>, window_params = [{transform_indices = #map}, {transform_indices = #map1}, {transform_indices = #map1}, {transform_indices = #map1}, {transform_indices = #map}, {transform_indices = #map1}]} {
    %mul3A = arith.constant 2 : i32
    %mul3A_0 = arith.muli %arg1, %mul3A : i32
    %add3A = arith.addi %mul3A_0, %arg0 : i32
    %mul3A_1 = arith.constant 512 : i32
    %mul3A_2 = arith.muli %add3A, %mul3A_1 : i32
    "tpu.region"() ({
      %run_scoped3A = tpu.sem_alloc : memref<!tpu.dma_semaphore, #tpu.memory_space<semaphore_mem>>
      %dma_start3A_1193 = tpu.memref_slice %arg3[%mul3A_2] : memref<16384xi32, #tpu.memory_space<hbm>> -> memref<512xi32, #tpu.memory_space<hbm>>
      %dma_start3A_1194 = tpu.memref_slice %arg3[%mul3A_2] : memref<16384xi32, #tpu.memory_space<hbm>> -> memref<512xi32, #tpu.memory_space<hbm>>
      tpu.enqueue_dma source(%dma_start3A_1194 : memref<512xi32, #tpu.memory_space<hbm>>) target(%arg8 : memref<512xi32, #tpu.memory_space<vmem>>) target_semaphore(%run_scoped3A : memref<!tpu.dma_semaphore, #tpu.memory_space<semaphore_mem>>)
      %dma_wait3A_1195 = tpu.memref_slice %arg3[%mul3A_2] : memref<16384xi32, #tpu.memory_space<hbm>> -> memref<512xi32, #tpu.memory_space<hbm>>
      %dma_wait3A_1196 = tpu.memref_slice %arg3[%mul3A_2] : memref<16384xi32, #tpu.memory_space<hbm>> -> memref<512xi32, #tpu.memory_space<hbm>>
      tpu.wait_dma2 semaphore(%run_scoped3A : memref<!tpu.dma_semaphore, #tpu.memory_space<semaphore_mem>>) src(%dma_wait3A_1196 : memref<512xi32, #tpu.memory_space<hbm>>) dst(%arg8 : memref<512xi32, #tpu.memory_space<vmem>>)
      tpu.yield
    }) : () -> ()
    %dma_start3A = arith.constant 0 : i32
    %dma_start3A_3 = arith.constant 0 : i32
    %dma_start3A_4 = tpu.memref_slice %arg10[%dma_start3A, %dma_start3A_3] : memref<512x128xf32, #tpu.memory_space<vmem>> -> memref<128x128xf32, #tpu.memory_space<vmem>>
    %dma_start3A_5 = arith.constant 0 : i32
    %dma_start3A_6 = tpu.memref_slice %arg8[%dma_start3A_5] : memref<512xi32, #tpu.memory_space<vmem>> -> memref<128xi32, #tpu.memory_space<vmem>>
    %dma_start3A_7 = arith.constant 0 : i32
    %dma_start3A_8 = arith.constant 0 : i32
    %dma_start3A_9 = tpu.memref_slice %arg2[%dma_start3A_7, %dma_start3A_8] : memref<100000x128xf32, #tpu.memory_space<hbm>> -> memref<100000x128xf32, #tpu.memory_space<hbm>>
    tpu.enqueue_indirect_dma source(%dma_start3A_9 : memref<100000x128xf32, #tpu.memory_space<hbm>>) target(%dma_start3A_4 : memref<128x128xf32, #tpu.memory_space<vmem>>) offsets(%dma_start3A_6 : memref<128xi32, #tpu.memory_space<vmem>>) semaphore(%arg13 : memref<!tpu.dma_semaphore, #tpu.memory_space<semaphore_mem>>)
    %dma_start3A_10 = arith.constant 128 : i32
    %dma_start3A_11 = arith.constant 0 : i32
    %dma_start3A_12 = tpu.memref_slice %arg10[%dma_start3A_10, %dma_start3A_11] : memref<512x128xf32, #tpu.memory_space<vmem>> -> memref<128x128xf32, #tpu.memory_space<vmem>>
    %dma_start3A_13 = arith.constant 128 : i32
    %dma_start3A_14 = tpu.memref_slice %arg8[%dma_start3A_13] : memref<512xi32, #tpu.memory_space<vmem>> -> memref<128xi32, #tpu.memory_space<vmem>>
    %dma_start3A_15 = arith.constant 0 : i32
    %dma_start3A_16 = arith.constant 0 : i32
    %dma_start3A_17 = tpu.memref_slice %arg2[%dma_start3A_15, %dma_start3A_16] : memref<100000x128xf32, #tpu.memory_space<hbm>> -> memref<100000x128xf32, #tpu.memory_space<hbm>>
    tpu.enqueue_indirect_dma source(%dma_start3A_17 : memref<100000x128xf32, #tpu.memory_space<hbm>>) target(%dma_start3A_12 : memref<128x128xf32, #tpu.memory_space<vmem>>) offsets(%dma_start3A_14 : memref<128xi32, #tpu.memory_space<vmem>>) semaphore(%arg13 : memref<!tpu.dma_semaphore, #tpu.memory_space<semaphore_mem>>)
    %dma_start3A_18 = arith.constant 256 : i32
    %dma_start3A_19 = arith.constant 0 : i32
    %dma_start3A_20 = tpu.memref_slice %arg10[%dma_start3A_18, %dma_start3A_19] : memref<512x128xf32, #tpu.memory_space<vmem>> -> memref<128x128xf32, #tpu.memory_space<vmem>>
    %dma_start3A_21 = arith.constant 256 : i32
    %dma_start3A_22 = tpu.memref_slice %arg8[%dma_start3A_21] : memref<512xi32, #tpu.memory_space<vmem>> -> memref<128xi32, #tpu.memory_space<vmem>>
    %dma_start3A_23 = arith.constant 0 : i32
    %dma_start3A_24 = arith.constant 0 : i32
    %dma_start3A_25 = tpu.memref_slice %arg2[%dma_start3A_23, %dma_start3A_24] : memref<100000x128xf32, #tpu.memory_space<hbm>> -> memref<100000x128xf32, #tpu.memory_space<hbm>>
    tpu.enqueue_indirect_dma source(%dma_start3A_25 : memref<100000x128xf32, #tpu.memory_space<hbm>>) target(%dma_start3A_20 : memref<128x128xf32, #tpu.memory_space<vmem>>) offsets(%dma_start3A_22 : memref<128xi32, #tpu.memory_space<vmem>>) semaphore(%arg13 : memref<!tpu.dma_semaphore, #tpu.memory_space<semaphore_mem>>)
    %dma_start3A_26 = arith.constant 384 : i32
    %dma_start3A_27 = arith.constant 0 : i32
    %dma_start3A_28 = tpu.memref_slice %arg10[%dma_start3A_26, %dma_start3A_27] : memref<512x128xf32, #tpu.memory_space<vmem>> -> memref<128x128xf32, #tpu.memory_space<vmem>>
    %dma_start3A_29 = arith.constant 384 : i32
    %dma_start3A_30 = tpu.memref_slice %arg8[%dma_start3A_29] : memref<512xi32, #tpu.memory_space<vmem>> -> memref<128xi32, #tpu.memory_space<vmem>>
    %dma_start3A_31 = arith.constant 0 : i32
    %dma_start3A_32 = arith.constant 0 : i32
    %dma_start3A_33 = tpu.memref_slice %arg2[%dma_start3A_31, %dma_start3A_32] : memref<100000x128xf32, #tpu.memory_space<hbm>> -> memref<100000x128xf32, #tpu.memory_space<hbm>>
    tpu.enqueue_indirect_dma source(%dma_start3A_33 : memref<100000x128xf32, #tpu.memory_space<hbm>>) target(%dma_start3A_28 : memref<128x128xf32, #tpu.memory_space<vmem>>) offsets(%dma_start3A_30 : memref<128xi32, #tpu.memory_space<vmem>>) semaphore(%arg13 : memref<!tpu.dma_semaphore, #tpu.memory_space<semaphore_mem>>)
    %add3A_34 = arith.constant 0 : i32
    %add3A_35 = arith.addi %add3A, %add3A_34 : i32
    %jit3A = arith.constant 32 : i32
    %eq3A = arith.constant 0 : i32
    %eq3A_36 = arith.cmpi eq, %jit3A, %eq3A : i32
    %jit3A_37 = arith.constant 1 : i32
    %select_n3A = arith.select %eq3A_36, %jit3A_37, %jit3A : i32
    %rem3A = arith.remsi %add3A_35, %select_n3A : i32
    %ne3A = arith.constant 0 : i32
    %ne3A_38 = arith.cmpi ne, %rem3A, %ne3A : i32
    %lt3A = arith.constant 0 : i32
    %lt3A_39 = arith.cmpi slt, %rem3A, %lt3A : i32
    %lt3A_40 = arith.constant 0 : i32
    %lt3A_41 = arith.cmpi slt, %select_n3A, %lt3A_40 : i32
    %ne3A_42 = arith.xori %lt3A_39, %lt3A_41 : i1
    %and3A = arith.andi %ne3A_42, %ne3A_38 : i1
    %add3A_43 = arith.addi %rem3A, %select_n3A : i32
    %select_n3A_44 = arith.select %and3A, %add3A_43, %rem3A : i32
    %mul3A_45 = arith.constant 512 : i32
    %mul3A_46 = arith.muli %select_n3A_44, %mul3A_45 : i32
    %dma_start3A_47 = arith.constant 0 : i32
    %dma_start3A_48 = tpu.memref_slice %arg9[%dma_start3A_47] : memref<16384xi32, #tpu.memory_space<vmem>> -> memref<512xi32, #tpu.memory_space<vmem>>
    %dma_start3A_49 = tpu.memref_slice %arg3[%mul3A_46] : memref<16384xi32, #tpu.memory_space<hbm>> -> memref<512xi32, #tpu.memory_space<hbm>>
    %dma_start3A_50 = arith.constant 0 : i32
    %dma_start3A_51 = tpu.memref_slice %arg9[%dma_start3A_50] : memref<16384xi32, #tpu.memory_space<vmem>> -> memref<512xi32, #tpu.memory_space<vmem>>
    %dma_start3A_52 = tpu.memref_slice %arg3[%mul3A_46] : memref<16384xi32, #tpu.memory_space<hbm>> -> memref<512xi32, #tpu.memory_space<hbm>>
    tpu.enqueue_dma source(%dma_start3A_52 : memref<512xi32, #tpu.memory_space<hbm>>) target(%dma_start3A_51 : memref<512xi32, #tpu.memory_space<vmem>>) target_semaphore(%arg14 : memref<!tpu.dma_semaphore, #tpu.memory_space<semaphore_mem>>)
    %add3A_53 = arith.constant 1 : i32
    %add3A_54 = arith.addi %add3A, %add3A_53 : i32
    %jit3A_55 = arith.constant 32 : i32
    %eq3A_56 = arith.constant 0 : i32
    %eq3A_57 = arith.cmpi eq, %jit3A_55, %eq3A_56 : i32
    %jit3A_58 = arith.constant 1 : i32
    %select_n3A_59 = arith.select %eq3A_57, %jit3A_58, %jit3A_55 : i32
    %rem3A_60 = arith.remsi %add3A_54, %select_n3A_59 : i32
    %ne3A_61 = arith.constant 0 : i32
    %ne3A_62 = arith.cmpi ne, %rem3A_60, %ne3A_61 : i32
    %lt3A_63 = arith.constant 0 : i32
    %lt3A_64 = arith.cmpi slt, %rem3A_60, %lt3A_63 : i32
    %lt3A_65 = arith.constant 0 : i32
    %lt3A_66 = arith.cmpi slt, %select_n3A_59, %lt3A_65 : i32
    %ne3A_67 = arith.xori %lt3A_64, %lt3A_66 : i1
    %and3A_68 = arith.andi %ne3A_67, %ne3A_62 : i1
    %add3A_69 = arith.addi %rem3A_60, %select_n3A_59 : i32
    %select_n3A_70 = arith.select %and3A_68, %add3A_69, %rem3A_60 : i32
    %mul3A_71 = arith.constant 512 : i32
    %mul3A_72 = arith.muli %select_n3A_70, %mul3A_71 : i32
    %dma_start3A_73 = arith.constant 512 : i32
    %dma_start3A_74 = tpu.memref_slice %arg9[%dma_start3A_73] : memref<16384xi32, #tpu.memory_space<vmem>> -> memref<512xi32, #tpu.memory_space<vmem>>
    %dma_start3A_75 = tpu.memref_slice %arg3[%mul3A_72] : memref<16384xi32, #tpu.memory_space<hbm>> -> memref<512xi32, #tpu.memory_space<hbm>>
    %dma_start3A_76 = arith.constant 512 : i32
    %dma_start3A_77 = tpu.memref_slice %arg9[%dma_start3A_76] : memref<16384xi32, #tpu.memory_space<vmem>> -> memref<512xi32, #tpu.memory_space<vmem>>
    %dma_start3A_78 = tpu.memref_slice %arg3[%mul3A_72] : memref<16384xi32, #tpu.memory_space<hbm>> -> memref<512xi32, #tpu.memory_space<hbm>>
    tpu.enqueue_dma source(%dma_start3A_78 : memref<512xi32, #tpu.memory_space<hbm>>) target(%dma_start3A_77 : memref<512xi32, #tpu.memory_space<vmem>>) target_semaphore(%arg14 : memref<!tpu.dma_semaphore, #tpu.memory_space<semaphore_mem>>)
    %add3A_79 = arith.constant 2 : i32
    %add3A_80 = arith.addi %add3A, %add3A_79 : i32
    %jit3A_81 = arith.constant 32 : i32
    %eq3A_82 = arith.constant 0 : i32
    %eq3A_83 = arith.cmpi eq, %jit3A_81, %eq3A_82 : i32
    %jit3A_84 = arith.constant 1 : i32
    %select_n3A_85 = arith.select %eq3A_83, %jit3A_84, %jit3A_81 : i32
    %rem3A_86 = arith.remsi %add3A_80, %select_n3A_85 : i32
    %ne3A_87 = arith.constant 0 : i32
    %ne3A_88 = arith.cmpi ne, %rem3A_86, %ne3A_87 : i32
    %lt3A_89 = arith.constant 0 : i32
    %lt3A_90 = arith.cmpi slt, %rem3A_86, %lt3A_89 : i32
    %lt3A_91 = arith.constant 0 : i32
    %lt3A_92 = arith.cmpi slt, %select_n3A_85, %lt3A_91 : i32
    %ne3A_93 = arith.xori %lt3A_90, %lt3A_92 : i1
    %and3A_94 = arith.andi %ne3A_93, %ne3A_88 : i1
    %add3A_95 = arith.addi %rem3A_86, %select_n3A_85 : i32
    %select_n3A_96 = arith.select %and3A_94, %add3A_95, %rem3A_86 : i32
    %mul3A_97 = arith.constant 512 : i32
    %mul3A_98 = arith.muli %select_n3A_96, %mul3A_97 : i32
    %dma_start3A_99 = arith.constant 1024 : i32
    %dma_start3A_100 = tpu.memref_slice %arg9[%dma_start3A_99] : memref<16384xi32, #tpu.memory_space<vmem>> -> memref<512xi32, #tpu.memory_space<vmem>>
    %dma_start3A_101 = tpu.memref_slice %arg3[%mul3A_98] : memref<16384xi32, #tpu.memory_space<hbm>> -> memref<512xi32, #tpu.memory_space<hbm>>
    %dma_start3A_102 = arith.constant 1024 : i32
    %dma_start3A_103 = tpu.memref_slice %arg9[%dma_start3A_102] : memref<16384xi32, #tpu.memory_space<vmem>> -> memref<512xi32, #tpu.memory_space<vmem>>
    %dma_start3A_104 = tpu.memref_slice %arg3[%mul3A_98] : memref<16384xi32, #tpu.memory_space<hbm>> -> memref<512xi32, #tpu.memory_space<hbm>>
    tpu.enqueue_dma source(%dma_start3A_104 : memref<512xi32, #tpu.memory_space<hbm>>) target(%dma_start3A_103 : memref<512xi32, #tpu.memory_space<vmem>>) target_semaphore(%arg14 : memref<!tpu.dma_semaphore, #tpu.memory_space<semaphore_mem>>)
    %add3A_105 = arith.constant 3 : i32
    %add3A_106 = arith.addi %add3A, %add3A_105 : i32
    %jit3A_107 = arith.constant 32 : i32
    %eq3A_108 = arith.constant 0 : i32
    %eq3A_109 = arith.cmpi eq, %jit3A_107, %eq3A_108 : i32
    %jit3A_110 = arith.constant 1 : i32
    %select_n3A_111 = arith.select %eq3A_109, %jit3A_110, %jit3A_107 : i32
    %rem3A_112 = arith.remsi %add3A_106, %select_n3A_111 : i32
    %ne3A_113 = arith.constant 0 : i32
    %ne3A_114 = arith.cmpi ne, %rem3A_112, %ne3A_113 : i32
    %lt3A_115 = arith.constant 0 : i32
    %lt3A_116 = arith.cmpi slt, %rem3A_112, %lt3A_115 : i32
    %lt3A_117 = arith.constant 0 : i32
    %lt3A_118 = arith.cmpi slt, %select_n3A_111, %lt3A_117 : i32
    %ne3A_119 = arith.xori %lt3A_116, %lt3A_118 : i1
    %and3A_120 = arith.andi %ne3A_119, %ne3A_114 : i1
    %add3A_121 = arith.addi %rem3A_112, %select_n3A_111 : i32
    %select_n3A_122 = arith.select %and3A_120, %add3A_121, %rem3A_112 : i32
    %mul3A_123 = arith.constant 512 : i32
    %mul3A_124 = arith.muli %select_n3A_122, %mul3A_123 : i32
    %dma_start3A_125 = arith.constant 1536 : i32
    %dma_start3A_126 = tpu.memref_slice %arg9[%dma_start3A_125] : memref<16384xi32, #tpu.memory_space<vmem>> -> memref<512xi32, #tpu.memory_space<vmem>>
    %dma_start3A_127 = tpu.memref_slice %arg3[%mul3A_124] : memref<16384xi32, #tpu.memory_space<hbm>> -> memref<512xi32, #tpu.memory_space<hbm>>
    %dma_start3A_128 = arith.constant 1536 : i32
    %dma_start3A_129 = tpu.memref_slice %arg9[%dma_start3A_128] : memref<16384xi32, #tpu.memory_space<vmem>> -> memref<512xi32, #tpu.memory_space<vmem>>
    %dma_start3A_130 = tpu.memref_slice %arg3[%mul3A_124] : memref<16384xi32, #tpu.memory_space<hbm>> -> memref<512xi32, #tpu.memory_space<hbm>>
    tpu.enqueue_dma source(%dma_start3A_130 : memref<512xi32, #tpu.memory_space<hbm>>) target(%dma_start3A_129 : memref<512xi32, #tpu.memory_space<vmem>>) target_semaphore(%arg14 : memref<!tpu.dma_semaphore, #tpu.memory_space<semaphore_mem>>)
    %add3A_131 = arith.constant 4 : i32
    %add3A_132 = arith.addi %add3A, %add3A_131 : i32
    %jit3A_133 = arith.constant 32 : i32
    %eq3A_134 = arith.constant 0 : i32
    %eq3A_135 = arith.cmpi eq, %jit3A_133, %eq3A_134 : i32
    %jit3A_136 = arith.constant 1 : i32
    %select_n3A_137 = arith.select %eq3A_135, %jit3A_136, %jit3A_133 : i32
    %rem3A_138 = arith.remsi %add3A_132, %select_n3A_137 : i32
    %ne3A_139 = arith.constant 0 : i32
    %ne3A_140 = arith.cmpi ne, %rem3A_138, %ne3A_139 : i32
    %lt3A_141 = arith.constant 0 : i32
    %lt3A_142 = arith.cmpi slt, %rem3A_138, %lt3A_141 : i32
    %lt3A_143 = arith.constant 0 : i32
    %lt3A_144 = arith.cmpi slt, %select_n3A_137, %lt3A_143 : i32
    %ne3A_145 = arith.xori %lt3A_142, %lt3A_144 : i1
    %and3A_146 = arith.andi %ne3A_145, %ne3A_140 : i1
    %add3A_147 = arith.addi %rem3A_138, %select_n3A_137 : i32
    %select_n3A_148 = arith.select %and3A_146, %add3A_147, %rem3A_138 : i32
    %mul3A_149 = arith.constant 512 : i32
    %mul3A_150 = arith.muli %select_n3A_148, %mul3A_149 : i32
    %dma_start3A_151 = arith.constant 2048 : i32
    %dma_start3A_152 = tpu.memref_slice %arg9[%dma_start3A_151] : memref<16384xi32, #tpu.memory_space<vmem>> -> memref<512xi32, #tpu.memory_space<vmem>>
    %dma_start3A_153 = tpu.memref_slice %arg3[%mul3A_150] : memref<16384xi32, #tpu.memory_space<hbm>> -> memref<512xi32, #tpu.memory_space<hbm>>
    %dma_start3A_154 = arith.constant 2048 : i32
    %dma_start3A_155 = tpu.memref_slice %arg9[%dma_start3A_154] : memref<16384xi32, #tpu.memory_space<vmem>> -> memref<512xi32, #tpu.memory_space<vmem>>
    %dma_start3A_156 = tpu.memref_slice %arg3[%mul3A_150] : memref<16384xi32, #tpu.memory_space<hbm>> -> memref<512xi32, #tpu.memory_space<hbm>>
    tpu.enqueue_dma source(%dma_start3A_156 : memref<512xi32, #tpu.memory_space<hbm>>) target(%dma_start3A_155 : memref<512xi32, #tpu.memory_space<vmem>>) target_semaphore(%arg14 : memref<!tpu.dma_semaphore, #tpu.memory_space<semaphore_mem>>)
    %add3A_157 = arith.constant 5 : i32
    %add3A_158 = arith.addi %add3A, %add3A_157 : i32
    %jit3A_159 = arith.constant 32 : i32
    %eq3A_160 = arith.constant 0 : i32
    %eq3A_161 = arith.cmpi eq, %jit3A_159, %eq3A_160 : i32
    %jit3A_162 = arith.constant 1 : i32
    %select_n3A_163 = arith.select %eq3A_161, %jit3A_162, %jit3A_159 : i32
    %rem3A_164 = arith.remsi %add3A_158, %select_n3A_163 : i32
    %ne3A_165 = arith.constant 0 : i32
    %ne3A_166 = arith.cmpi ne, %rem3A_164, %ne3A_165 : i32
    %lt3A_167 = arith.constant 0 : i32
    %lt3A_168 = arith.cmpi slt, %rem3A_164, %lt3A_167 : i32
    %lt3A_169 = arith.constant 0 : i32
    %lt3A_170 = arith.cmpi slt, %select_n3A_163, %lt3A_169 : i32
    %ne3A_171 = arith.xori %lt3A_168, %lt3A_170 : i1
    %and3A_172 = arith.andi %ne3A_171, %ne3A_166 : i1
    %add3A_173 = arith.addi %rem3A_164, %select_n3A_163 : i32
    %select_n3A_174 = arith.select %and3A_172, %add3A_173, %rem3A_164 : i32
    %mul3A_175 = arith.constant 512 : i32
    %mul3A_176 = arith.muli %select_n3A_174, %mul3A_175 : i32
    %dma_start3A_177 = arith.constant 2560 : i32
    %dma_start3A_178 = tpu.memref_slice %arg9[%dma_start3A_177] : memref<16384xi32, #tpu.memory_space<vmem>> -> memref<512xi32, #tpu.memory_space<vmem>>
    %dma_start3A_179 = tpu.memref_slice %arg3[%mul3A_176] : memref<16384xi32, #tpu.memory_space<hbm>> -> memref<512xi32, #tpu.memory_space<hbm>>
    %dma_start3A_180 = arith.constant 2560 : i32
    %dma_start3A_181 = tpu.memref_slice %arg9[%dma_start3A_180] : memref<16384xi32, #tpu.memory_space<vmem>> -> memref<512xi32, #tpu.memory_space<vmem>>
    %dma_start3A_182 = tpu.memref_slice %arg3[%mul3A_176] : memref<16384xi32, #tpu.memory_space<hbm>> -> memref<512xi32, #tpu.memory_space<hbm>>
    tpu.enqueue_dma source(%dma_start3A_182 : memref<512xi32, #tpu.memory_space<hbm>>) target(%dma_start3A_181 : memref<512xi32, #tpu.memory_space<vmem>>) target_semaphore(%arg14 : memref<!tpu.dma_semaphore, #tpu.memory_space<semaphore_mem>>)
    %add3A_183 = arith.constant 6 : i32
    %add3A_184 = arith.addi %add3A, %add3A_183 : i32
    %jit3A_185 = arith.constant 32 : i32
    %eq3A_186 = arith.constant 0 : i32
    %eq3A_187 = arith.cmpi eq, %jit3A_185, %eq3A_186 : i32
    %jit3A_188 = arith.constant 1 : i32
    %select_n3A_189 = arith.select %eq3A_187, %jit3A_188, %jit3A_185 : i32
    %rem3A_190 = arith.remsi %add3A_184, %select_n3A_189 : i32
    %ne3A_191 = arith.constant 0 : i32
    %ne3A_192 = arith.cmpi ne, %rem3A_190, %ne3A_191 : i32
    %lt3A_193 = arith.constant 0 : i32
    %lt3A_194 = arith.cmpi slt, %rem3A_190, %lt3A_193 : i32
    %lt3A_195 = arith.constant 0 : i32
    %lt3A_196 = arith.cmpi slt, %select_n3A_189, %lt3A_195 : i32
    %ne3A_197 = arith.xori %lt3A_194, %lt3A_196 : i1
    %and3A_198 = arith.andi %ne3A_197, %ne3A_192 : i1
    %add3A_199 = arith.addi %rem3A_190, %select_n3A_189 : i32
    %select_n3A_200 = arith.select %and3A_198, %add3A_199, %rem3A_190 : i32
    %mul3A_201 = arith.constant 512 : i32
    %mul3A_202 = arith.muli %select_n3A_200, %mul3A_201 : i32
    %dma_start3A_203 = arith.constant 3072 : i32
    %dma_start3A_204 = tpu.memref_slice %arg9[%dma_start3A_203] : memref<16384xi32, #tpu.memory_space<vmem>> -> memref<512xi32, #tpu.memory_space<vmem>>
    %dma_start3A_205 = tpu.memref_slice %arg3[%mul3A_202] : memref<16384xi32, #tpu.memory_space<hbm>> -> memref<512xi32, #tpu.memory_space<hbm>>
    %dma_start3A_206 = arith.constant 3072 : i32
    %dma_start3A_207 = tpu.memref_slice %arg9[%dma_start3A_206] : memref<16384xi32, #tpu.memory_space<vmem>> -> memref<512xi32, #tpu.memory_space<vmem>>
    %dma_start3A_208 = tpu.memref_slice %arg3[%mul3A_202] : memref<16384xi32, #tpu.memory_space<hbm>> -> memref<512xi32, #tpu.memory_space<hbm>>
    tpu.enqueue_dma source(%dma_start3A_208 : memref<512xi32, #tpu.memory_space<hbm>>) target(%dma_start3A_207 : memref<512xi32, #tpu.memory_space<vmem>>) target_semaphore(%arg14 : memref<!tpu.dma_semaphore, #tpu.memory_space<semaphore_mem>>)
    %add3A_209 = arith.constant 7 : i32
    %add3A_210 = arith.addi %add3A, %add3A_209 : i32
    %jit3A_211 = arith.constant 32 : i32
    %eq3A_212 = arith.constant 0 : i32
    %eq3A_213 = arith.cmpi eq, %jit3A_211, %eq3A_212 : i32
    %jit3A_214 = arith.constant 1 : i32
    %select_n3A_215 = arith.select %eq3A_213, %jit3A_214, %jit3A_211 : i32
    %rem3A_216 = arith.remsi %add3A_210, %select_n3A_215 : i32
    %ne3A_217 = arith.constant 0 : i32
    %ne3A_218 = arith.cmpi ne, %rem3A_216, %ne3A_217 : i32
    %lt3A_219 = arith.constant 0 : i32
    %lt3A_220 = arith.cmpi slt, %rem3A_216, %lt3A_219 : i32
    %lt3A_221 = arith.constant 0 : i32
    %lt3A_222 = arith.cmpi slt, %select_n3A_215, %lt3A_221 : i32
    %ne3A_223 = arith.xori %lt3A_220, %lt3A_222 : i1
    %and3A_224 = arith.andi %ne3A_223, %ne3A_218 : i1
    %add3A_225 = arith.addi %rem3A_216, %select_n3A_215 : i32
    %select_n3A_226 = arith.select %and3A_224, %add3A_225, %rem3A_216 : i32
    %mul3A_227 = arith.constant 512 : i32
    %mul3A_228 = arith.muli %select_n3A_226, %mul3A_227 : i32
    %dma_start3A_229 = arith.constant 3584 : i32
    %dma_start3A_230 = tpu.memref_slice %arg9[%dma_start3A_229] : memref<16384xi32, #tpu.memory_space<vmem>> -> memref<512xi32, #tpu.memory_space<vmem>>
    %dma_start3A_231 = tpu.memref_slice %arg3[%mul3A_228] : memref<16384xi32, #tpu.memory_space<hbm>> -> memref<512xi32, #tpu.memory_space<hbm>>
    %dma_start3A_232 = arith.constant 3584 : i32
    %dma_start3A_233 = tpu.memref_slice %arg9[%dma_start3A_232] : memref<16384xi32, #tpu.memory_space<vmem>> -> memref<512xi32, #tpu.memory_space<vmem>>
    %dma_start3A_234 = tpu.memref_slice %arg3[%mul3A_228] : memref<16384xi32, #tpu.memory_space<hbm>> -> memref<512xi32, #tpu.memory_space<hbm>>
    tpu.enqueue_dma source(%dma_start3A_234 : memref<512xi32, #tpu.memory_space<hbm>>) target(%dma_start3A_233 : memref<512xi32, #tpu.memory_space<vmem>>) target_semaphore(%arg14 : memref<!tpu.dma_semaphore, #tpu.memory_space<semaphore_mem>>)
    %add3A_235 = arith.constant 8 : i32
    %add3A_236 = arith.addi %add3A, %add3A_235 : i32
    %jit3A_237 = arith.constant 32 : i32
    %eq3A_238 = arith.constant 0 : i32
    %eq3A_239 = arith.cmpi eq, %jit3A_237, %eq3A_238 : i32
    %jit3A_240 = arith.constant 1 : i32
    %select_n3A_241 = arith.select %eq3A_239, %jit3A_240, %jit3A_237 : i32
    %rem3A_242 = arith.remsi %add3A_236, %select_n3A_241 : i32
    %ne3A_243 = arith.constant 0 : i32
    %ne3A_244 = arith.cmpi ne, %rem3A_242, %ne3A_243 : i32
    %lt3A_245 = arith.constant 0 : i32
    %lt3A_246 = arith.cmpi slt, %rem3A_242, %lt3A_245 : i32
    %lt3A_247 = arith.constant 0 : i32
    %lt3A_248 = arith.cmpi slt, %select_n3A_241, %lt3A_247 : i32
    %ne3A_249 = arith.xori %lt3A_246, %lt3A_248 : i1
    %and3A_250 = arith.andi %ne3A_249, %ne3A_244 : i1
    %add3A_251 = arith.addi %rem3A_242, %select_n3A_241 : i32
    %select_n3A_252 = arith.select %and3A_250, %add3A_251, %rem3A_242 : i32
    %mul3A_253 = arith.constant 512 : i32
    %mul3A_254 = arith.muli %select_n3A_252, %mul3A_253 : i32
    %dma_start3A_255 = arith.constant 4096 : i32
    %dma_start3A_256 = tpu.memref_slice %arg9[%dma_start3A_255] : memref<16384xi32, #tpu.memory_space<vmem>> -> memref<512xi32, #tpu.memory_space<vmem>>
    %dma_start3A_257 = tpu.memref_slice %arg3[%mul3A_254] : memref<16384xi32, #tpu.memory_space<hbm>> -> memref<512xi32, #tpu.memory_space<hbm>>
    %dma_start3A_258 = arith.constant 4096 : i32
    %dma_start3A_259 = tpu.memref_slice %arg9[%dma_start3A_258] : memref<16384xi32, #tpu.memory_space<vmem>> -> memref<512xi32, #tpu.memory_space<vmem>>
    %dma_start3A_260 = tpu.memref_slice %arg3[%mul3A_254] : memref<16384xi32, #tpu.memory_space<hbm>> -> memref<512xi32, #tpu.memory_space<hbm>>
    tpu.enqueue_dma source(%dma_start3A_260 : memref<512xi32, #tpu.memory_space<hbm>>) target(%dma_start3A_259 : memref<512xi32, #tpu.memory_space<vmem>>) target_semaphore(%arg14 : memref<!tpu.dma_semaphore, #tpu.memory_space<semaphore_mem>>)
    %add3A_261 = arith.constant 9 : i32
    %add3A_262 = arith.addi %add3A, %add3A_261 : i32
    %jit3A_263 = arith.constant 32 : i32
    %eq3A_264 = arith.constant 0 : i32
    %eq3A_265 = arith.cmpi eq, %jit3A_263, %eq3A_264 : i32
    %jit3A_266 = arith.constant 1 : i32
    %select_n3A_267 = arith.select %eq3A_265, %jit3A_266, %jit3A_263 : i32
    %rem3A_268 = arith.remsi %add3A_262, %select_n3A_267 : i32
    %ne3A_269 = arith.constant 0 : i32
    %ne3A_270 = arith.cmpi ne, %rem3A_268, %ne3A_269 : i32
    %lt3A_271 = arith.constant 0 : i32
    %lt3A_272 = arith.cmpi slt, %rem3A_268, %lt3A_271 : i32
    %lt3A_273 = arith.constant 0 : i32
    %lt3A_274 = arith.cmpi slt, %select_n3A_267, %lt3A_273 : i32
    %ne3A_275 = arith.xori %lt3A_272, %lt3A_274 : i1
    %and3A_276 = arith.andi %ne3A_275, %ne3A_270 : i1
    %add3A_277 = arith.addi %rem3A_268, %select_n3A_267 : i32
    %select_n3A_278 = arith.select %and3A_276, %add3A_277, %rem3A_268 : i32
    %mul3A_279 = arith.constant 512 : i32
    %mul3A_280 = arith.muli %select_n3A_278, %mul3A_279 : i32
    %dma_start3A_281 = arith.constant 4608 : i32
    %dma_start3A_282 = tpu.memref_slice %arg9[%dma_start3A_281] : memref<16384xi32, #tpu.memory_space<vmem>> -> memref<512xi32, #tpu.memory_space<vmem>>
    %dma_start3A_283 = tpu.memref_slice %arg3[%mul3A_280] : memref<16384xi32, #tpu.memory_space<hbm>> -> memref<512xi32, #tpu.memory_space<hbm>>
    %dma_start3A_284 = arith.constant 4608 : i32
    %dma_start3A_285 = tpu.memref_slice %arg9[%dma_start3A_284] : memref<16384xi32, #tpu.memory_space<vmem>> -> memref<512xi32, #tpu.memory_space<vmem>>
    %dma_start3A_286 = tpu.memref_slice %arg3[%mul3A_280] : memref<16384xi32, #tpu.memory_space<hbm>> -> memref<512xi32, #tpu.memory_space<hbm>>
    tpu.enqueue_dma source(%dma_start3A_286 : memref<512xi32, #tpu.memory_space<hbm>>) target(%dma_start3A_285 : memref<512xi32, #tpu.memory_space<vmem>>) target_semaphore(%arg14 : memref<!tpu.dma_semaphore, #tpu.memory_space<semaphore_mem>>)
    %add3A_287 = arith.constant 10 : i32
    %add3A_288 = arith.addi %add3A, %add3A_287 : i32
    %jit3A_289 = arith.constant 32 : i32
    %eq3A_290 = arith.constant 0 : i32
    %eq3A_291 = arith.cmpi eq, %jit3A_289, %eq3A_290 : i32
    %jit3A_292 = arith.constant 1 : i32
    %select_n3A_293 = arith.select %eq3A_291, %jit3A_292, %jit3A_289 : i32
    %rem3A_294 = arith.remsi %add3A_288, %select_n3A_293 : i32
    %ne3A_295 = arith.constant 0 : i32
    %ne3A_296 = arith.cmpi ne, %rem3A_294, %ne3A_295 : i32
    %lt3A_297 = arith.constant 0 : i32
    %lt3A_298 = arith.cmpi slt, %rem3A_294, %lt3A_297 : i32
    %lt3A_299 = arith.constant 0 : i32
    %lt3A_300 = arith.cmpi slt, %select_n3A_293, %lt3A_299 : i32
    %ne3A_301 = arith.xori %lt3A_298, %lt3A_300 : i1
    %and3A_302 = arith.andi %ne3A_301, %ne3A_296 : i1
    %add3A_303 = arith.addi %rem3A_294, %select_n3A_293 : i32
    %select_n3A_304 = arith.select %and3A_302, %add3A_303, %rem3A_294 : i32
    %mul3A_305 = arith.constant 512 : i32
    %mul3A_306 = arith.muli %select_n3A_304, %mul3A_305 : i32
    %dma_start3A_307 = arith.constant 5120 : i32
    %dma_start3A_308 = tpu.memref_slice %arg9[%dma_start3A_307] : memref<16384xi32, #tpu.memory_space<vmem>> -> memref<512xi32, #tpu.memory_space<vmem>>
    %dma_start3A_309 = tpu.memref_slice %arg3[%mul3A_306] : memref<16384xi32, #tpu.memory_space<hbm>> -> memref<512xi32, #tpu.memory_space<hbm>>
    %dma_start3A_310 = arith.constant 5120 : i32
    %dma_start3A_311 = tpu.memref_slice %arg9[%dma_start3A_310] : memref<16384xi32, #tpu.memory_space<vmem>> -> memref<512xi32, #tpu.memory_space<vmem>>
    %dma_start3A_312 = tpu.memref_slice %arg3[%mul3A_306] : memref<16384xi32, #tpu.memory_space<hbm>> -> memref<512xi32, #tpu.memory_space<hbm>>
    tpu.enqueue_dma source(%dma_start3A_312 : memref<512xi32, #tpu.memory_space<hbm>>) target(%dma_start3A_311 : memref<512xi32, #tpu.memory_space<vmem>>) target_semaphore(%arg14 : memref<!tpu.dma_semaphore, #tpu.memory_space<semaphore_mem>>)
    %add3A_313 = arith.constant 11 : i32
    %add3A_314 = arith.addi %add3A, %add3A_313 : i32
    %jit3A_315 = arith.constant 32 : i32
    %eq3A_316 = arith.constant 0 : i32
    %eq3A_317 = arith.cmpi eq, %jit3A_315, %eq3A_316 : i32
    %jit3A_318 = arith.constant 1 : i32
    %select_n3A_319 = arith.select %eq3A_317, %jit3A_318, %jit3A_315 : i32
    %rem3A_320 = arith.remsi %add3A_314, %select_n3A_319 : i32
    %ne3A_321 = arith.constant 0 : i32
    %ne3A_322 = arith.cmpi ne, %rem3A_320, %ne3A_321 : i32
    %lt3A_323 = arith.constant 0 : i32
    %lt3A_324 = arith.cmpi slt, %rem3A_320, %lt3A_323 : i32
    %lt3A_325 = arith.constant 0 : i32
    %lt3A_326 = arith.cmpi slt, %select_n3A_319, %lt3A_325 : i32
    %ne3A_327 = arith.xori %lt3A_324, %lt3A_326 : i1
    %and3A_328 = arith.andi %ne3A_327, %ne3A_322 : i1
    %add3A_329 = arith.addi %rem3A_320, %select_n3A_319 : i32
    %select_n3A_330 = arith.select %and3A_328, %add3A_329, %rem3A_320 : i32
    %mul3A_331 = arith.constant 512 : i32
    %mul3A_332 = arith.muli %select_n3A_330, %mul3A_331 : i32
    %dma_start3A_333 = arith.constant 5632 : i32
    %dma_start3A_334 = tpu.memref_slice %arg9[%dma_start3A_333] : memref<16384xi32, #tpu.memory_space<vmem>> -> memref<512xi32, #tpu.memory_space<vmem>>
    %dma_start3A_335 = tpu.memref_slice %arg3[%mul3A_332] : memref<16384xi32, #tpu.memory_space<hbm>> -> memref<512xi32, #tpu.memory_space<hbm>>
    %dma_start3A_336 = arith.constant 5632 : i32
    %dma_start3A_337 = tpu.memref_slice %arg9[%dma_start3A_336] : memref<16384xi32, #tpu.memory_space<vmem>> -> memref<512xi32, #tpu.memory_space<vmem>>
    %dma_start3A_338 = tpu.memref_slice %arg3[%mul3A_332] : memref<16384xi32, #tpu.memory_space<hbm>> -> memref<512xi32, #tpu.memory_space<hbm>>
    tpu.enqueue_dma source(%dma_start3A_338 : memref<512xi32, #tpu.memory_space<hbm>>) target(%dma_start3A_337 : memref<512xi32, #tpu.memory_space<vmem>>) target_semaphore(%arg14 : memref<!tpu.dma_semaphore, #tpu.memory_space<semaphore_mem>>)
    %add3A_339 = arith.constant 12 : i32
    %add3A_340 = arith.addi %add3A, %add3A_339 : i32
    %jit3A_341 = arith.constant 32 : i32
    %eq3A_342 = arith.constant 0 : i32
    %eq3A_343 = arith.cmpi eq, %jit3A_341, %eq3A_342 : i32
    %jit3A_344 = arith.constant 1 : i32
    %select_n3A_345 = arith.select %eq3A_343, %jit3A_344, %jit3A_341 : i32
    %rem3A_346 = arith.remsi %add3A_340, %select_n3A_345 : i32
    %ne3A_347 = arith.constant 0 : i32
    %ne3A_348 = arith.cmpi ne, %rem3A_346, %ne3A_347 : i32
    %lt3A_349 = arith.constant 0 : i32
    %lt3A_350 = arith.cmpi slt, %rem3A_346, %lt3A_349 : i32
    %lt3A_351 = arith.constant 0 : i32
    %lt3A_352 = arith.cmpi slt, %select_n3A_345, %lt3A_351 : i32
    %ne3A_353 = arith.xori %lt3A_350, %lt3A_352 : i1
    %and3A_354 = arith.andi %ne3A_353, %ne3A_348 : i1
    %add3A_355 = arith.addi %rem3A_346, %select_n3A_345 : i32
    %select_n3A_356 = arith.select %and3A_354, %add3A_355, %rem3A_346 : i32
    %mul3A_357 = arith.constant 512 : i32
    %mul3A_358 = arith.muli %select_n3A_356, %mul3A_357 : i32
    %dma_start3A_359 = arith.constant 6144 : i32
    %dma_start3A_360 = tpu.memref_slice %arg9[%dma_start3A_359] : memref<16384xi32, #tpu.memory_space<vmem>> -> memref<512xi32, #tpu.memory_space<vmem>>
    %dma_start3A_361 = tpu.memref_slice %arg3[%mul3A_358] : memref<16384xi32, #tpu.memory_space<hbm>> -> memref<512xi32, #tpu.memory_space<hbm>>
    %dma_start3A_362 = arith.constant 6144 : i32
    %dma_start3A_363 = tpu.memref_slice %arg9[%dma_start3A_362] : memref<16384xi32, #tpu.memory_space<vmem>> -> memref<512xi32, #tpu.memory_space<vmem>>
    %dma_start3A_364 = tpu.memref_slice %arg3[%mul3A_358] : memref<16384xi32, #tpu.memory_space<hbm>> -> memref<512xi32, #tpu.memory_space<hbm>>
    tpu.enqueue_dma source(%dma_start3A_364 : memref<512xi32, #tpu.memory_space<hbm>>) target(%dma_start3A_363 : memref<512xi32, #tpu.memory_space<vmem>>) target_semaphore(%arg14 : memref<!tpu.dma_semaphore, #tpu.memory_space<semaphore_mem>>)
    %add3A_365 = arith.constant 13 : i32
    %add3A_366 = arith.addi %add3A, %add3A_365 : i32
    %jit3A_367 = arith.constant 32 : i32
    %eq3A_368 = arith.constant 0 : i32
    %eq3A_369 = arith.cmpi eq, %jit3A_367, %eq3A_368 : i32
    %jit3A_370 = arith.constant 1 : i32
    %select_n3A_371 = arith.select %eq3A_369, %jit3A_370, %jit3A_367 : i32
    %rem3A_372 = arith.remsi %add3A_366, %select_n3A_371 : i32
    %ne3A_373 = arith.constant 0 : i32
    %ne3A_374 = arith.cmpi ne, %rem3A_372, %ne3A_373 : i32
    %lt3A_375 = arith.constant 0 : i32
    %lt3A_376 = arith.cmpi slt, %rem3A_372, %lt3A_375 : i32
    %lt3A_377 = arith.constant 0 : i32
    %lt3A_378 = arith.cmpi slt, %select_n3A_371, %lt3A_377 : i32
    %ne3A_379 = arith.xori %lt3A_376, %lt3A_378 : i1
    %and3A_380 = arith.andi %ne3A_379, %ne3A_374 : i1
    %add3A_381 = arith.addi %rem3A_372, %select_n3A_371 : i32
    %select_n3A_382 = arith.select %and3A_380, %add3A_381, %rem3A_372 : i32
    %mul3A_383 = arith.constant 512 : i32
    %mul3A_384 = arith.muli %select_n3A_382, %mul3A_383 : i32
    %dma_start3A_385 = arith.constant 6656 : i32
    %dma_start3A_386 = tpu.memref_slice %arg9[%dma_start3A_385] : memref<16384xi32, #tpu.memory_space<vmem>> -> memref<512xi32, #tpu.memory_space<vmem>>
    %dma_start3A_387 = tpu.memref_slice %arg3[%mul3A_384] : memref<16384xi32, #tpu.memory_space<hbm>> -> memref<512xi32, #tpu.memory_space<hbm>>
    %dma_start3A_388 = arith.constant 6656 : i32
    %dma_start3A_389 = tpu.memref_slice %arg9[%dma_start3A_388] : memref<16384xi32, #tpu.memory_space<vmem>> -> memref<512xi32, #tpu.memory_space<vmem>>
    %dma_start3A_390 = tpu.memref_slice %arg3[%mul3A_384] : memref<16384xi32, #tpu.memory_space<hbm>> -> memref<512xi32, #tpu.memory_space<hbm>>
    tpu.enqueue_dma source(%dma_start3A_390 : memref<512xi32, #tpu.memory_space<hbm>>) target(%dma_start3A_389 : memref<512xi32, #tpu.memory_space<vmem>>) target_semaphore(%arg14 : memref<!tpu.dma_semaphore, #tpu.memory_space<semaphore_mem>>)
    %add3A_391 = arith.constant 14 : i32
    %add3A_392 = arith.addi %add3A, %add3A_391 : i32
    %jit3A_393 = arith.constant 32 : i32
    %eq3A_394 = arith.constant 0 : i32
    %eq3A_395 = arith.cmpi eq, %jit3A_393, %eq3A_394 : i32
    %jit3A_396 = arith.constant 1 : i32
    %select_n3A_397 = arith.select %eq3A_395, %jit3A_396, %jit3A_393 : i32
    %rem3A_398 = arith.remsi %add3A_392, %select_n3A_397 : i32
    %ne3A_399 = arith.constant 0 : i32
    %ne3A_400 = arith.cmpi ne, %rem3A_398, %ne3A_399 : i32
    %lt3A_401 = arith.constant 0 : i32
    %lt3A_402 = arith.cmpi slt, %rem3A_398, %lt3A_401 : i32
    %lt3A_403 = arith.constant 0 : i32
    %lt3A_404 = arith.cmpi slt, %select_n3A_397, %lt3A_403 : i32
    %ne3A_405 = arith.xori %lt3A_402, %lt3A_404 : i1
    %and3A_406 = arith.andi %ne3A_405, %ne3A_400 : i1
    %add3A_407 = arith.addi %rem3A_398, %select_n3A_397 : i32
    %select_n3A_408 = arith.select %and3A_406, %add3A_407, %rem3A_398 : i32
    %mul3A_409 = arith.constant 512 : i32
    %mul3A_410 = arith.muli %select_n3A_408, %mul3A_409 : i32
    %dma_start3A_411 = arith.constant 7168 : i32
    %dma_start3A_412 = tpu.memref_slice %arg9[%dma_start3A_411] : memref<16384xi32, #tpu.memory_space<vmem>> -> memref<512xi32, #tpu.memory_space<vmem>>
    %dma_start3A_413 = tpu.memref_slice %arg3[%mul3A_410] : memref<16384xi32, #tpu.memory_space<hbm>> -> memref<512xi32, #tpu.memory_space<hbm>>
    %dma_start3A_414 = arith.constant 7168 : i32
    %dma_start3A_415 = tpu.memref_slice %arg9[%dma_start3A_414] : memref<16384xi32, #tpu.memory_space<vmem>> -> memref<512xi32, #tpu.memory_space<vmem>>
    %dma_start3A_416 = tpu.memref_slice %arg3[%mul3A_410] : memref<16384xi32, #tpu.memory_space<hbm>> -> memref<512xi32, #tpu.memory_space<hbm>>
    tpu.enqueue_dma source(%dma_start3A_416 : memref<512xi32, #tpu.memory_space<hbm>>) target(%dma_start3A_415 : memref<512xi32, #tpu.memory_space<vmem>>) target_semaphore(%arg14 : memref<!tpu.dma_semaphore, #tpu.memory_space<semaphore_mem>>)
    %add3A_417 = arith.constant 15 : i32
    %add3A_418 = arith.addi %add3A, %add3A_417 : i32
    %jit3A_419 = arith.constant 32 : i32
    %eq3A_420 = arith.constant 0 : i32
    %eq3A_421 = arith.cmpi eq, %jit3A_419, %eq3A_420 : i32
    %jit3A_422 = arith.constant 1 : i32
    %select_n3A_423 = arith.select %eq3A_421, %jit3A_422, %jit3A_419 : i32
    %rem3A_424 = arith.remsi %add3A_418, %select_n3A_423 : i32
    %ne3A_425 = arith.constant 0 : i32
    %ne3A_426 = arith.cmpi ne, %rem3A_424, %ne3A_425 : i32
    %lt3A_427 = arith.constant 0 : i32
    %lt3A_428 = arith.cmpi slt, %rem3A_424, %lt3A_427 : i32
    %lt3A_429 = arith.constant 0 : i32
    %lt3A_430 = arith.cmpi slt, %select_n3A_423, %lt3A_429 : i32
    %ne3A_431 = arith.xori %lt3A_428, %lt3A_430 : i1
    %and3A_432 = arith.andi %ne3A_431, %ne3A_426 : i1
    %add3A_433 = arith.addi %rem3A_424, %select_n3A_423 : i32
    %select_n3A_434 = arith.select %and3A_432, %add3A_433, %rem3A_424 : i32
    %mul3A_435 = arith.constant 512 : i32
    %mul3A_436 = arith.muli %select_n3A_434, %mul3A_435 : i32
    %dma_start3A_437 = arith.constant 7680 : i32
    %dma_start3A_438 = tpu.memref_slice %arg9[%dma_start3A_437] : memref<16384xi32, #tpu.memory_space<vmem>> -> memref<512xi32, #tpu.memory_space<vmem>>
    %dma_start3A_439 = tpu.memref_slice %arg3[%mul3A_436] : memref<16384xi32, #tpu.memory_space<hbm>> -> memref<512xi32, #tpu.memory_space<hbm>>
    %dma_start3A_440 = arith.constant 7680 : i32
    %dma_start3A_441 = tpu.memref_slice %arg9[%dma_start3A_440] : memref<16384xi32, #tpu.memory_space<vmem>> -> memref<512xi32, #tpu.memory_space<vmem>>
    %dma_start3A_442 = tpu.memref_slice %arg3[%mul3A_436] : memref<16384xi32, #tpu.memory_space<hbm>> -> memref<512xi32, #tpu.memory_space<hbm>>
    tpu.enqueue_dma source(%dma_start3A_442 : memref<512xi32, #tpu.memory_space<hbm>>) target(%dma_start3A_441 : memref<512xi32, #tpu.memory_space<vmem>>) target_semaphore(%arg14 : memref<!tpu.dma_semaphore, #tpu.memory_space<semaphore_mem>>)
    %add3A_443 = arith.constant 16 : i32
    %add3A_444 = arith.addi %add3A, %add3A_443 : i32
    %jit3A_445 = arith.constant 32 : i32
    %eq3A_446 = arith.constant 0 : i32
    %eq3A_447 = arith.cmpi eq, %jit3A_445, %eq3A_446 : i32
    %jit3A_448 = arith.constant 1 : i32
    %select_n3A_449 = arith.select %eq3A_447, %jit3A_448, %jit3A_445 : i32
    %rem3A_450 = arith.remsi %add3A_444, %select_n3A_449 : i32
    %ne3A_451 = arith.constant 0 : i32
    %ne3A_452 = arith.cmpi ne, %rem3A_450, %ne3A_451 : i32
    %lt3A_453 = arith.constant 0 : i32
    %lt3A_454 = arith.cmpi slt, %rem3A_450, %lt3A_453 : i32
    %lt3A_455 = arith.constant 0 : i32
    %lt3A_456 = arith.cmpi slt, %select_n3A_449, %lt3A_455 : i32
    %ne3A_457 = arith.xori %lt3A_454, %lt3A_456 : i1
    %and3A_458 = arith.andi %ne3A_457, %ne3A_452 : i1
    %add3A_459 = arith.addi %rem3A_450, %select_n3A_449 : i32
    %select_n3A_460 = arith.select %and3A_458, %add3A_459, %rem3A_450 : i32
    %mul3A_461 = arith.constant 512 : i32
    %mul3A_462 = arith.muli %select_n3A_460, %mul3A_461 : i32
    %dma_start3A_463 = arith.constant 8192 : i32
    %dma_start3A_464 = tpu.memref_slice %arg9[%dma_start3A_463] : memref<16384xi32, #tpu.memory_space<vmem>> -> memref<512xi32, #tpu.memory_space<vmem>>
    %dma_start3A_465 = tpu.memref_slice %arg3[%mul3A_462] : memref<16384xi32, #tpu.memory_space<hbm>> -> memref<512xi32, #tpu.memory_space<hbm>>
    %dma_start3A_466 = arith.constant 8192 : i32
    %dma_start3A_467 = tpu.memref_slice %arg9[%dma_start3A_466] : memref<16384xi32, #tpu.memory_space<vmem>> -> memref<512xi32, #tpu.memory_space<vmem>>
    %dma_start3A_468 = tpu.memref_slice %arg3[%mul3A_462] : memref<16384xi32, #tpu.memory_space<hbm>> -> memref<512xi32, #tpu.memory_space<hbm>>
    tpu.enqueue_dma source(%dma_start3A_468 : memref<512xi32, #tpu.memory_space<hbm>>) target(%dma_start3A_467 : memref<512xi32, #tpu.memory_space<vmem>>) target_semaphore(%arg14 : memref<!tpu.dma_semaphore, #tpu.memory_space<semaphore_mem>>)
    %add3A_469 = arith.constant 17 : i32
    %add3A_470 = arith.addi %add3A, %add3A_469 : i32
    %jit3A_471 = arith.constant 32 : i32
    %eq3A_472 = arith.constant 0 : i32
    %eq3A_473 = arith.cmpi eq, %jit3A_471, %eq3A_472 : i32
    %jit3A_474 = arith.constant 1 : i32
    %select_n3A_475 = arith.select %eq3A_473, %jit3A_474, %jit3A_471 : i32
    %rem3A_476 = arith.remsi %add3A_470, %select_n3A_475 : i32
    %ne3A_477 = arith.constant 0 : i32
    %ne3A_478 = arith.cmpi ne, %rem3A_476, %ne3A_477 : i32
    %lt3A_479 = arith.constant 0 : i32
    %lt3A_480 = arith.cmpi slt, %rem3A_476, %lt3A_479 : i32
    %lt3A_481 = arith.constant 0 : i32
    %lt3A_482 = arith.cmpi slt, %select_n3A_475, %lt3A_481 : i32
    %ne3A_483 = arith.xori %lt3A_480, %lt3A_482 : i1
    %and3A_484 = arith.andi %ne3A_483, %ne3A_478 : i1
    %add3A_485 = arith.addi %rem3A_476, %select_n3A_475 : i32
    %select_n3A_486 = arith.select %and3A_484, %add3A_485, %rem3A_476 : i32
    %mul3A_487 = arith.constant 512 : i32
    %mul3A_488 = arith.muli %select_n3A_486, %mul3A_487 : i32
    %dma_start3A_489 = arith.constant 8704 : i32
    %dma_start3A_490 = tpu.memref_slice %arg9[%dma_start3A_489] : memref<16384xi32, #tpu.memory_space<vmem>> -> memref<512xi32, #tpu.memory_space<vmem>>
    %dma_start3A_491 = tpu.memref_slice %arg3[%mul3A_488] : memref<16384xi32, #tpu.memory_space<hbm>> -> memref<512xi32, #tpu.memory_space<hbm>>
    %dma_start3A_492 = arith.constant 8704 : i32
    %dma_start3A_493 = tpu.memref_slice %arg9[%dma_start3A_492] : memref<16384xi32, #tpu.memory_space<vmem>> -> memref<512xi32, #tpu.memory_space<vmem>>
    %dma_start3A_494 = tpu.memref_slice %arg3[%mul3A_488] : memref<16384xi32, #tpu.memory_space<hbm>> -> memref<512xi32, #tpu.memory_space<hbm>>
    tpu.enqueue_dma source(%dma_start3A_494 : memref<512xi32, #tpu.memory_space<hbm>>) target(%dma_start3A_493 : memref<512xi32, #tpu.memory_space<vmem>>) target_semaphore(%arg14 : memref<!tpu.dma_semaphore, #tpu.memory_space<semaphore_mem>>)
    %add3A_495 = arith.constant 18 : i32
    %add3A_496 = arith.addi %add3A, %add3A_495 : i32
    %jit3A_497 = arith.constant 32 : i32
    %eq3A_498 = arith.constant 0 : i32
    %eq3A_499 = arith.cmpi eq, %jit3A_497, %eq3A_498 : i32
    %jit3A_500 = arith.constant 1 : i32
    %select_n3A_501 = arith.select %eq3A_499, %jit3A_500, %jit3A_497 : i32
    %rem3A_502 = arith.remsi %add3A_496, %select_n3A_501 : i32
    %ne3A_503 = arith.constant 0 : i32
    %ne3A_504 = arith.cmpi ne, %rem3A_502, %ne3A_503 : i32
    %lt3A_505 = arith.constant 0 : i32
    %lt3A_506 = arith.cmpi slt, %rem3A_502, %lt3A_505 : i32
    %lt3A_507 = arith.constant 0 : i32
    %lt3A_508 = arith.cmpi slt, %select_n3A_501, %lt3A_507 : i32
    %ne3A_509 = arith.xori %lt3A_506, %lt3A_508 : i1
    %and3A_510 = arith.andi %ne3A_509, %ne3A_504 : i1
    %add3A_511 = arith.addi %rem3A_502, %select_n3A_501 : i32
    %select_n3A_512 = arith.select %and3A_510, %add3A_511, %rem3A_502 : i32
    %mul3A_513 = arith.constant 512 : i32
    %mul3A_514 = arith.muli %select_n3A_512, %mul3A_513 : i32
    %dma_start3A_515 = arith.constant 9216 : i32
    %dma_start3A_516 = tpu.memref_slice %arg9[%dma_start3A_515] : memref<16384xi32, #tpu.memory_space<vmem>> -> memref<512xi32, #tpu.memory_space<vmem>>
    %dma_start3A_517 = tpu.memref_slice %arg3[%mul3A_514] : memref<16384xi32, #tpu.memory_space<hbm>> -> memref<512xi32, #tpu.memory_space<hbm>>
    %dma_start3A_518 = arith.constant 9216 : i32
    %dma_start3A_519 = tpu.memref_slice %arg9[%dma_start3A_518] : memref<16384xi32, #tpu.memory_space<vmem>> -> memref<512xi32, #tpu.memory_space<vmem>>
    %dma_start3A_520 = tpu.memref_slice %arg3[%mul3A_514] : memref<16384xi32, #tpu.memory_space<hbm>> -> memref<512xi32, #tpu.memory_space<hbm>>
    tpu.enqueue_dma source(%dma_start3A_520 : memref<512xi32, #tpu.memory_space<hbm>>) target(%dma_start3A_519 : memref<512xi32, #tpu.memory_space<vmem>>) target_semaphore(%arg14 : memref<!tpu.dma_semaphore, #tpu.memory_space<semaphore_mem>>)
    %add3A_521 = arith.constant 19 : i32
    %add3A_522 = arith.addi %add3A, %add3A_521 : i32
    %jit3A_523 = arith.constant 32 : i32
    %eq3A_524 = arith.constant 0 : i32
    %eq3A_525 = arith.cmpi eq, %jit3A_523, %eq3A_524 : i32
    %jit3A_526 = arith.constant 1 : i32
    %select_n3A_527 = arith.select %eq3A_525, %jit3A_526, %jit3A_523 : i32
    %rem3A_528 = arith.remsi %add3A_522, %select_n3A_527 : i32
    %ne3A_529 = arith.constant 0 : i32
    %ne3A_530 = arith.cmpi ne, %rem3A_528, %ne3A_529 : i32
    %lt3A_531 = arith.constant 0 : i32
    %lt3A_532 = arith.cmpi slt, %rem3A_528, %lt3A_531 : i32
    %lt3A_533 = arith.constant 0 : i32
    %lt3A_534 = arith.cmpi slt, %select_n3A_527, %lt3A_533 : i32
    %ne3A_535 = arith.xori %lt3A_532, %lt3A_534 : i1
    %and3A_536 = arith.andi %ne3A_535, %ne3A_530 : i1
    %add3A_537 = arith.addi %rem3A_528, %select_n3A_527 : i32
    %select_n3A_538 = arith.select %and3A_536, %add3A_537, %rem3A_528 : i32
    %mul3A_539 = arith.constant 512 : i32
    %mul3A_540 = arith.muli %select_n3A_538, %mul3A_539 : i32
    %dma_start3A_541 = arith.constant 9728 : i32
    %dma_start3A_542 = tpu.memref_slice %arg9[%dma_start3A_541] : memref<16384xi32, #tpu.memory_space<vmem>> -> memref<512xi32, #tpu.memory_space<vmem>>
    %dma_start3A_543 = tpu.memref_slice %arg3[%mul3A_540] : memref<16384xi32, #tpu.memory_space<hbm>> -> memref<512xi32, #tpu.memory_space<hbm>>
    %dma_start3A_544 = arith.constant 9728 : i32
    %dma_start3A_545 = tpu.memref_slice %arg9[%dma_start3A_544] : memref<16384xi32, #tpu.memory_space<vmem>> -> memref<512xi32, #tpu.memory_space<vmem>>
    %dma_start3A_546 = tpu.memref_slice %arg3[%mul3A_540] : memref<16384xi32, #tpu.memory_space<hbm>> -> memref<512xi32, #tpu.memory_space<hbm>>
    tpu.enqueue_dma source(%dma_start3A_546 : memref<512xi32, #tpu.memory_space<hbm>>) target(%dma_start3A_545 : memref<512xi32, #tpu.memory_space<vmem>>) target_semaphore(%arg14 : memref<!tpu.dma_semaphore, #tpu.memory_space<semaphore_mem>>)
    %add3A_547 = arith.constant 20 : i32
    %add3A_548 = arith.addi %add3A, %add3A_547 : i32
    %jit3A_549 = arith.constant 32 : i32
    %eq3A_550 = arith.constant 0 : i32
    %eq3A_551 = arith.cmpi eq, %jit3A_549, %eq3A_550 : i32
    %jit3A_552 = arith.constant 1 : i32
    %select_n3A_553 = arith.select %eq3A_551, %jit3A_552, %jit3A_549 : i32
    %rem3A_554 = arith.remsi %add3A_548, %select_n3A_553 : i32
    %ne3A_555 = arith.constant 0 : i32
    %ne3A_556 = arith.cmpi ne, %rem3A_554, %ne3A_555 : i32
    %lt3A_557 = arith.constant 0 : i32
    %lt3A_558 = arith.cmpi slt, %rem3A_554, %lt3A_557 : i32
    %lt3A_559 = arith.constant 0 : i32
    %lt3A_560 = arith.cmpi slt, %select_n3A_553, %lt3A_559 : i32
    %ne3A_561 = arith.xori %lt3A_558, %lt3A_560 : i1
    %and3A_562 = arith.andi %ne3A_561, %ne3A_556 : i1
    %add3A_563 = arith.addi %rem3A_554, %select_n3A_553 : i32
    %select_n3A_564 = arith.select %and3A_562, %add3A_563, %rem3A_554 : i32
    %mul3A_565 = arith.constant 512 : i32
    %mul3A_566 = arith.muli %select_n3A_564, %mul3A_565 : i32
    %dma_start3A_567 = arith.constant 10240 : i32
    %dma_start3A_568 = tpu.memref_slice %arg9[%dma_start3A_567] : memref<16384xi32, #tpu.memory_space<vmem>> -> memref<512xi32, #tpu.memory_space<vmem>>
    %dma_start3A_569 = tpu.memref_slice %arg3[%mul3A_566] : memref<16384xi32, #tpu.memory_space<hbm>> -> memref<512xi32, #tpu.memory_space<hbm>>
    %dma_start3A_570 = arith.constant 10240 : i32
    %dma_start3A_571 = tpu.memref_slice %arg9[%dma_start3A_570] : memref<16384xi32, #tpu.memory_space<vmem>> -> memref<512xi32, #tpu.memory_space<vmem>>
    %dma_start3A_572 = tpu.memref_slice %arg3[%mul3A_566] : memref<16384xi32, #tpu.memory_space<hbm>> -> memref<512xi32, #tpu.memory_space<hbm>>
    tpu.enqueue_dma source(%dma_start3A_572 : memref<512xi32, #tpu.memory_space<hbm>>) target(%dma_start3A_571 : memref<512xi32, #tpu.memory_space<vmem>>) target_semaphore(%arg14 : memref<!tpu.dma_semaphore, #tpu.memory_space<semaphore_mem>>)
    %add3A_573 = arith.constant 21 : i32
    %add3A_574 = arith.addi %add3A, %add3A_573 : i32
    %jit3A_575 = arith.constant 32 : i32
    %eq3A_576 = arith.constant 0 : i32
    %eq3A_577 = arith.cmpi eq, %jit3A_575, %eq3A_576 : i32
    %jit3A_578 = arith.constant 1 : i32
    %select_n3A_579 = arith.select %eq3A_577, %jit3A_578, %jit3A_575 : i32
    %rem3A_580 = arith.remsi %add3A_574, %select_n3A_579 : i32
    %ne3A_581 = arith.constant 0 : i32
    %ne3A_582 = arith.cmpi ne, %rem3A_580, %ne3A_581 : i32
    %lt3A_583 = arith.constant 0 : i32
    %lt3A_584 = arith.cmpi slt, %rem3A_580, %lt3A_583 : i32
    %lt3A_585 = arith.constant 0 : i32
    %lt3A_586 = arith.cmpi slt, %select_n3A_579, %lt3A_585 : i32
    %ne3A_587 = arith.xori %lt3A_584, %lt3A_586 : i1
    %and3A_588 = arith.andi %ne3A_587, %ne3A_582 : i1
    %add3A_589 = arith.addi %rem3A_580, %select_n3A_579 : i32
    %select_n3A_590 = arith.select %and3A_588, %add3A_589, %rem3A_580 : i32
    %mul3A_591 = arith.constant 512 : i32
    %mul3A_592 = arith.muli %select_n3A_590, %mul3A_591 : i32
    %dma_start3A_593 = arith.constant 10752 : i32
    %dma_start3A_594 = tpu.memref_slice %arg9[%dma_start3A_593] : memref<16384xi32, #tpu.memory_space<vmem>> -> memref<512xi32, #tpu.memory_space<vmem>>
    %dma_start3A_595 = tpu.memref_slice %arg3[%mul3A_592] : memref<16384xi32, #tpu.memory_space<hbm>> -> memref<512xi32, #tpu.memory_space<hbm>>
    %dma_start3A_596 = arith.constant 10752 : i32
    %dma_start3A_597 = tpu.memref_slice %arg9[%dma_start3A_596] : memref<16384xi32, #tpu.memory_space<vmem>> -> memref<512xi32, #tpu.memory_space<vmem>>
    %dma_start3A_598 = tpu.memref_slice %arg3[%mul3A_592] : memref<16384xi32, #tpu.memory_space<hbm>> -> memref<512xi32, #tpu.memory_space<hbm>>
    tpu.enqueue_dma source(%dma_start3A_598 : memref<512xi32, #tpu.memory_space<hbm>>) target(%dma_start3A_597 : memref<512xi32, #tpu.memory_space<vmem>>) target_semaphore(%arg14 : memref<!tpu.dma_semaphore, #tpu.memory_space<semaphore_mem>>)
    %add3A_599 = arith.constant 22 : i32
    %add3A_600 = arith.addi %add3A, %add3A_599 : i32
    %jit3A_601 = arith.constant 32 : i32
    %eq3A_602 = arith.constant 0 : i32
    %eq3A_603 = arith.cmpi eq, %jit3A_601, %eq3A_602 : i32
    %jit3A_604 = arith.constant 1 : i32
    %select_n3A_605 = arith.select %eq3A_603, %jit3A_604, %jit3A_601 : i32
    %rem3A_606 = arith.remsi %add3A_600, %select_n3A_605 : i32
    %ne3A_607 = arith.constant 0 : i32
    %ne3A_608 = arith.cmpi ne, %rem3A_606, %ne3A_607 : i32
    %lt3A_609 = arith.constant 0 : i32
    %lt3A_610 = arith.cmpi slt, %rem3A_606, %lt3A_609 : i32
    %lt3A_611 = arith.constant 0 : i32
    %lt3A_612 = arith.cmpi slt, %select_n3A_605, %lt3A_611 : i32
    %ne3A_613 = arith.xori %lt3A_610, %lt3A_612 : i1
    %and3A_614 = arith.andi %ne3A_613, %ne3A_608 : i1
    %add3A_615 = arith.addi %rem3A_606, %select_n3A_605 : i32
    %select_n3A_616 = arith.select %and3A_614, %add3A_615, %rem3A_606 : i32
    %mul3A_617 = arith.constant 512 : i32
    %mul3A_618 = arith.muli %select_n3A_616, %mul3A_617 : i32
    %dma_start3A_619 = arith.constant 11264 : i32
    %dma_start3A_620 = tpu.memref_slice %arg9[%dma_start3A_619] : memref<16384xi32, #tpu.memory_space<vmem>> -> memref<512xi32, #tpu.memory_space<vmem>>
    %dma_start3A_621 = tpu.memref_slice %arg3[%mul3A_618] : memref<16384xi32, #tpu.memory_space<hbm>> -> memref<512xi32, #tpu.memory_space<hbm>>
    %dma_start3A_622 = arith.constant 11264 : i32
    %dma_start3A_623 = tpu.memref_slice %arg9[%dma_start3A_622] : memref<16384xi32, #tpu.memory_space<vmem>> -> memref<512xi32, #tpu.memory_space<vmem>>
    %dma_start3A_624 = tpu.memref_slice %arg3[%mul3A_618] : memref<16384xi32, #tpu.memory_space<hbm>> -> memref<512xi32, #tpu.memory_space<hbm>>
    tpu.enqueue_dma source(%dma_start3A_624 : memref<512xi32, #tpu.memory_space<hbm>>) target(%dma_start3A_623 : memref<512xi32, #tpu.memory_space<vmem>>) target_semaphore(%arg14 : memref<!tpu.dma_semaphore, #tpu.memory_space<semaphore_mem>>)
    %add3A_625 = arith.constant 23 : i32
    %add3A_626 = arith.addi %add3A, %add3A_625 : i32
    %jit3A_627 = arith.constant 32 : i32
    %eq3A_628 = arith.constant 0 : i32
    %eq3A_629 = arith.cmpi eq, %jit3A_627, %eq3A_628 : i32
    %jit3A_630 = arith.constant 1 : i32
    %select_n3A_631 = arith.select %eq3A_629, %jit3A_630, %jit3A_627 : i32
    %rem3A_632 = arith.remsi %add3A_626, %select_n3A_631 : i32
    %ne3A_633 = arith.constant 0 : i32
    %ne3A_634 = arith.cmpi ne, %rem3A_632, %ne3A_633 : i32
    %lt3A_635 = arith.constant 0 : i32
    %lt3A_636 = arith.cmpi slt, %rem3A_632, %lt3A_635 : i32
    %lt3A_637 = arith.constant 0 : i32
    %lt3A_638 = arith.cmpi slt, %select_n3A_631, %lt3A_637 : i32
    %ne3A_639 = arith.xori %lt3A_636, %lt3A_638 : i1
    %and3A_640 = arith.andi %ne3A_639, %ne3A_634 : i1
    %add3A_641 = arith.addi %rem3A_632, %select_n3A_631 : i32
    %select_n3A_642 = arith.select %and3A_640, %add3A_641, %rem3A_632 : i32
    %mul3A_643 = arith.constant 512 : i32
    %mul3A_644 = arith.muli %select_n3A_642, %mul3A_643 : i32
    %dma_start3A_645 = arith.constant 11776 : i32
    %dma_start3A_646 = tpu.memref_slice %arg9[%dma_start3A_645] : memref<16384xi32, #tpu.memory_space<vmem>> -> memref<512xi32, #tpu.memory_space<vmem>>
    %dma_start3A_647 = tpu.memref_slice %arg3[%mul3A_644] : memref<16384xi32, #tpu.memory_space<hbm>> -> memref<512xi32, #tpu.memory_space<hbm>>
    %dma_start3A_648 = arith.constant 11776 : i32
    %dma_start3A_649 = tpu.memref_slice %arg9[%dma_start3A_648] : memref<16384xi32, #tpu.memory_space<vmem>> -> memref<512xi32, #tpu.memory_space<vmem>>
    %dma_start3A_650 = tpu.memref_slice %arg3[%mul3A_644] : memref<16384xi32, #tpu.memory_space<hbm>> -> memref<512xi32, #tpu.memory_space<hbm>>
    tpu.enqueue_dma source(%dma_start3A_650 : memref<512xi32, #tpu.memory_space<hbm>>) target(%dma_start3A_649 : memref<512xi32, #tpu.memory_space<vmem>>) target_semaphore(%arg14 : memref<!tpu.dma_semaphore, #tpu.memory_space<semaphore_mem>>)
    %add3A_651 = arith.constant 24 : i32
    %add3A_652 = arith.addi %add3A, %add3A_651 : i32
    %jit3A_653 = arith.constant 32 : i32
    %eq3A_654 = arith.constant 0 : i32
    %eq3A_655 = arith.cmpi eq, %jit3A_653, %eq3A_654 : i32
    %jit3A_656 = arith.constant 1 : i32
    %select_n3A_657 = arith.select %eq3A_655, %jit3A_656, %jit3A_653 : i32
    %rem3A_658 = arith.remsi %add3A_652, %select_n3A_657 : i32
    %ne3A_659 = arith.constant 0 : i32
    %ne3A_660 = arith.cmpi ne, %rem3A_658, %ne3A_659 : i32
    %lt3A_661 = arith.constant 0 : i32
    %lt3A_662 = arith.cmpi slt, %rem3A_658, %lt3A_661 : i32
    %lt3A_663 = arith.constant 0 : i32
    %lt3A_664 = arith.cmpi slt, %select_n3A_657, %lt3A_663 : i32
    %ne3A_665 = arith.xori %lt3A_662, %lt3A_664 : i1
    %and3A_666 = arith.andi %ne3A_665, %ne3A_660 : i1
    %add3A_667 = arith.addi %rem3A_658, %select_n3A_657 : i32
    %select_n3A_668 = arith.select %and3A_666, %add3A_667, %rem3A_658 : i32
    %mul3A_669 = arith.constant 512 : i32
    %mul3A_670 = arith.muli %select_n3A_668, %mul3A_669 : i32
    %dma_start3A_671 = arith.constant 12288 : i32
    %dma_start3A_672 = tpu.memref_slice %arg9[%dma_start3A_671] : memref<16384xi32, #tpu.memory_space<vmem>> -> memref<512xi32, #tpu.memory_space<vmem>>
    %dma_start3A_673 = tpu.memref_slice %arg3[%mul3A_670] : memref<16384xi32, #tpu.memory_space<hbm>> -> memref<512xi32, #tpu.memory_space<hbm>>
    %dma_start3A_674 = arith.constant 12288 : i32
    %dma_start3A_675 = tpu.memref_slice %arg9[%dma_start3A_674] : memref<16384xi32, #tpu.memory_space<vmem>> -> memref<512xi32, #tpu.memory_space<vmem>>
    %dma_start3A_676 = tpu.memref_slice %arg3[%mul3A_670] : memref<16384xi32, #tpu.memory_space<hbm>> -> memref<512xi32, #tpu.memory_space<hbm>>
    tpu.enqueue_dma source(%dma_start3A_676 : memref<512xi32, #tpu.memory_space<hbm>>) target(%dma_start3A_675 : memref<512xi32, #tpu.memory_space<vmem>>) target_semaphore(%arg14 : memref<!tpu.dma_semaphore, #tpu.memory_space<semaphore_mem>>)
    %add3A_677 = arith.constant 25 : i32
    %add3A_678 = arith.addi %add3A, %add3A_677 : i32
    %jit3A_679 = arith.constant 32 : i32
    %eq3A_680 = arith.constant 0 : i32
    %eq3A_681 = arith.cmpi eq, %jit3A_679, %eq3A_680 : i32
    %jit3A_682 = arith.constant 1 : i32
    %select_n3A_683 = arith.select %eq3A_681, %jit3A_682, %jit3A_679 : i32
    %rem3A_684 = arith.remsi %add3A_678, %select_n3A_683 : i32
    %ne3A_685 = arith.constant 0 : i32
    %ne3A_686 = arith.cmpi ne, %rem3A_684, %ne3A_685 : i32
    %lt3A_687 = arith.constant 0 : i32
    %lt3A_688 = arith.cmpi slt, %rem3A_684, %lt3A_687 : i32
    %lt3A_689 = arith.constant 0 : i32
    %lt3A_690 = arith.cmpi slt, %select_n3A_683, %lt3A_689 : i32
    %ne3A_691 = arith.xori %lt3A_688, %lt3A_690 : i1
    %and3A_692 = arith.andi %ne3A_691, %ne3A_686 : i1
    %add3A_693 = arith.addi %rem3A_684, %select_n3A_683 : i32
    %select_n3A_694 = arith.select %and3A_692, %add3A_693, %rem3A_684 : i32
    %mul3A_695 = arith.constant 512 : i32
    %mul3A_696 = arith.muli %select_n3A_694, %mul3A_695 : i32
    %dma_start3A_697 = arith.constant 12800 : i32
    %dma_start3A_698 = tpu.memref_slice %arg9[%dma_start3A_697] : memref<16384xi32, #tpu.memory_space<vmem>> -> memref<512xi32, #tpu.memory_space<vmem>>
    %dma_start3A_699 = tpu.memref_slice %arg3[%mul3A_696] : memref<16384xi32, #tpu.memory_space<hbm>> -> memref<512xi32, #tpu.memory_space<hbm>>
    %dma_start3A_700 = arith.constant 12800 : i32
    %dma_start3A_701 = tpu.memref_slice %arg9[%dma_start3A_700] : memref<16384xi32, #tpu.memory_space<vmem>> -> memref<512xi32, #tpu.memory_space<vmem>>
    %dma_start3A_702 = tpu.memref_slice %arg3[%mul3A_696] : memref<16384xi32, #tpu.memory_space<hbm>> -> memref<512xi32, #tpu.memory_space<hbm>>
    tpu.enqueue_dma source(%dma_start3A_702 : memref<512xi32, #tpu.memory_space<hbm>>) target(%dma_start3A_701 : memref<512xi32, #tpu.memory_space<vmem>>) target_semaphore(%arg14 : memref<!tpu.dma_semaphore, #tpu.memory_space<semaphore_mem>>)
    %add3A_703 = arith.constant 26 : i32
    %add3A_704 = arith.addi %add3A, %add3A_703 : i32
    %jit3A_705 = arith.constant 32 : i32
    %eq3A_706 = arith.constant 0 : i32
    %eq3A_707 = arith.cmpi eq, %jit3A_705, %eq3A_706 : i32
    %jit3A_708 = arith.constant 1 : i32
    %select_n3A_709 = arith.select %eq3A_707, %jit3A_708, %jit3A_705 : i32
    %rem3A_710 = arith.remsi %add3A_704, %select_n3A_709 : i32
    %ne3A_711 = arith.constant 0 : i32
    %ne3A_712 = arith.cmpi ne, %rem3A_710, %ne3A_711 : i32
    %lt3A_713 = arith.constant 0 : i32
    %lt3A_714 = arith.cmpi slt, %rem3A_710, %lt3A_713 : i32
    %lt3A_715 = arith.constant 0 : i32
    %lt3A_716 = arith.cmpi slt, %select_n3A_709, %lt3A_715 : i32
    %ne3A_717 = arith.xori %lt3A_714, %lt3A_716 : i1
    %and3A_718 = arith.andi %ne3A_717, %ne3A_712 : i1
    %add3A_719 = arith.addi %rem3A_710, %select_n3A_709 : i32
    %select_n3A_720 = arith.select %and3A_718, %add3A_719, %rem3A_710 : i32
    %mul3A_721 = arith.constant 512 : i32
    %mul3A_722 = arith.muli %select_n3A_720, %mul3A_721 : i32
    %dma_start3A_723 = arith.constant 13312 : i32
    %dma_start3A_724 = tpu.memref_slice %arg9[%dma_start3A_723] : memref<16384xi32, #tpu.memory_space<vmem>> -> memref<512xi32, #tpu.memory_space<vmem>>
    %dma_start3A_725 = tpu.memref_slice %arg3[%mul3A_722] : memref<16384xi32, #tpu.memory_space<hbm>> -> memref<512xi32, #tpu.memory_space<hbm>>
    %dma_start3A_726 = arith.constant 13312 : i32
    %dma_start3A_727 = tpu.memref_slice %arg9[%dma_start3A_726] : memref<16384xi32, #tpu.memory_space<vmem>> -> memref<512xi32, #tpu.memory_space<vmem>>
    %dma_start3A_728 = tpu.memref_slice %arg3[%mul3A_722] : memref<16384xi32, #tpu.memory_space<hbm>> -> memref<512xi32, #tpu.memory_space<hbm>>
    tpu.enqueue_dma source(%dma_start3A_728 : memref<512xi32, #tpu.memory_space<hbm>>) target(%dma_start3A_727 : memref<512xi32, #tpu.memory_space<vmem>>) target_semaphore(%arg14 : memref<!tpu.dma_semaphore, #tpu.memory_space<semaphore_mem>>)
    %add3A_729 = arith.constant 27 : i32
    %add3A_730 = arith.addi %add3A, %add3A_729 : i32
    %jit3A_731 = arith.constant 32 : i32
    %eq3A_732 = arith.constant 0 : i32
    %eq3A_733 = arith.cmpi eq, %jit3A_731, %eq3A_732 : i32
    %jit3A_734 = arith.constant 1 : i32
    %select_n3A_735 = arith.select %eq3A_733, %jit3A_734, %jit3A_731 : i32
    %rem3A_736 = arith.remsi %add3A_730, %select_n3A_735 : i32
    %ne3A_737 = arith.constant 0 : i32
    %ne3A_738 = arith.cmpi ne, %rem3A_736, %ne3A_737 : i32
    %lt3A_739 = arith.constant 0 : i32
    %lt3A_740 = arith.cmpi slt, %rem3A_736, %lt3A_739 : i32
    %lt3A_741 = arith.constant 0 : i32
    %lt3A_742 = arith.cmpi slt, %select_n3A_735, %lt3A_741 : i32
    %ne3A_743 = arith.xori %lt3A_740, %lt3A_742 : i1
    %and3A_744 = arith.andi %ne3A_743, %ne3A_738 : i1
    %add3A_745 = arith.addi %rem3A_736, %select_n3A_735 : i32
    %select_n3A_746 = arith.select %and3A_744, %add3A_745, %rem3A_736 : i32
    %mul3A_747 = arith.constant 512 : i32
    %mul3A_748 = arith.muli %select_n3A_746, %mul3A_747 : i32
    %dma_start3A_749 = arith.constant 13824 : i32
    %dma_start3A_750 = tpu.memref_slice %arg9[%dma_start3A_749] : memref<16384xi32, #tpu.memory_space<vmem>> -> memref<512xi32, #tpu.memory_space<vmem>>
    %dma_start3A_751 = tpu.memref_slice %arg3[%mul3A_748] : memref<16384xi32, #tpu.memory_space<hbm>> -> memref<512xi32, #tpu.memory_space<hbm>>
    %dma_start3A_752 = arith.constant 13824 : i32
    %dma_start3A_753 = tpu.memref_slice %arg9[%dma_start3A_752] : memref<16384xi32, #tpu.memory_space<vmem>> -> memref<512xi32, #tpu.memory_space<vmem>>
    %dma_start3A_754 = tpu.memref_slice %arg3[%mul3A_748] : memref<16384xi32, #tpu.memory_space<hbm>> -> memref<512xi32, #tpu.memory_space<hbm>>
    tpu.enqueue_dma source(%dma_start3A_754 : memref<512xi32, #tpu.memory_space<hbm>>) target(%dma_start3A_753 : memref<512xi32, #tpu.memory_space<vmem>>) target_semaphore(%arg14 : memref<!tpu.dma_semaphore, #tpu.memory_space<semaphore_mem>>)
    %add3A_755 = arith.constant 28 : i32
    %add3A_756 = arith.addi %add3A, %add3A_755 : i32
    %jit3A_757 = arith.constant 32 : i32
    %eq3A_758 = arith.constant 0 : i32
    %eq3A_759 = arith.cmpi eq, %jit3A_757, %eq3A_758 : i32
    %jit3A_760 = arith.constant 1 : i32
    %select_n3A_761 = arith.select %eq3A_759, %jit3A_760, %jit3A_757 : i32
    %rem3A_762 = arith.remsi %add3A_756, %select_n3A_761 : i32
    %ne3A_763 = arith.constant 0 : i32
    %ne3A_764 = arith.cmpi ne, %rem3A_762, %ne3A_763 : i32
    %lt3A_765 = arith.constant 0 : i32
    %lt3A_766 = arith.cmpi slt, %rem3A_762, %lt3A_765 : i32
    %lt3A_767 = arith.constant 0 : i32
    %lt3A_768 = arith.cmpi slt, %select_n3A_761, %lt3A_767 : i32
    %ne3A_769 = arith.xori %lt3A_766, %lt3A_768 : i1
    %and3A_770 = arith.andi %ne3A_769, %ne3A_764 : i1
    %add3A_771 = arith.addi %rem3A_762, %select_n3A_761 : i32
    %select_n3A_772 = arith.select %and3A_770, %add3A_771, %rem3A_762 : i32
    %mul3A_773 = arith.constant 512 : i32
    %mul3A_774 = arith.muli %select_n3A_772, %mul3A_773 : i32
    %dma_start3A_775 = arith.constant 14336 : i32
    %dma_start3A_776 = tpu.memref_slice %arg9[%dma_start3A_775] : memref<16384xi32, #tpu.memory_space<vmem>> -> memref<512xi32, #tpu.memory_space<vmem>>
    %dma_start3A_777 = tpu.memref_slice %arg3[%mul3A_774] : memref<16384xi32, #tpu.memory_space<hbm>> -> memref<512xi32, #tpu.memory_space<hbm>>
    %dma_start3A_778 = arith.constant 14336 : i32
    %dma_start3A_779 = tpu.memref_slice %arg9[%dma_start3A_778] : memref<16384xi32, #tpu.memory_space<vmem>> -> memref<512xi32, #tpu.memory_space<vmem>>
    %dma_start3A_780 = tpu.memref_slice %arg3[%mul3A_774] : memref<16384xi32, #tpu.memory_space<hbm>> -> memref<512xi32, #tpu.memory_space<hbm>>
    tpu.enqueue_dma source(%dma_start3A_780 : memref<512xi32, #tpu.memory_space<hbm>>) target(%dma_start3A_779 : memref<512xi32, #tpu.memory_space<vmem>>) target_semaphore(%arg14 : memref<!tpu.dma_semaphore, #tpu.memory_space<semaphore_mem>>)
    %add3A_781 = arith.constant 29 : i32
    %add3A_782 = arith.addi %add3A, %add3A_781 : i32
    %jit3A_783 = arith.constant 32 : i32
    %eq3A_784 = arith.constant 0 : i32
    %eq3A_785 = arith.cmpi eq, %jit3A_783, %eq3A_784 : i32
    %jit3A_786 = arith.constant 1 : i32
    %select_n3A_787 = arith.select %eq3A_785, %jit3A_786, %jit3A_783 : i32
    %rem3A_788 = arith.remsi %add3A_782, %select_n3A_787 : i32
    %ne3A_789 = arith.constant 0 : i32
    %ne3A_790 = arith.cmpi ne, %rem3A_788, %ne3A_789 : i32
    %lt3A_791 = arith.constant 0 : i32
    %lt3A_792 = arith.cmpi slt, %rem3A_788, %lt3A_791 : i32
    %lt3A_793 = arith.constant 0 : i32
    %lt3A_794 = arith.cmpi slt, %select_n3A_787, %lt3A_793 : i32
    %ne3A_795 = arith.xori %lt3A_792, %lt3A_794 : i1
    %and3A_796 = arith.andi %ne3A_795, %ne3A_790 : i1
    %add3A_797 = arith.addi %rem3A_788, %select_n3A_787 : i32
    %select_n3A_798 = arith.select %and3A_796, %add3A_797, %rem3A_788 : i32
    %mul3A_799 = arith.constant 512 : i32
    %mul3A_800 = arith.muli %select_n3A_798, %mul3A_799 : i32
    %dma_start3A_801 = arith.constant 14848 : i32
    %dma_start3A_802 = tpu.memref_slice %arg9[%dma_start3A_801] : memref<16384xi32, #tpu.memory_space<vmem>> -> memref<512xi32, #tpu.memory_space<vmem>>
    %dma_start3A_803 = tpu.memref_slice %arg3[%mul3A_800] : memref<16384xi32, #tpu.memory_space<hbm>> -> memref<512xi32, #tpu.memory_space<hbm>>
    %dma_start3A_804 = arith.constant 14848 : i32
    %dma_start3A_805 = tpu.memref_slice %arg9[%dma_start3A_804] : memref<16384xi32, #tpu.memory_space<vmem>> -> memref<512xi32, #tpu.memory_space<vmem>>
    %dma_start3A_806 = tpu.memref_slice %arg3[%mul3A_800] : memref<16384xi32, #tpu.memory_space<hbm>> -> memref<512xi32, #tpu.memory_space<hbm>>
    tpu.enqueue_dma source(%dma_start3A_806 : memref<512xi32, #tpu.memory_space<hbm>>) target(%dma_start3A_805 : memref<512xi32, #tpu.memory_space<vmem>>) target_semaphore(%arg14 : memref<!tpu.dma_semaphore, #tpu.memory_space<semaphore_mem>>)
    %add3A_807 = arith.constant 30 : i32
    %add3A_808 = arith.addi %add3A, %add3A_807 : i32
    %jit3A_809 = arith.constant 32 : i32
    %eq3A_810 = arith.constant 0 : i32
    %eq3A_811 = arith.cmpi eq, %jit3A_809, %eq3A_810 : i32
    %jit3A_812 = arith.constant 1 : i32
    %select_n3A_813 = arith.select %eq3A_811, %jit3A_812, %jit3A_809 : i32
    %rem3A_814 = arith.remsi %add3A_808, %select_n3A_813 : i32
    %ne3A_815 = arith.constant 0 : i32
    %ne3A_816 = arith.cmpi ne, %rem3A_814, %ne3A_815 : i32
    %lt3A_817 = arith.constant 0 : i32
    %lt3A_818 = arith.cmpi slt, %rem3A_814, %lt3A_817 : i32
    %lt3A_819 = arith.constant 0 : i32
    %lt3A_820 = arith.cmpi slt, %select_n3A_813, %lt3A_819 : i32
    %ne3A_821 = arith.xori %lt3A_818, %lt3A_820 : i1
    %and3A_822 = arith.andi %ne3A_821, %ne3A_816 : i1
    %add3A_823 = arith.addi %rem3A_814, %select_n3A_813 : i32
    %select_n3A_824 = arith.select %and3A_822, %add3A_823, %rem3A_814 : i32
    %mul3A_825 = arith.constant 512 : i32
    %mul3A_826 = arith.muli %select_n3A_824, %mul3A_825 : i32
    %dma_start3A_827 = arith.constant 15360 : i32
    %dma_start3A_828 = tpu.memref_slice %arg9[%dma_start3A_827] : memref<16384xi32, #tpu.memory_space<vmem>> -> memref<512xi32, #tpu.memory_space<vmem>>
    %dma_start3A_829 = tpu.memref_slice %arg3[%mul3A_826] : memref<16384xi32, #tpu.memory_space<hbm>> -> memref<512xi32, #tpu.memory_space<hbm>>
    %dma_start3A_830 = arith.constant 15360 : i32
    %dma_start3A_831 = tpu.memref_slice %arg9[%dma_start3A_830] : memref<16384xi32, #tpu.memory_space<vmem>> -> memref<512xi32, #tpu.memory_space<vmem>>
    %dma_start3A_832 = tpu.memref_slice %arg3[%mul3A_826] : memref<16384xi32, #tpu.memory_space<hbm>> -> memref<512xi32, #tpu.memory_space<hbm>>
    tpu.enqueue_dma source(%dma_start3A_832 : memref<512xi32, #tpu.memory_space<hbm>>) target(%dma_start3A_831 : memref<512xi32, #tpu.memory_space<vmem>>) target_semaphore(%arg14 : memref<!tpu.dma_semaphore, #tpu.memory_space<semaphore_mem>>)
    %add3A_833 = arith.constant 31 : i32
    %add3A_834 = arith.addi %add3A, %add3A_833 : i32
    %jit3A_835 = arith.constant 32 : i32
    %eq3A_836 = arith.constant 0 : i32
    %eq3A_837 = arith.cmpi eq, %jit3A_835, %eq3A_836 : i32
    %jit3A_838 = arith.constant 1 : i32
    %select_n3A_839 = arith.select %eq3A_837, %jit3A_838, %jit3A_835 : i32
    %rem3A_840 = arith.remsi %add3A_834, %select_n3A_839 : i32
    %ne3A_841 = arith.constant 0 : i32
    %ne3A_842 = arith.cmpi ne, %rem3A_840, %ne3A_841 : i32
    %lt3A_843 = arith.constant 0 : i32
    %lt3A_844 = arith.cmpi slt, %rem3A_840, %lt3A_843 : i32
    %lt3A_845 = arith.constant 0 : i32
    %lt3A_846 = arith.cmpi slt, %select_n3A_839, %lt3A_845 : i32
    %ne3A_847 = arith.xori %lt3A_844, %lt3A_846 : i1
    %and3A_848 = arith.andi %ne3A_847, %ne3A_842 : i1
    %add3A_849 = arith.addi %rem3A_840, %select_n3A_839 : i32
    %select_n3A_850 = arith.select %and3A_848, %add3A_849, %rem3A_840 : i32
    %mul3A_851 = arith.constant 512 : i32
    %mul3A_852 = arith.muli %select_n3A_850, %mul3A_851 : i32
    %dma_start3A_853 = arith.constant 15872 : i32
    %dma_start3A_854 = tpu.memref_slice %arg9[%dma_start3A_853] : memref<16384xi32, #tpu.memory_space<vmem>> -> memref<512xi32, #tpu.memory_space<vmem>>
    %dma_start3A_855 = tpu.memref_slice %arg3[%mul3A_852] : memref<16384xi32, #tpu.memory_space<hbm>> -> memref<512xi32, #tpu.memory_space<hbm>>
    %dma_start3A_856 = arith.constant 15872 : i32
    %dma_start3A_857 = tpu.memref_slice %arg9[%dma_start3A_856] : memref<16384xi32, #tpu.memory_space<vmem>> -> memref<512xi32, #tpu.memory_space<vmem>>
    %dma_start3A_858 = tpu.memref_slice %arg3[%mul3A_852] : memref<16384xi32, #tpu.memory_space<hbm>> -> memref<512xi32, #tpu.memory_space<hbm>>
    tpu.enqueue_dma source(%dma_start3A_858 : memref<512xi32, #tpu.memory_space<hbm>>) target(%dma_start3A_857 : memref<512xi32, #tpu.memory_space<vmem>>) target_semaphore(%arg14 : memref<!tpu.dma_semaphore, #tpu.memory_space<semaphore_mem>>)
    %mul3A_859 = arith.constant 3128 : i32
    %mul3A_860 = arith.muli %add3A, %mul3A_859 : i32
    %min3A = arith.constant 96872 : i32
    %min3A_861 = arith.minsi %mul3A_860, %min3A : i32
    "tpu.region"() ({
      %run_scoped3A = tpu.sem_alloc : memref<!tpu.dma_semaphore, #tpu.memory_space<semaphore_mem>>
      %dma_start3A_1193 = tpu.memref_slice %arg5[%min3A_861] : memref<100000xf32, #tpu.memory_space<hbm>> -> memref<3128xf32, #tpu.memory_space<hbm>>
      %dma_start3A_1194 = tpu.memref_slice %arg5[%min3A_861] : memref<100000xf32, #tpu.memory_space<hbm>> -> memref<3128xf32, #tpu.memory_space<hbm>>
      tpu.enqueue_dma source(%dma_start3A_1194 : memref<3128xf32, #tpu.memory_space<hbm>>) target(%arg11 : memref<3128xf32, #tpu.memory_space<vmem>>) target_semaphore(%run_scoped3A : memref<!tpu.dma_semaphore, #tpu.memory_space<semaphore_mem>>)
      %dma_wait3A_1195 = tpu.memref_slice %arg5[%min3A_861] : memref<100000xf32, #tpu.memory_space<hbm>> -> memref<3128xf32, #tpu.memory_space<hbm>>
      %dma_wait3A_1196 = tpu.memref_slice %arg5[%min3A_861] : memref<100000xf32, #tpu.memory_space<hbm>> -> memref<3128xf32, #tpu.memory_space<hbm>>
      tpu.wait_dma2 semaphore(%run_scoped3A : memref<!tpu.dma_semaphore, #tpu.memory_space<semaphore_mem>>) src(%dma_wait3A_1196 : memref<3128xf32, #tpu.memory_space<hbm>>) dst(%arg11 : memref<3128xf32, #tpu.memory_space<vmem>>)
      tpu.yield
    }) : () -> ()
    "tpu.region"() ({
      %run_scoped3A = tpu.sem_alloc : memref<!tpu.dma_semaphore, #tpu.memory_space<semaphore_mem>>
      tpu.enqueue_dma source(%arg4 : memref<16xf32, #tpu.memory_space<hbm>>) target(%arg12 : memref<16xf32, #tpu.memory_space<vmem>>) target_semaphore(%run_scoped3A : memref<!tpu.dma_semaphore, #tpu.memory_space<semaphore_mem>>)
      tpu.wait_dma2 semaphore(%run_scoped3A : memref<!tpu.dma_semaphore, #tpu.memory_space<semaphore_mem>>) src(%arg4 : memref<16xf32, #tpu.memory_space<hbm>>) dst(%arg12 : memref<16xf32, #tpu.memory_space<vmem>>)
      tpu.yield
    }) : () -> ()
    %get3A = arith.constant 0 : index
    %get3A_862 = tpu.vector_load %arg12[%get3A] {strides = array<i32>} : memref<16xf32, #tpu.memory_space<vmem>>, vector<16xf32>,
    %dma_wait3A = arith.constant 0 : i32
    %dma_wait3A_863 = tpu.memref_slice %arg9[%dma_wait3A] : memref<16384xi32, #tpu.memory_space<vmem>> -> memref<512xi32, #tpu.memory_space<vmem>>
    %dma_wait3A_864 = tpu.memref_slice %arg3[%mul3A_46] : memref<16384xi32, #tpu.memory_space<hbm>> -> memref<512xi32, #tpu.memory_space<hbm>>
    %dma_wait3A_865 = arith.constant 0 : i32
    %dma_wait3A_866 = tpu.memref_slice %arg9[%dma_wait3A_865] : memref<16384xi32, #tpu.memory_space<vmem>> -> memref<512xi32, #tpu.memory_space<vmem>>
    %dma_wait3A_867 = tpu.memref_slice %arg3[%mul3A_46] : memref<16384xi32, #tpu.memory_space<hbm>> -> memref<512xi32, #tpu.memory_space<hbm>>
    tpu.wait_dma2 semaphore(%arg14 : memref<!tpu.dma_semaphore, #tpu.memory_space<semaphore_mem>>) src(%dma_wait3A_867 : memref<512xi32, #tpu.memory_space<hbm>>) dst(%dma_wait3A_866 : memref<512xi32, #tpu.memory_space<vmem>>)
    %dma_wait3A_868 = arith.constant 512 : i32
    %dma_wait3A_869 = tpu.memref_slice %arg9[%dma_wait3A_868] : memref<16384xi32, #tpu.memory_space<vmem>> -> memref<512xi32, #tpu.memory_space<vmem>>
    %dma_wait3A_870 = tpu.memref_slice %arg3[%mul3A_72] : memref<16384xi32, #tpu.memory_space<hbm>> -> memref<512xi32, #tpu.memory_space<hbm>>
    %dma_wait3A_871 = arith.constant 512 : i32
    %dma_wait3A_872 = tpu.memref_slice %arg9[%dma_wait3A_871] : memref<16384xi32, #tpu.memory_space<vmem>> -> memref<512xi32, #tpu.memory_space<vmem>>
    %dma_wait3A_873 = tpu.memref_slice %arg3[%mul3A_72] : memref<16384xi32, #tpu.memory_space<hbm>> -> memref<512xi32, #tpu.memory_space<hbm>>
    tpu.wait_dma2 semaphore(%arg14 : memref<!tpu.dma_semaphore, #tpu.memory_space<semaphore_mem>>) src(%dma_wait3A_873 : memref<512xi32, #tpu.memory_space<hbm>>) dst(%dma_wait3A_872 : memref<512xi32, #tpu.memory_space<vmem>>)
    %dma_wait3A_874 = arith.constant 1024 : i32
    %dma_wait3A_875 = tpu.memref_slice %arg9[%dma_wait3A_874] : memref<16384xi32, #tpu.memory_space<vmem>> -> memref<512xi32, #tpu.memory_space<vmem>>
    %dma_wait3A_876 = tpu.memref_slice %arg3[%mul3A_98] : memref<16384xi32, #tpu.memory_space<hbm>> -> memref<512xi32, #tpu.memory_space<hbm>>
    %dma_wait3A_877 = arith.constant 1024 : i32
    %dma_wait3A_878 = tpu.memref_slice %arg9[%dma_wait3A_877] : memref<16384xi32, #tpu.memory_space<vmem>> -> memref<512xi32, #tpu.memory_space<vmem>>
    %dma_wait3A_879 = tpu.memref_slice %arg3[%mul3A_98] : memref<16384xi32, #tpu.memory_space<hbm>> -> memref<512xi32, #tpu.memory_space<hbm>>
    tpu.wait_dma2 semaphore(%arg14 : memref<!tpu.dma_semaphore, #tpu.memory_space<semaphore_mem>>) src(%dma_wait3A_879 : memref<512xi32, #tpu.memory_space<hbm>>) dst(%dma_wait3A_878 : memref<512xi32, #tpu.memory_space<vmem>>)
    %dma_wait3A_880 = arith.constant 1536 : i32
    %dma_wait3A_881 = tpu.memref_slice %arg9[%dma_wait3A_880] : memref<16384xi32, #tpu.memory_space<vmem>> -> memref<512xi32, #tpu.memory_space<vmem>>
    %dma_wait3A_882 = tpu.memref_slice %arg3[%mul3A_124] : memref<16384xi32, #tpu.memory_space<hbm>> -> memref<512xi32, #tpu.memory_space<hbm>>
    %dma_wait3A_883 = arith.constant 1536 : i32
    %dma_wait3A_884 = tpu.memref_slice %arg9[%dma_wait3A_883] : memref<16384xi32, #tpu.memory_space<vmem>> -> memref<512xi32, #tpu.memory_space<vmem>>
    %dma_wait3A_885 = tpu.memref_slice %arg3[%mul3A_124] : memref<16384xi32, #tpu.memory_space<hbm>> -> memref<512xi32, #tpu.memory_space<hbm>>
    tpu.wait_dma2 semaphore(%arg14 : memref<!tpu.dma_semaphore, #tpu.memory_space<semaphore_mem>>) src(%dma_wait3A_885 : memref<512xi32, #tpu.memory_space<hbm>>) dst(%dma_wait3A_884 : memref<512xi32, #tpu.memory_space<vmem>>)
    %dma_wait3A_886 = arith.constant 2048 : i32
    %dma_wait3A_887 = tpu.memref_slice %arg9[%dma_wait3A_886] : memref<16384xi32, #tpu.memory_space<vmem>> -> memref<512xi32, #tpu.memory_space<vmem>>
    %dma_wait3A_888 = tpu.memref_slice %arg3[%mul3A_150] : memref<16384xi32, #tpu.memory_space<hbm>> -> memref<512xi32, #tpu.memory_space<hbm>>
    %dma_wait3A_889 = arith.constant 2048 : i32
    %dma_wait3A_890 = tpu.memref_slice %arg9[%dma_wait3A_889] : memref<16384xi32, #tpu.memory_space<vmem>> -> memref<512xi32, #tpu.memory_space<vmem>>
    %dma_wait3A_891 = tpu.memref_slice %arg3[%mul3A_150] : memref<16384xi32, #tpu.memory_space<hbm>> -> memref<512xi32, #tpu.memory_space<hbm>>
    tpu.wait_dma2 semaphore(%arg14 : memref<!tpu.dma_semaphore, #tpu.memory_space<semaphore_mem>>) src(%dma_wait3A_891 : memref<512xi32, #tpu.memory_space<hbm>>) dst(%dma_wait3A_890 : memref<512xi32, #tpu.memory_space<vmem>>)
    %dma_wait3A_892 = arith.constant 2560 : i32
    %dma_wait3A_893 = tpu.memref_slice %arg9[%dma_wait3A_892] : memref<16384xi32, #tpu.memory_space<vmem>> -> memref<512xi32, #tpu.memory_space<vmem>>
    %dma_wait3A_894 = tpu.memref_slice %arg3[%mul3A_176] : memref<16384xi32, #tpu.memory_space<hbm>> -> memref<512xi32, #tpu.memory_space<hbm>>
    %dma_wait3A_895 = arith.constant 2560 : i32
    %dma_wait3A_896 = tpu.memref_slice %arg9[%dma_wait3A_895] : memref<16384xi32, #tpu.memory_space<vmem>> -> memref<512xi32, #tpu.memory_space<vmem>>
    %dma_wait3A_897 = tpu.memref_slice %arg3[%mul3A_176] : memref<16384xi32, #tpu.memory_space<hbm>> -> memref<512xi32, #tpu.memory_space<hbm>>
    tpu.wait_dma2 semaphore(%arg14 : memref<!tpu.dma_semaphore, #tpu.memory_space<semaphore_mem>>) src(%dma_wait3A_897 : memref<512xi32, #tpu.memory_space<hbm>>) dst(%dma_wait3A_896 : memref<512xi32, #tpu.memory_space<vmem>>)
    %dma_wait3A_898 = arith.constant 3072 : i32
    %dma_wait3A_899 = tpu.memref_slice %arg9[%dma_wait3A_898] : memref<16384xi32, #tpu.memory_space<vmem>> -> memref<512xi32, #tpu.memory_space<vmem>>
    %dma_wait3A_900 = tpu.memref_slice %arg3[%mul3A_202] : memref<16384xi32, #tpu.memory_space<hbm>> -> memref<512xi32, #tpu.memory_space<hbm>>
    %dma_wait3A_901 = arith.constant 3072 : i32
    %dma_wait3A_902 = tpu.memref_slice %arg9[%dma_wait3A_901] : memref<16384xi32, #tpu.memory_space<vmem>> -> memref<512xi32, #tpu.memory_space<vmem>>
    %dma_wait3A_903 = tpu.memref_slice %arg3[%mul3A_202] : memref<16384xi32, #tpu.memory_space<hbm>> -> memref<512xi32, #tpu.memory_space<hbm>>
    tpu.wait_dma2 semaphore(%arg14 : memref<!tpu.dma_semaphore, #tpu.memory_space<semaphore_mem>>) src(%dma_wait3A_903 : memref<512xi32, #tpu.memory_space<hbm>>) dst(%dma_wait3A_902 : memref<512xi32, #tpu.memory_space<vmem>>)
    %dma_wait3A_904 = arith.constant 3584 : i32
    %dma_wait3A_905 = tpu.memref_slice %arg9[%dma_wait3A_904] : memref<16384xi32, #tpu.memory_space<vmem>> -> memref<512xi32, #tpu.memory_space<vmem>>
    %dma_wait3A_906 = tpu.memref_slice %arg3[%mul3A_228] : memref<16384xi32, #tpu.memory_space<hbm>> -> memref<512xi32, #tpu.memory_space<hbm>>
    %dma_wait3A_907 = arith.constant 3584 : i32
    %dma_wait3A_908 = tpu.memref_slice %arg9[%dma_wait3A_907] : memref<16384xi32, #tpu.memory_space<vmem>> -> memref<512xi32, #tpu.memory_space<vmem>>
    %dma_wait3A_909 = tpu.memref_slice %arg3[%mul3A_228] : memref<16384xi32, #tpu.memory_space<hbm>> -> memref<512xi32, #tpu.memory_space<hbm>>
    tpu.wait_dma2 semaphore(%arg14 : memref<!tpu.dma_semaphore, #tpu.memory_space<semaphore_mem>>) src(%dma_wait3A_909 : memref<512xi32, #tpu.memory_space<hbm>>) dst(%dma_wait3A_908 : memref<512xi32, #tpu.memory_space<vmem>>)
    %dma_wait3A_910 = arith.constant 4096 : i32
    %dma_wait3A_911 = tpu.memref_slice %arg9[%dma_wait3A_910] : memref<16384xi32, #tpu.memory_space<vmem>> -> memref<512xi32, #tpu.memory_space<vmem>>
    %dma_wait3A_912 = tpu.memref_slice %arg3[%mul3A_254] : memref<16384xi32, #tpu.memory_space<hbm>> -> memref<512xi32, #tpu.memory_space<hbm>>
    %dma_wait3A_913 = arith.constant 4096 : i32
    %dma_wait3A_914 = tpu.memref_slice %arg9[%dma_wait3A_913] : memref<16384xi32, #tpu.memory_space<vmem>> -> memref<512xi32, #tpu.memory_space<vmem>>
    %dma_wait3A_915 = tpu.memref_slice %arg3[%mul3A_254] : memref<16384xi32, #tpu.memory_space<hbm>> -> memref<512xi32, #tpu.memory_space<hbm>>
    tpu.wait_dma2 semaphore(%arg14 : memref<!tpu.dma_semaphore, #tpu.memory_space<semaphore_mem>>) src(%dma_wait3A_915 : memref<512xi32, #tpu.memory_space<hbm>>) dst(%dma_wait3A_914 : memref<512xi32, #tpu.memory_space<vmem>>)
    %dma_wait3A_916 = arith.constant 4608 : i32
    %dma_wait3A_917 = tpu.memref_slice %arg9[%dma_wait3A_916] : memref<16384xi32, #tpu.memory_space<vmem>> -> memref<512xi32, #tpu.memory_space<vmem>>
    %dma_wait3A_918 = tpu.memref_slice %arg3[%mul3A_280] : memref<16384xi32, #tpu.memory_space<hbm>> -> memref<512xi32, #tpu.memory_space<hbm>>
    %dma_wait3A_919 = arith.constant 4608 : i32
    %dma_wait3A_920 = tpu.memref_slice %arg9[%dma_wait3A_919] : memref<16384xi32, #tpu.memory_space<vmem>> -> memref<512xi32, #tpu.memory_space<vmem>>
    %dma_wait3A_921 = tpu.memref_slice %arg3[%mul3A_280] : memref<16384xi32, #tpu.memory_space<hbm>> -> memref<512xi32, #tpu.memory_space<hbm>>
    tpu.wait_dma2 semaphore(%arg14 : memref<!tpu.dma_semaphore, #tpu.memory_space<semaphore_mem>>) src(%dma_wait3A_921 : memref<512xi32, #tpu.memory_space<hbm>>) dst(%dma_wait3A_920 : memref<512xi32, #tpu.memory_space<vmem>>)
    %dma_wait3A_922 = arith.constant 5120 : i32
    %dma_wait3A_923 = tpu.memref_slice %arg9[%dma_wait3A_922] : memref<16384xi32, #tpu.memory_space<vmem>> -> memref<512xi32, #tpu.memory_space<vmem>>
    %dma_wait3A_924 = tpu.memref_slice %arg3[%mul3A_306] : memref<16384xi32, #tpu.memory_space<hbm>> -> memref<512xi32, #tpu.memory_space<hbm>>
    %dma_wait3A_925 = arith.constant 5120 : i32
    %dma_wait3A_926 = tpu.memref_slice %arg9[%dma_wait3A_925] : memref<16384xi32, #tpu.memory_space<vmem>> -> memref<512xi32, #tpu.memory_space<vmem>>
    %dma_wait3A_927 = tpu.memref_slice %arg3[%mul3A_306] : memref<16384xi32, #tpu.memory_space<hbm>> -> memref<512xi32, #tpu.memory_space<hbm>>
    tpu.wait_dma2 semaphore(%arg14 : memref<!tpu.dma_semaphore, #tpu.memory_space<semaphore_mem>>) src(%dma_wait3A_927 : memref<512xi32, #tpu.memory_space<hbm>>) dst(%dma_wait3A_926 : memref<512xi32, #tpu.memory_space<vmem>>)
    %dma_wait3A_928 = arith.constant 5632 : i32
    %dma_wait3A_929 = tpu.memref_slice %arg9[%dma_wait3A_928] : memref<16384xi32, #tpu.memory_space<vmem>> -> memref<512xi32, #tpu.memory_space<vmem>>
    %dma_wait3A_930 = tpu.memref_slice %arg3[%mul3A_332] : memref<16384xi32, #tpu.memory_space<hbm>> -> memref<512xi32, #tpu.memory_space<hbm>>
    %dma_wait3A_931 = arith.constant 5632 : i32
    %dma_wait3A_932 = tpu.memref_slice %arg9[%dma_wait3A_931] : memref<16384xi32, #tpu.memory_space<vmem>> -> memref<512xi32, #tpu.memory_space<vmem>>
    %dma_wait3A_933 = tpu.memref_slice %arg3[%mul3A_332] : memref<16384xi32, #tpu.memory_space<hbm>> -> memref<512xi32, #tpu.memory_space<hbm>>
    tpu.wait_dma2 semaphore(%arg14 : memref<!tpu.dma_semaphore, #tpu.memory_space<semaphore_mem>>) src(%dma_wait3A_933 : memref<512xi32, #tpu.memory_space<hbm>>) dst(%dma_wait3A_932 : memref<512xi32, #tpu.memory_space<vmem>>)
    %dma_wait3A_934 = arith.constant 6144 : i32
    %dma_wait3A_935 = tpu.memref_slice %arg9[%dma_wait3A_934] : memref<16384xi32, #tpu.memory_space<vmem>> -> memref<512xi32, #tpu.memory_space<vmem>>
    %dma_wait3A_936 = tpu.memref_slice %arg3[%mul3A_358] : memref<16384xi32, #tpu.memory_space<hbm>> -> memref<512xi32, #tpu.memory_space<hbm>>
    %dma_wait3A_937 = arith.constant 6144 : i32
    %dma_wait3A_938 = tpu.memref_slice %arg9[%dma_wait3A_937] : memref<16384xi32, #tpu.memory_space<vmem>> -> memref<512xi32, #tpu.memory_space<vmem>>
    %dma_wait3A_939 = tpu.memref_slice %arg3[%mul3A_358] : memref<16384xi32, #tpu.memory_space<hbm>> -> memref<512xi32, #tpu.memory_space<hbm>>
    tpu.wait_dma2 semaphore(%arg14 : memref<!tpu.dma_semaphore, #tpu.memory_space<semaphore_mem>>) src(%dma_wait3A_939 : memref<512xi32, #tpu.memory_space<hbm>>) dst(%dma_wait3A_938 : memref<512xi32, #tpu.memory_space<vmem>>)
    %dma_wait3A_940 = arith.constant 6656 : i32
    %dma_wait3A_941 = tpu.memref_slice %arg9[%dma_wait3A_940] : memref<16384xi32, #tpu.memory_space<vmem>> -> memref<512xi32, #tpu.memory_space<vmem>>
    %dma_wait3A_942 = tpu.memref_slice %arg3[%mul3A_384] : memref<16384xi32, #tpu.memory_space<hbm>> -> memref<512xi32, #tpu.memory_space<hbm>>
    %dma_wait3A_943 = arith.constant 6656 : i32
    %dma_wait3A_944 = tpu.memref_slice %arg9[%dma_wait3A_943] : memref<16384xi32, #tpu.memory_space<vmem>> -> memref<512xi32, #tpu.memory_space<vmem>>
    %dma_wait3A_945 = tpu.memref_slice %arg3[%mul3A_384] : memref<16384xi32, #tpu.memory_space<hbm>> -> memref<512xi32, #tpu.memory_space<hbm>>
    tpu.wait_dma2 semaphore(%arg14 : memref<!tpu.dma_semaphore, #tpu.memory_space<semaphore_mem>>) src(%dma_wait3A_945 : memref<512xi32, #tpu.memory_space<hbm>>) dst(%dma_wait3A_944 : memref<512xi32, #tpu.memory_space<vmem>>)
    %dma_wait3A_946 = arith.constant 7168 : i32
    %dma_wait3A_947 = tpu.memref_slice %arg9[%dma_wait3A_946] : memref<16384xi32, #tpu.memory_space<vmem>> -> memref<512xi32, #tpu.memory_space<vmem>>
    %dma_wait3A_948 = tpu.memref_slice %arg3[%mul3A_410] : memref<16384xi32, #tpu.memory_space<hbm>> -> memref<512xi32, #tpu.memory_space<hbm>>
    %dma_wait3A_949 = arith.constant 7168 : i32
    %dma_wait3A_950 = tpu.memref_slice %arg9[%dma_wait3A_949] : memref<16384xi32, #tpu.memory_space<vmem>> -> memref<512xi32, #tpu.memory_space<vmem>>
    %dma_wait3A_951 = tpu.memref_slice %arg3[%mul3A_410] : memref<16384xi32, #tpu.memory_space<hbm>> -> memref<512xi32, #tpu.memory_space<hbm>>
    tpu.wait_dma2 semaphore(%arg14 : memref<!tpu.dma_semaphore, #tpu.memory_space<semaphore_mem>>) src(%dma_wait3A_951 : memref<512xi32, #tpu.memory_space<hbm>>) dst(%dma_wait3A_950 : memref<512xi32, #tpu.memory_space<vmem>>)
    %dma_wait3A_952 = arith.constant 7680 : i32
    %dma_wait3A_953 = tpu.memref_slice %arg9[%dma_wait3A_952] : memref<16384xi32, #tpu.memory_space<vmem>> -> memref<512xi32, #tpu.memory_space<vmem>>
    %dma_wait3A_954 = tpu.memref_slice %arg3[%mul3A_436] : memref<16384xi32, #tpu.memory_space<hbm>> -> memref<512xi32, #tpu.memory_space<hbm>>
    %dma_wait3A_955 = arith.constant 7680 : i32
    %dma_wait3A_956 = tpu.memref_slice %arg9[%dma_wait3A_955] : memref<16384xi32, #tpu.memory_space<vmem>> -> memref<512xi32, #tpu.memory_space<vmem>>
    %dma_wait3A_957 = tpu.memref_slice %arg3[%mul3A_436] : memref<16384xi32, #tpu.memory_space<hbm>> -> memref<512xi32, #tpu.memory_space<hbm>>
    tpu.wait_dma2 semaphore(%arg14 : memref<!tpu.dma_semaphore, #tpu.memory_space<semaphore_mem>>) src(%dma_wait3A_957 : memref<512xi32, #tpu.memory_space<hbm>>) dst(%dma_wait3A_956 : memref<512xi32, #tpu.memory_space<vmem>>)
    %dma_wait3A_958 = arith.constant 8192 : i32
    %dma_wait3A_959 = tpu.memref_slice %arg9[%dma_wait3A_958] : memref<16384xi32, #tpu.memory_space<vmem>> -> memref<512xi32, #tpu.memory_space<vmem>>
    %dma_wait3A_960 = tpu.memref_slice %arg3[%mul3A_462] : memref<16384xi32, #tpu.memory_space<hbm>> -> memref<512xi32, #tpu.memory_space<hbm>>
    %dma_wait3A_961 = arith.constant 8192 : i32
    %dma_wait3A_962 = tpu.memref_slice %arg9[%dma_wait3A_961] : memref<16384xi32, #tpu.memory_space<vmem>> -> memref<512xi32, #tpu.memory_space<vmem>>
    %dma_wait3A_963 = tpu.memref_slice %arg3[%mul3A_462] : memref<16384xi32, #tpu.memory_space<hbm>> -> memref<512xi32, #tpu.memory_space<hbm>>
    tpu.wait_dma2 semaphore(%arg14 : memref<!tpu.dma_semaphore, #tpu.memory_space<semaphore_mem>>) src(%dma_wait3A_963 : memref<512xi32, #tpu.memory_space<hbm>>) dst(%dma_wait3A_962 : memref<512xi32, #tpu.memory_space<vmem>>)
    %dma_wait3A_964 = arith.constant 8704 : i32
    %dma_wait3A_965 = tpu.memref_slice %arg9[%dma_wait3A_964] : memref<16384xi32, #tpu.memory_space<vmem>> -> memref<512xi32, #tpu.memory_space<vmem>>
    %dma_wait3A_966 = tpu.memref_slice %arg3[%mul3A_488] : memref<16384xi32, #tpu.memory_space<hbm>> -> memref<512xi32, #tpu.memory_space<hbm>>
    %dma_wait3A_967 = arith.constant 8704 : i32
    %dma_wait3A_968 = tpu.memref_slice %arg9[%dma_wait3A_967] : memref<16384xi32, #tpu.memory_space<vmem>> -> memref<512xi32, #tpu.memory_space<vmem>>
    %dma_wait3A_969 = tpu.memref_slice %arg3[%mul3A_488] : memref<16384xi32, #tpu.memory_space<hbm>> -> memref<512xi32, #tpu.memory_space<hbm>>
    tpu.wait_dma2 semaphore(%arg14 : memref<!tpu.dma_semaphore, #tpu.memory_space<semaphore_mem>>) src(%dma_wait3A_969 : memref<512xi32, #tpu.memory_space<hbm>>) dst(%dma_wait3A_968 : memref<512xi32, #tpu.memory_space<vmem>>)
    %dma_wait3A_970 = arith.constant 9216 : i32
    %dma_wait3A_971 = tpu.memref_slice %arg9[%dma_wait3A_970] : memref<16384xi32, #tpu.memory_space<vmem>> -> memref<512xi32, #tpu.memory_space<vmem>>
    %dma_wait3A_972 = tpu.memref_slice %arg3[%mul3A_514] : memref<16384xi32, #tpu.memory_space<hbm>> -> memref<512xi32, #tpu.memory_space<hbm>>
    %dma_wait3A_973 = arith.constant 9216 : i32
    %dma_wait3A_974 = tpu.memref_slice %arg9[%dma_wait3A_973] : memref<16384xi32, #tpu.memory_space<vmem>> -> memref<512xi32, #tpu.memory_space<vmem>>
    %dma_wait3A_975 = tpu.memref_slice %arg3[%mul3A_514] : memref<16384xi32, #tpu.memory_space<hbm>> -> memref<512xi32, #tpu.memory_space<hbm>>
    tpu.wait_dma2 semaphore(%arg14 : memref<!tpu.dma_semaphore, #tpu.memory_space<semaphore_mem>>) src(%dma_wait3A_975 : memref<512xi32, #tpu.memory_space<hbm>>) dst(%dma_wait3A_974 : memref<512xi32, #tpu.memory_space<vmem>>)
    %dma_wait3A_976 = arith.constant 9728 : i32
    %dma_wait3A_977 = tpu.memref_slice %arg9[%dma_wait3A_976] : memref<16384xi32, #tpu.memory_space<vmem>> -> memref<512xi32, #tpu.memory_space<vmem>>
    %dma_wait3A_978 = tpu.memref_slice %arg3[%mul3A_540] : memref<16384xi32, #tpu.memory_space<hbm>> -> memref<512xi32, #tpu.memory_space<hbm>>
    %dma_wait3A_979 = arith.constant 9728 : i32
    %dma_wait3A_980 = tpu.memref_slice %arg9[%dma_wait3A_979] : memref<16384xi32, #tpu.memory_space<vmem>> -> memref<512xi32, #tpu.memory_space<vmem>>
    %dma_wait3A_981 = tpu.memref_slice %arg3[%mul3A_540] : memref<16384xi32, #tpu.memory_space<hbm>> -> memref<512xi32, #tpu.memory_space<hbm>>
    tpu.wait_dma2 semaphore(%arg14 : memref<!tpu.dma_semaphore, #tpu.memory_space<semaphore_mem>>) src(%dma_wait3A_981 : memref<512xi32, #tpu.memory_space<hbm>>) dst(%dma_wait3A_980 : memref<512xi32, #tpu.memory_space<vmem>>)
    %dma_wait3A_982 = arith.constant 10240 : i32
    %dma_wait3A_983 = tpu.memref_slice %arg9[%dma_wait3A_982] : memref<16384xi32, #tpu.memory_space<vmem>> -> memref<512xi32, #tpu.memory_space<vmem>>
    %dma_wait3A_984 = tpu.memref_slice %arg3[%mul3A_566] : memref<16384xi32, #tpu.memory_space<hbm>> -> memref<512xi32, #tpu.memory_space<hbm>>
    %dma_wait3A_985 = arith.constant 10240 : i32
    %dma_wait3A_986 = tpu.memref_slice %arg9[%dma_wait3A_985] : memref<16384xi32, #tpu.memory_space<vmem>> -> memref<512xi32, #tpu.memory_space<vmem>>
    %dma_wait3A_987 = tpu.memref_slice %arg3[%mul3A_566] : memref<16384xi32, #tpu.memory_space<hbm>> -> memref<512xi32, #tpu.memory_space<hbm>>
    tpu.wait_dma2 semaphore(%arg14 : memref<!tpu.dma_semaphore, #tpu.memory_space<semaphore_mem>>) src(%dma_wait3A_987 : memref<512xi32, #tpu.memory_space<hbm>>) dst(%dma_wait3A_986 : memref<512xi32, #tpu.memory_space<vmem>>)
    %dma_wait3A_988 = arith.constant 10752 : i32
    %dma_wait3A_989 = tpu.memref_slice %arg9[%dma_wait3A_988] : memref<16384xi32, #tpu.memory_space<vmem>> -> memref<512xi32, #tpu.memory_space<vmem>>
    %dma_wait3A_990 = tpu.memref_slice %arg3[%mul3A_592] : memref<16384xi32, #tpu.memory_space<hbm>> -> memref<512xi32, #tpu.memory_space<hbm>>
    %dma_wait3A_991 = arith.constant 10752 : i32
    %dma_wait3A_992 = tpu.memref_slice %arg9[%dma_wait3A_991] : memref<16384xi32, #tpu.memory_space<vmem>> -> memref<512xi32, #tpu.memory_space<vmem>>
    %dma_wait3A_993 = tpu.memref_slice %arg3[%mul3A_592] : memref<16384xi32, #tpu.memory_space<hbm>> -> memref<512xi32, #tpu.memory_space<hbm>>
    tpu.wait_dma2 semaphore(%arg14 : memref<!tpu.dma_semaphore, #tpu.memory_space<semaphore_mem>>) src(%dma_wait3A_993 : memref<512xi32, #tpu.memory_space<hbm>>) dst(%dma_wait3A_992 : memref<512xi32, #tpu.memory_space<vmem>>)
    %dma_wait3A_994 = arith.constant 11264 : i32
    %dma_wait3A_995 = tpu.memref_slice %arg9[%dma_wait3A_994] : memref<16384xi32, #tpu.memory_space<vmem>> -> memref<512xi32, #tpu.memory_space<vmem>>
    %dma_wait3A_996 = tpu.memref_slice %arg3[%mul3A_618] : memref<16384xi32, #tpu.memory_space<hbm>> -> memref<512xi32, #tpu.memory_space<hbm>>
    %dma_wait3A_997 = arith.constant 11264 : i32
    %dma_wait3A_998 = tpu.memref_slice %arg9[%dma_wait3A_997] : memref<16384xi32, #tpu.memory_space<vmem>> -> memref<512xi32, #tpu.memory_space<vmem>>
    %dma_wait3A_999 = tpu.memref_slice %arg3[%mul3A_618] : memref<16384xi32, #tpu.memory_space<hbm>> -> memref<512xi32, #tpu.memory_space<hbm>>
    tpu.wait_dma2 semaphore(%arg14 : memref<!tpu.dma_semaphore, #tpu.memory_space<semaphore_mem>>) src(%dma_wait3A_999 : memref<512xi32, #tpu.memory_space<hbm>>) dst(%dma_wait3A_998 : memref<512xi32, #tpu.memory_space<vmem>>)
    %dma_wait3A_1000 = arith.constant 11776 : i32
    %dma_wait3A_1001 = tpu.memref_slice %arg9[%dma_wait3A_1000] : memref<16384xi32, #tpu.memory_space<vmem>> -> memref<512xi32, #tpu.memory_space<vmem>>
    %dma_wait3A_1002 = tpu.memref_slice %arg3[%mul3A_644] : memref<16384xi32, #tpu.memory_space<hbm>> -> memref<512xi32, #tpu.memory_space<hbm>>
    %dma_wait3A_1003 = arith.constant 11776 : i32
    %dma_wait3A_1004 = tpu.memref_slice %arg9[%dma_wait3A_1003] : memref<16384xi32, #tpu.memory_space<vmem>> -> memref<512xi32, #tpu.memory_space<vmem>>
    %dma_wait3A_1005 = tpu.memref_slice %arg3[%mul3A_644] : memref<16384xi32, #tpu.memory_space<hbm>> -> memref<512xi32, #tpu.memory_space<hbm>>
    tpu.wait_dma2 semaphore(%arg14 : memref<!tpu.dma_semaphore, #tpu.memory_space<semaphore_mem>>) src(%dma_wait3A_1005 : memref<512xi32, #tpu.memory_space<hbm>>) dst(%dma_wait3A_1004 : memref<512xi32, #tpu.memory_space<vmem>>)
    %dma_wait3A_1006 = arith.constant 12288 : i32
    %dma_wait3A_1007 = tpu.memref_slice %arg9[%dma_wait3A_1006] : memref<16384xi32, #tpu.memory_space<vmem>> -> memref<512xi32, #tpu.memory_space<vmem>>
    %dma_wait3A_1008 = tpu.memref_slice %arg3[%mul3A_670] : memref<16384xi32, #tpu.memory_space<hbm>> -> memref<512xi32, #tpu.memory_space<hbm>>
    %dma_wait3A_1009 = arith.constant 12288 : i32
    %dma_wait3A_1010 = tpu.memref_slice %arg9[%dma_wait3A_1009] : memref<16384xi32, #tpu.memory_space<vmem>> -> memref<512xi32, #tpu.memory_space<vmem>>
    %dma_wait3A_1011 = tpu.memref_slice %arg3[%mul3A_670] : memref<16384xi32, #tpu.memory_space<hbm>> -> memref<512xi32, #tpu.memory_space<hbm>>
    tpu.wait_dma2 semaphore(%arg14 : memref<!tpu.dma_semaphore, #tpu.memory_space<semaphore_mem>>) src(%dma_wait3A_1011 : memref<512xi32, #tpu.memory_space<hbm>>) dst(%dma_wait3A_1010 : memref<512xi32, #tpu.memory_space<vmem>>)
    %dma_wait3A_1012 = arith.constant 12800 : i32
    %dma_wait3A_1013 = tpu.memref_slice %arg9[%dma_wait3A_1012] : memref<16384xi32, #tpu.memory_space<vmem>> -> memref<512xi32, #tpu.memory_space<vmem>>
    %dma_wait3A_1014 = tpu.memref_slice %arg3[%mul3A_696] : memref<16384xi32, #tpu.memory_space<hbm>> -> memref<512xi32, #tpu.memory_space<hbm>>
    %dma_wait3A_1015 = arith.constant 12800 : i32
    %dma_wait3A_1016 = tpu.memref_slice %arg9[%dma_wait3A_1015] : memref<16384xi32, #tpu.memory_space<vmem>> -> memref<512xi32, #tpu.memory_space<vmem>>
    %dma_wait3A_1017 = tpu.memref_slice %arg3[%mul3A_696] : memref<16384xi32, #tpu.memory_space<hbm>> -> memref<512xi32, #tpu.memory_space<hbm>>
    tpu.wait_dma2 semaphore(%arg14 : memref<!tpu.dma_semaphore, #tpu.memory_space<semaphore_mem>>) src(%dma_wait3A_1017 : memref<512xi32, #tpu.memory_space<hbm>>) dst(%dma_wait3A_1016 : memref<512xi32, #tpu.memory_space<vmem>>)
    %dma_wait3A_1018 = arith.constant 13312 : i32
    %dma_wait3A_1019 = tpu.memref_slice %arg9[%dma_wait3A_1018] : memref<16384xi32, #tpu.memory_space<vmem>> -> memref<512xi32, #tpu.memory_space<vmem>>
    %dma_wait3A_1020 = tpu.memref_slice %arg3[%mul3A_722] : memref<16384xi32, #tpu.memory_space<hbm>> -> memref<512xi32, #tpu.memory_space<hbm>>
    %dma_wait3A_1021 = arith.constant 13312 : i32
    %dma_wait3A_1022 = tpu.memref_slice %arg9[%dma_wait3A_1021] : memref<16384xi32, #tpu.memory_space<vmem>> -> memref<512xi32, #tpu.memory_space<vmem>>
    %dma_wait3A_1023 = tpu.memref_slice %arg3[%mul3A_722] : memref<16384xi32, #tpu.memory_space<hbm>> -> memref<512xi32, #tpu.memory_space<hbm>>
    tpu.wait_dma2 semaphore(%arg14 : memref<!tpu.dma_semaphore, #tpu.memory_space<semaphore_mem>>) src(%dma_wait3A_1023 : memref<512xi32, #tpu.memory_space<hbm>>) dst(%dma_wait3A_1022 : memref<512xi32, #tpu.memory_space<vmem>>)
    %dma_wait3A_1024 = arith.constant 13824 : i32
    %dma_wait3A_1025 = tpu.memref_slice %arg9[%dma_wait3A_1024] : memref<16384xi32, #tpu.memory_space<vmem>> -> memref<512xi32, #tpu.memory_space<vmem>>
    %dma_wait3A_1026 = tpu.memref_slice %arg3[%mul3A_748] : memref<16384xi32, #tpu.memory_space<hbm>> -> memref<512xi32, #tpu.memory_space<hbm>>
    %dma_wait3A_1027 = arith.constant 13824 : i32
    %dma_wait3A_1028 = tpu.memref_slice %arg9[%dma_wait3A_1027] : memref<16384xi32, #tpu.memory_space<vmem>> -> memref<512xi32, #tpu.memory_space<vmem>>
    %dma_wait3A_1029 = tpu.memref_slice %arg3[%mul3A_748] : memref<16384xi32, #tpu.memory_space<hbm>> -> memref<512xi32, #tpu.memory_space<hbm>>
    tpu.wait_dma2 semaphore(%arg14 : memref<!tpu.dma_semaphore, #tpu.memory_space<semaphore_mem>>) src(%dma_wait3A_1029 : memref<512xi32, #tpu.memory_space<hbm>>) dst(%dma_wait3A_1028 : memref<512xi32, #tpu.memory_space<vmem>>)
    %dma_wait3A_1030 = arith.constant 14336 : i32
    %dma_wait3A_1031 = tpu.memref_slice %arg9[%dma_wait3A_1030] : memref<16384xi32, #tpu.memory_space<vmem>> -> memref<512xi32, #tpu.memory_space<vmem>>
    %dma_wait3A_1032 = tpu.memref_slice %arg3[%mul3A_774] : memref<16384xi32, #tpu.memory_space<hbm>> -> memref<512xi32, #tpu.memory_space<hbm>>
    %dma_wait3A_1033 = arith.constant 14336 : i32
    %dma_wait3A_1034 = tpu.memref_slice %arg9[%dma_wait3A_1033] : memref<16384xi32, #tpu.memory_space<vmem>> -> memref<512xi32, #tpu.memory_space<vmem>>
    %dma_wait3A_1035 = tpu.memref_slice %arg3[%mul3A_774] : memref<16384xi32, #tpu.memory_space<hbm>> -> memref<512xi32, #tpu.memory_space<hbm>>
    tpu.wait_dma2 semaphore(%arg14 : memref<!tpu.dma_semaphore, #tpu.memory_space<semaphore_mem>>) src(%dma_wait3A_1035 : memref<512xi32, #tpu.memory_space<hbm>>) dst(%dma_wait3A_1034 : memref<512xi32, #tpu.memory_space<vmem>>)
    %dma_wait3A_1036 = arith.constant 14848 : i32
    %dma_wait3A_1037 = tpu.memref_slice %arg9[%dma_wait3A_1036] : memref<16384xi32, #tpu.memory_space<vmem>> -> memref<512xi32, #tpu.memory_space<vmem>>
    %dma_wait3A_1038 = tpu.memref_slice %arg3[%mul3A_800] : memref<16384xi32, #tpu.memory_space<hbm>> -> memref<512xi32, #tpu.memory_space<hbm>>
    %dma_wait3A_1039 = arith.constant 14848 : i32
    %dma_wait3A_1040 = tpu.memref_slice %arg9[%dma_wait3A_1039] : memref<16384xi32, #tpu.memory_space<vmem>> -> memref<512xi32, #tpu.memory_space<vmem>>
    %dma_wait3A_1041 = tpu.memref_slice %arg3[%mul3A_800] : memref<16384xi32, #tpu.memory_space<hbm>> -> memref<512xi32, #tpu.memory_space<hbm>>
    tpu.wait_dma2 semaphore(%arg14 : memref<!tpu.dma_semaphore, #tpu.memory_space<semaphore_mem>>) src(%dma_wait3A_1041 : memref<512xi32, #tpu.memory_space<hbm>>) dst(%dma_wait3A_1040 : memref<512xi32, #tpu.memory_space<vmem>>)
    %dma_wait3A_1042 = arith.constant 15360 : i32
    %dma_wait3A_1043 = tpu.memref_slice %arg9[%dma_wait3A_1042] : memref<16384xi32, #tpu.memory_space<vmem>> -> memref<512xi32, #tpu.memory_space<vmem>>
    %dma_wait3A_1044 = tpu.memref_slice %arg3[%mul3A_826] : memref<16384xi32, #tpu.memory_space<hbm>> -> memref<512xi32, #tpu.memory_space<hbm>>
    %dma_wait3A_1045 = arith.constant 15360 : i32
    %dma_wait3A_1046 = tpu.memref_slice %arg9[%dma_wait3A_1045] : memref<16384xi32, #tpu.memory_space<vmem>> -> memref<512xi32, #tpu.memory_space<vmem>>
    %dma_wait3A_1047 = tpu.memref_slice %arg3[%mul3A_826] : memref<16384xi32, #tpu.memory_space<hbm>> -> memref<512xi32, #tpu.memory_space<hbm>>
    tpu.wait_dma2 semaphore(%arg14 : memref<!tpu.dma_semaphore, #tpu.memory_space<semaphore_mem>>) src(%dma_wait3A_1047 : memref<512xi32, #tpu.memory_space<hbm>>) dst(%dma_wait3A_1046 : memref<512xi32, #tpu.memory_space<vmem>>)
    %dma_wait3A_1048 = arith.constant 15872 : i32
    %dma_wait3A_1049 = tpu.memref_slice %arg9[%dma_wait3A_1048] : memref<16384xi32, #tpu.memory_space<vmem>> -> memref<512xi32, #tpu.memory_space<vmem>>
    %dma_wait3A_1050 = tpu.memref_slice %arg3[%mul3A_852] : memref<16384xi32, #tpu.memory_space<hbm>> -> memref<512xi32, #tpu.memory_space<hbm>>
    %dma_wait3A_1051 = arith.constant 15872 : i32
    %dma_wait3A_1052 = tpu.memref_slice %arg9[%dma_wait3A_1051] : memref<16384xi32, #tpu.memory_space<vmem>> -> memref<512xi32, #tpu.memory_space<vmem>>
    %dma_wait3A_1053 = tpu.memref_slice %arg3[%mul3A_852] : memref<16384xi32, #tpu.memory_space<hbm>> -> memref<512xi32, #tpu.memory_space<hbm>>
    tpu.wait_dma2 semaphore(%arg14 : memref<!tpu.dma_semaphore, #tpu.memory_space<semaphore_mem>>) src(%dma_wait3A_1053 : memref<512xi32, #tpu.memory_space<hbm>>) dst(%dma_wait3A_1052 : memref<512xi32, #tpu.memory_space<vmem>>)
    %scan3A = arith.constant 0 : i32
    %scan3A_1054 = arith.constant 32 : i32
    %scan3A_1055 = arith.addi %scan3A, %scan3A_1054 : i32
    %scan3A_1056 = arith.constant 1 : i32
    scf.for %scan3A_1193 = %scan3A to %scan3A_1055 step %scan3A_1056  : i32 {
      %mul3A_1194 = arith.constant 8 : i32
      %mul3A_1195 = arith.muli %scan3A_1193, %mul3A_1194 : i32
      %add3A_1196 = arith.constant 0 : i32
      %add3A_1197 = arith.addi %mul3A_1195, %add3A_1196 : i32
      %mul3A_1198 = arith.constant 16 : i32
      %mul3A_1199 = arith.muli %add3A_1197, %mul3A_1198 : i32
      %get3A_1200 = arith.index_cast %mul3A_1199 : i32 to index
      %get3A_1201 = tpu.vector_load %arg9[%get3A_1200] {strides = array<i32>} : memref<16384xi32, #tpu.memory_space<vmem>>, vector<16xi32>,
      %sub3A = vector.broadcast %min3A_861 : i32 to vector<16xi32>
      %sub3A_1202 = arith.subi %get3A_1201, %sub3A : vector<16xi32>
      %ge3A = arith.constant 0 : i32
      %ge3A_1203 = vector.broadcast %ge3A : i32 to vector<16xi32>
      %ge3A_1204 = arith.cmpi sge, %sub3A_1202, %ge3A_1203 : vector<16xi32>
      %lt3A_1205 = arith.constant 3128 : i32
      %lt3A_1206 = vector.broadcast %lt3A_1205 : i32 to vector<16xi32>
      %lt3A_1207 = arith.cmpi slt, %sub3A_1202, %lt3A_1206 : vector<16xi32>
      %and3A_1208 = arith.andi %ge3A_1204, %lt3A_1207 : vector<16xi1>
      tpu.vector_store_idx %arg11[%sub3A_1202], %get3A_862 masked %and3A_1208 : memref<3128xf32, #tpu.memory_space<vmem>>[vector<16xi32>], vector<16xf32>, vector<16xi1>
      %mul3A_1209 = arith.constant 8 : i32
      %mul3A_1210 = arith.muli %scan3A_1193, %mul3A_1209 : i32
      %add3A_1211 = arith.constant 1 : i32
      %add3A_1212 = arith.addi %mul3A_1210, %add3A_1211 : i32
      %mul3A_1213 = arith.constant 16 : i32
      %mul3A_1214 = arith.muli %add3A_1212, %mul3A_1213 : i32
      %get3A_1215 = arith.index_cast %mul3A_1214 : i32 to index
      %get3A_1216 = tpu.vector_load %arg9[%get3A_1215] {strides = array<i32>} : memref<16384xi32, #tpu.memory_space<vmem>>, vector<16xi32>,
      %sub3A_1217 = vector.broadcast %min3A_861 : i32 to vector<16xi32>
      %sub3A_1218 = arith.subi %get3A_1216, %sub3A_1217 : vector<16xi32>
      %ge3A_1219 = arith.constant 0 : i32
      %ge3A_1220 = vector.broadcast %ge3A_1219 : i32 to vector<16xi32>
      %ge3A_1221 = arith.cmpi sge, %sub3A_1218, %ge3A_1220 : vector<16xi32>
      %lt3A_1222 = arith.constant 3128 : i32
      %lt3A_1223 = vector.broadcast %lt3A_1222 : i32 to vector<16xi32>
      %lt3A_1224 = arith.cmpi slt, %sub3A_1218, %lt3A_1223 : vector<16xi32>
      %and3A_1225 = arith.andi %ge3A_1221, %lt3A_1224 : vector<16xi1>
      tpu.vector_store_idx %arg11[%sub3A_1218], %get3A_862 masked %and3A_1225 : memref<3128xf32, #tpu.memory_space<vmem>>[vector<16xi32>], vector<16xf32>, vector<16xi1>
      %mul3A_1226 = arith.constant 8 : i32
      %mul3A_1227 = arith.muli %scan3A_1193, %mul3A_1226 : i32
      %add3A_1228 = arith.constant 2 : i32
      %add3A_1229 = arith.addi %mul3A_1227, %add3A_1228 : i32
      %mul3A_1230 = arith.constant 16 : i32
      %mul3A_1231 = arith.muli %add3A_1229, %mul3A_1230 : i32
      %get3A_1232 = arith.index_cast %mul3A_1231 : i32 to index
      %get3A_1233 = tpu.vector_load %arg9[%get3A_1232] {strides = array<i32>} : memref<16384xi32, #tpu.memory_space<vmem>>, vector<16xi32>,
      %sub3A_1234 = vector.broadcast %min3A_861 : i32 to vector<16xi32>
      %sub3A_1235 = arith.subi %get3A_1233, %sub3A_1234 : vector<16xi32>
      %ge3A_1236 = arith.constant 0 : i32
      %ge3A_1237 = vector.broadcast %ge3A_1236 : i32 to vector<16xi32>
      %ge3A_1238 = arith.cmpi sge, %sub3A_1235, %ge3A_1237 : vector<16xi32>
      %lt3A_1239 = arith.constant 3128 : i32
      %lt3A_1240 = vector.broadcast %lt3A_1239 : i32 to vector<16xi32>
      %lt3A_1241 = arith.cmpi slt, %sub3A_1235, %lt3A_1240 : vector<16xi32>
      %and3A_1242 = arith.andi %ge3A_1238, %lt3A_1241 : vector<16xi1>
      tpu.vector_store_idx %arg11[%sub3A_1235], %get3A_862 masked %and3A_1242 : memref<3128xf32, #tpu.memory_space<vmem>>[vector<16xi32>], vector<16xf32>, vector<16xi1>
      %mul3A_1243 = arith.constant 8 : i32
      %mul3A_1244 = arith.muli %scan3A_1193, %mul3A_1243 : i32
      %add3A_1245 = arith.constant 3 : i32
      %add3A_1246 = arith.addi %mul3A_1244, %add3A_1245 : i32
      %mul3A_1247 = arith.constant 16 : i32
      %mul3A_1248 = arith.muli %add3A_1246, %mul3A_1247 : i32
      %get3A_1249 = arith.index_cast %mul3A_1248 : i32 to index
      %get3A_1250 = tpu.vector_load %arg9[%get3A_1249] {strides = array<i32>} : memref<16384xi32, #tpu.memory_space<vmem>>, vector<16xi32>,
      %sub3A_1251 = vector.broadcast %min3A_861 : i32 to vector<16xi32>
      %sub3A_1252 = arith.subi %get3A_1250, %sub3A_1251 : vector<16xi32>
      %ge3A_1253 = arith.constant 0 : i32
      %ge3A_1254 = vector.broadcast %ge3A_1253 : i32 to vector<16xi32>
      %ge3A_1255 = arith.cmpi sge, %sub3A_1252, %ge3A_1254 : vector<16xi32>
      %lt3A_1256 = arith.constant 3128 : i32
      %lt3A_1257 = vector.broadcast %lt3A_1256 : i32 to vector<16xi32>
      %lt3A_1258 = arith.cmpi slt, %sub3A_1252, %lt3A_1257 : vector<16xi32>
      %and3A_1259 = arith.andi %ge3A_1255, %lt3A_1258 : vector<16xi1>
      tpu.vector_store_idx %arg11[%sub3A_1252], %get3A_862 masked %and3A_1259 : memref<3128xf32, #tpu.memory_space<vmem>>[vector<16xi32>], vector<16xf32>, vector<16xi1>
      %mul3A_1260 = arith.constant 8 : i32
      %mul3A_1261 = arith.muli %scan3A_1193, %mul3A_1260 : i32
      %add3A_1262 = arith.constant 4 : i32
      %add3A_1263 = arith.addi %mul3A_1261, %add3A_1262 : i32
      %mul3A_1264 = arith.constant 16 : i32
      %mul3A_1265 = arith.muli %add3A_1263, %mul3A_1264 : i32
      %get3A_1266 = arith.index_cast %mul3A_1265 : i32 to index
      %get3A_1267 = tpu.vector_load %arg9[%get3A_1266] {strides = array<i32>} : memref<16384xi32, #tpu.memory_space<vmem>>, vector<16xi32>,
      %sub3A_1268 = vector.broadcast %min3A_861 : i32 to vector<16xi32>
      %sub3A_1269 = arith.subi %get3A_1267, %sub3A_1268 : vector<16xi32>
      %ge3A_1270 = arith.constant 0 : i32
      %ge3A_1271 = vector.broadcast %ge3A_1270 : i32 to vector<16xi32>
      %ge3A_1272 = arith.cmpi sge, %sub3A_1269, %ge3A_1271 : vector<16xi32>
      %lt3A_1273 = arith.constant 3128 : i32
      %lt3A_1274 = vector.broadcast %lt3A_1273 : i32 to vector<16xi32>
      %lt3A_1275 = arith.cmpi slt, %sub3A_1269, %lt3A_1274 : vector<16xi32>
      %and3A_1276 = arith.andi %ge3A_1272, %lt3A_1275 : vector<16xi1>
      tpu.vector_store_idx %arg11[%sub3A_1269], %get3A_862 masked %and3A_1276 : memref<3128xf32, #tpu.memory_space<vmem>>[vector<16xi32>], vector<16xf32>, vector<16xi1>
      %mul3A_1277 = arith.constant 8 : i32
      %mul3A_1278 = arith.muli %scan3A_1193, %mul3A_1277 : i32
      %add3A_1279 = arith.constant 5 : i32
      %add3A_1280 = arith.addi %mul3A_1278, %add3A_1279 : i32
      %mul3A_1281 = arith.constant 16 : i32
      %mul3A_1282 = arith.muli %add3A_1280, %mul3A_1281 : i32
      %get3A_1283 = arith.index_cast %mul3A_1282 : i32 to index
      %get3A_1284 = tpu.vector_load %arg9[%get3A_1283] {strides = array<i32>} : memref<16384xi32, #tpu.memory_space<vmem>>, vector<16xi32>,
      %sub3A_1285 = vector.broadcast %min3A_861 : i32 to vector<16xi32>
      %sub3A_1286 = arith.subi %get3A_1284, %sub3A_1285 : vector<16xi32>
      %ge3A_1287 = arith.constant 0 : i32
      %ge3A_1288 = vector.broadcast %ge3A_1287 : i32 to vector<16xi32>
      %ge3A_1289 = arith.cmpi sge, %sub3A_1286, %ge3A_1288 : vector<16xi32>
      %lt3A_1290 = arith.constant 3128 : i32
      %lt3A_1291 = vector.broadcast %lt3A_1290 : i32 to vector<16xi32>
      %lt3A_1292 = arith.cmpi slt, %sub3A_1286, %lt3A_1291 : vector<16xi32>
      %and3A_1293 = arith.andi %ge3A_1289, %lt3A_1292 : vector<16xi1>
      tpu.vector_store_idx %arg11[%sub3A_1286], %get3A_862 masked %and3A_1293 : memref<3128xf32, #tpu.memory_space<vmem>>[vector<16xi32>], vector<16xf32>, vector<16xi1>
      %mul3A_1294 = arith.constant 8 : i32
      %mul3A_1295 = arith.muli %scan3A_1193, %mul3A_1294 : i32
      %add3A_1296 = arith.constant 6 : i32
      %add3A_1297 = arith.addi %mul3A_1295, %add3A_1296 : i32
      %mul3A_1298 = arith.constant 16 : i32
      %mul3A_1299 = arith.muli %add3A_1297, %mul3A_1298 : i32
      %get3A_1300 = arith.index_cast %mul3A_1299 : i32 to index
      %get3A_1301 = tpu.vector_load %arg9[%get3A_1300] {strides = array<i32>} : memref<16384xi32, #tpu.memory_space<vmem>>, vector<16xi32>,
      %sub3A_1302 = vector.broadcast %min3A_861 : i32 to vector<16xi32>
      %sub3A_1303 = arith.subi %get3A_1301, %sub3A_1302 : vector<16xi32>
      %ge3A_1304 = arith.constant 0 : i32
      %ge3A_1305 = vector.broadcast %ge3A_1304 : i32 to vector<16xi32>
      %ge3A_1306 = arith.cmpi sge, %sub3A_1303, %ge3A_1305 : vector<16xi32>
      %lt3A_1307 = arith.constant 3128 : i32
      %lt3A_1308 = vector.broadcast %lt3A_1307 : i32 to vector<16xi32>
      %lt3A_1309 = arith.cmpi slt, %sub3A_1303, %lt3A_1308 : vector<16xi32>
      %and3A_1310 = arith.andi %ge3A_1306, %lt3A_1309 : vector<16xi1>
      tpu.vector_store_idx %arg11[%sub3A_1303], %get3A_862 masked %and3A_1310 : memref<3128xf32, #tpu.memory_space<vmem>>[vector<16xi32>], vector<16xf32>, vector<16xi1>
      %mul3A_1311 = arith.constant 8 : i32
      %mul3A_1312 = arith.muli %scan3A_1193, %mul3A_1311 : i32
      %add3A_1313 = arith.constant 7 : i32
      %add3A_1314 = arith.addi %mul3A_1312, %add3A_1313 : i32
      %mul3A_1315 = arith.constant 16 : i32
      %mul3A_1316 = arith.muli %add3A_1314, %mul3A_1315 : i32
      %get3A_1317 = arith.index_cast %mul3A_1316 : i32 to index
      %get3A_1318 = tpu.vector_load %arg9[%get3A_1317] {strides = array<i32>} : memref<16384xi32, #tpu.memory_space<vmem>>, vector<16xi32>,
      %sub3A_1319 = vector.broadcast %min3A_861 : i32 to vector<16xi32>
      %sub3A_1320 = arith.subi %get3A_1318, %sub3A_1319 : vector<16xi32>
      %ge3A_1321 = arith.constant 0 : i32
      %ge3A_1322 = vector.broadcast %ge3A_1321 : i32 to vector<16xi32>
      %ge3A_1323 = arith.cmpi sge, %sub3A_1320, %ge3A_1322 : vector<16xi32>
      %lt3A_1324 = arith.constant 3128 : i32
      %lt3A_1325 = vector.broadcast %lt3A_1324 : i32 to vector<16xi32>
      %lt3A_1326 = arith.cmpi slt, %sub3A_1320, %lt3A_1325 : vector<16xi32>
      %and3A_1327 = arith.andi %ge3A_1323, %lt3A_1326 : vector<16xi1>
      tpu.vector_store_idx %arg11[%sub3A_1320], %get3A_862 masked %and3A_1327 : memref<3128xf32, #tpu.memory_space<vmem>>[vector<16xi32>], vector<16xf32>, vector<16xi1>
    }
    %scan3A_1057 = arith.constant 32 : i32
    %dma_wait3A_1058 = arith.constant 0 : i32
    %dma_wait3A_1059 = arith.constant 0 : i32
    %dma_wait3A_1060 = tpu.memref_slice %arg10[%dma_wait3A_1058, %dma_wait3A_1059] : memref<512x128xf32, #tpu.memory_space<vmem>> -> memref<128x128xf32, #tpu.memory_space<vmem>>
    %dma_wait3A_1061 = arith.constant 0 : i32
    %dma_wait3A_1062 = tpu.memref_slice %arg8[%dma_wait3A_1061] : memref<512xi32, #tpu.memory_space<vmem>> -> memref<128xi32, #tpu.memory_space<vmem>>
    %dma_wait3A_1063 = arith.constant 0 : i32
    %dma_wait3A_1064 = arith.constant 0 : i32
    %dma_wait3A_1065 = tpu.memref_slice %arg2[%dma_wait3A_1063, %dma_wait3A_1064] : memref<100000x128xf32, #tpu.memory_space<hbm>> -> memref<100000x128xf32, #tpu.memory_space<hbm>>
    tpu.wait_indirect_dma semaphore(%arg13 : memref<!tpu.dma_semaphore, #tpu.memory_space<semaphore_mem>>) src(%dma_wait3A_1065 : memref<100000x128xf32, #tpu.memory_space<hbm>>) dst(%dma_wait3A_1060 : memref<128x128xf32, #tpu.memory_space<vmem>>)
    %add3A_1066 = arith.constant 0 : i32
    %add3A_1067 = arith.addi %mul3A_2, %add3A_1066 : i32
    %dma_start3A_1068 = arith.constant 0 : i32
    %dma_start3A_1069 = arith.constant 0 : i32
    %dma_start3A_1070 = tpu.memref_slice %arg10[%dma_start3A_1068, %dma_start3A_1069] : memref<512x128xf32, #tpu.memory_space<vmem>> -> memref<128x128xf32, #tpu.memory_space<vmem>>
    %dma_start3A_1071 = arith.constant 0 : i32
    %dma_start3A_1072 = tpu.memref_slice %arg6[%add3A_1067, %dma_start3A_1071] : memref<16384x128xf32, #tpu.memory_space<hbm>> -> memref<128x128xf32, #tpu.memory_space<hbm>>
    %dma_start3A_1073 = arith.constant 0 : i32
    %dma_start3A_1074 = tpu.memref_slice %arg6[%add3A_1067, %dma_start3A_1073] : memref<16384x128xf32, #tpu.memory_space<hbm>> -> memref<128x128xf32, #tpu.memory_space<hbm>>
    %dma_start3A_1075 = arith.constant 0 : i32
    %dma_start3A_1076 = arith.constant 0 : i32
    %dma_start3A_1077 = tpu.memref_slice %arg10[%dma_start3A_1075, %dma_start3A_1076] : memref<512x128xf32, #tpu.memory_space<vmem>> -> memref<128x128xf32, #tpu.memory_space<vmem>>
    tpu.enqueue_dma source(%dma_start3A_1077 : memref<128x128xf32, #tpu.memory_space<vmem>>) target(%dma_start3A_1074 : memref<128x128xf32, #tpu.memory_space<hbm>>) target_semaphore(%arg13 : memref<!tpu.dma_semaphore, #tpu.memory_space<semaphore_mem>>)
    %scan3A_1078 = arith.constant 32 : i32
    %scan3A_1079 = arith.constant 32 : i32
    %scan3A_1080 = arith.addi %scan3A_1078, %scan3A_1079 : i32
    %scan3A_1081 = arith.constant 1 : i32
    scf.for %scan3A_1193 = %scan3A_1078 to %scan3A_1080 step %scan3A_1081  : i32 {
      %mul3A_1194 = arith.constant 8 : i32
      %mul3A_1195 = arith.muli %scan3A_1193, %mul3A_1194 : i32
      %add3A_1196 = arith.constant 0 : i32
      %add3A_1197 = arith.addi %mul3A_1195, %add3A_1196 : i32
      %mul3A_1198 = arith.constant 16 : i32
      %mul3A_1199 = arith.muli %add3A_1197, %mul3A_1198 : i32
      %get3A_1200 = arith.index_cast %mul3A_1199 : i32 to index
      %get3A_1201 = tpu.vector_load %arg9[%get3A_1200] {strides = array<i32>} : memref<16384xi32, #tpu.memory_space<vmem>>, vector<16xi32>,
      %sub3A = vector.broadcast %min3A_861 : i32 to vector<16xi32>
      %sub3A_1202 = arith.subi %get3A_1201, %sub3A : vector<16xi32>
      %ge3A = arith.constant 0 : i32
      %ge3A_1203 = vector.broadcast %ge3A : i32 to vector<16xi32>
      %ge3A_1204 = arith.cmpi sge, %sub3A_1202, %ge3A_1203 : vector<16xi32>
      %lt3A_1205 = arith.constant 3128 : i32
      %lt3A_1206 = vector.broadcast %lt3A_1205 : i32 to vector<16xi32>
      %lt3A_1207 = arith.cmpi slt, %sub3A_1202, %lt3A_1206 : vector<16xi32>
      %and3A_1208 = arith.andi %ge3A_1204, %lt3A_1207 : vector<16xi1>
      tpu.vector_store_idx %arg11[%sub3A_1202], %get3A_862 masked %and3A_1208 : memref<3128xf32, #tpu.memory_space<vmem>>[vector<16xi32>], vector<16xf32>, vector<16xi1>
      %mul3A_1209 = arith.constant 8 : i32
      %mul3A_1210 = arith.muli %scan3A_1193, %mul3A_1209 : i32
      %add3A_1211 = arith.constant 1 : i32
      %add3A_1212 = arith.addi %mul3A_1210, %add3A_1211 : i32
      %mul3A_1213 = arith.constant 16 : i32
      %mul3A_1214 = arith.muli %add3A_1212, %mul3A_1213 : i32
      %get3A_1215 = arith.index_cast %mul3A_1214 : i32 to index
      %get3A_1216 = tpu.vector_load %arg9[%get3A_1215] {strides = array<i32>} : memref<16384xi32, #tpu.memory_space<vmem>>, vector<16xi32>,
      %sub3A_1217 = vector.broadcast %min3A_861 : i32 to vector<16xi32>
      %sub3A_1218 = arith.subi %get3A_1216, %sub3A_1217 : vector<16xi32>
      %ge3A_1219 = arith.constant 0 : i32
      %ge3A_1220 = vector.broadcast %ge3A_1219 : i32 to vector<16xi32>
      %ge3A_1221 = arith.cmpi sge, %sub3A_1218, %ge3A_1220 : vector<16xi32>
      %lt3A_1222 = arith.constant 3128 : i32
      %lt3A_1223 = vector.broadcast %lt3A_1222 : i32 to vector<16xi32>
      %lt3A_1224 = arith.cmpi slt, %sub3A_1218, %lt3A_1223 : vector<16xi32>
      %and3A_1225 = arith.andi %ge3A_1221, %lt3A_1224 : vector<16xi1>
      tpu.vector_store_idx %arg11[%sub3A_1218], %get3A_862 masked %and3A_1225 : memref<3128xf32, #tpu.memory_space<vmem>>[vector<16xi32>], vector<16xf32>, vector<16xi1>
      %mul3A_1226 = arith.constant 8 : i32
      %mul3A_1227 = arith.muli %scan3A_1193, %mul3A_1226 : i32
      %add3A_1228 = arith.constant 2 : i32
      %add3A_1229 = arith.addi %mul3A_1227, %add3A_1228 : i32
      %mul3A_1230 = arith.constant 16 : i32
      %mul3A_1231 = arith.muli %add3A_1229, %mul3A_1230 : i32
      %get3A_1232 = arith.index_cast %mul3A_1231 : i32 to index
      %get3A_1233 = tpu.vector_load %arg9[%get3A_1232] {strides = array<i32>} : memref<16384xi32, #tpu.memory_space<vmem>>, vector<16xi32>,
      %sub3A_1234 = vector.broadcast %min3A_861 : i32 to vector<16xi32>
      %sub3A_1235 = arith.subi %get3A_1233, %sub3A_1234 : vector<16xi32>
      %ge3A_1236 = arith.constant 0 : i32
      %ge3A_1237 = vector.broadcast %ge3A_1236 : i32 to vector<16xi32>
      %ge3A_1238 = arith.cmpi sge, %sub3A_1235, %ge3A_1237 : vector<16xi32>
      %lt3A_1239 = arith.constant 3128 : i32
      %lt3A_1240 = vector.broadcast %lt3A_1239 : i32 to vector<16xi32>
      %lt3A_1241 = arith.cmpi slt, %sub3A_1235, %lt3A_1240 : vector<16xi32>
      %and3A_1242 = arith.andi %ge3A_1238, %lt3A_1241 : vector<16xi1>
      tpu.vector_store_idx %arg11[%sub3A_1235], %get3A_862 masked %and3A_1242 : memref<3128xf32, #tpu.memory_space<vmem>>[vector<16xi32>], vector<16xf32>, vector<16xi1>
      %mul3A_1243 = arith.constant 8 : i32
      %mul3A_1244 = arith.muli %scan3A_1193, %mul3A_1243 : i32
      %add3A_1245 = arith.constant 3 : i32
      %add3A_1246 = arith.addi %mul3A_1244, %add3A_1245 : i32
      %mul3A_1247 = arith.constant 16 : i32
      %mul3A_1248 = arith.muli %add3A_1246, %mul3A_1247 : i32
      %get3A_1249 = arith.index_cast %mul3A_1248 : i32 to index
      %get3A_1250 = tpu.vector_load %arg9[%get3A_1249] {strides = array<i32>} : memref<16384xi32, #tpu.memory_space<vmem>>, vector<16xi32>,
      %sub3A_1251 = vector.broadcast %min3A_861 : i32 to vector<16xi32>
      %sub3A_1252 = arith.subi %get3A_1250, %sub3A_1251 : vector<16xi32>
      %ge3A_1253 = arith.constant 0 : i32
      %ge3A_1254 = vector.broadcast %ge3A_1253 : i32 to vector<16xi32>
      %ge3A_1255 = arith.cmpi sge, %sub3A_1252, %ge3A_1254 : vector<16xi32>
      %lt3A_1256 = arith.constant 3128 : i32
      %lt3A_1257 = vector.broadcast %lt3A_1256 : i32 to vector<16xi32>
      %lt3A_1258 = arith.cmpi slt, %sub3A_1252, %lt3A_1257 : vector<16xi32>
      %and3A_1259 = arith.andi %ge3A_1255, %lt3A_1258 : vector<16xi1>
      tpu.vector_store_idx %arg11[%sub3A_1252], %get3A_862 masked %and3A_1259 : memref<3128xf32, #tpu.memory_space<vmem>>[vector<16xi32>], vector<16xf32>, vector<16xi1>
      %mul3A_1260 = arith.constant 8 : i32
      %mul3A_1261 = arith.muli %scan3A_1193, %mul3A_1260 : i32
      %add3A_1262 = arith.constant 4 : i32
      %add3A_1263 = arith.addi %mul3A_1261, %add3A_1262 : i32
      %mul3A_1264 = arith.constant 16 : i32
      %mul3A_1265 = arith.muli %add3A_1263, %mul3A_1264 : i32
      %get3A_1266 = arith.index_cast %mul3A_1265 : i32 to index
      %get3A_1267 = tpu.vector_load %arg9[%get3A_1266] {strides = array<i32>} : memref<16384xi32, #tpu.memory_space<vmem>>, vector<16xi32>,
      %sub3A_1268 = vector.broadcast %min3A_861 : i32 to vector<16xi32>
      %sub3A_1269 = arith.subi %get3A_1267, %sub3A_1268 : vector<16xi32>
      %ge3A_1270 = arith.constant 0 : i32
      %ge3A_1271 = vector.broadcast %ge3A_1270 : i32 to vector<16xi32>
      %ge3A_1272 = arith.cmpi sge, %sub3A_1269, %ge3A_1271 : vector<16xi32>
      %lt3A_1273 = arith.constant 3128 : i32
      %lt3A_1274 = vector.broadcast %lt3A_1273 : i32 to vector<16xi32>
      %lt3A_1275 = arith.cmpi slt, %sub3A_1269, %lt3A_1274 : vector<16xi32>
      %and3A_1276 = arith.andi %ge3A_1272, %lt3A_1275 : vector<16xi1>
      tpu.vector_store_idx %arg11[%sub3A_1269], %get3A_862 masked %and3A_1276 : memref<3128xf32, #tpu.memory_space<vmem>>[vector<16xi32>], vector<16xf32>, vector<16xi1>
      %mul3A_1277 = arith.constant 8 : i32
      %mul3A_1278 = arith.muli %scan3A_1193, %mul3A_1277 : i32
      %add3A_1279 = arith.constant 5 : i32
      %add3A_1280 = arith.addi %mul3A_1278, %add3A_1279 : i32
      %mul3A_1281 = arith.constant 16 : i32
      %mul3A_1282 = arith.muli %add3A_1280, %mul3A_1281 : i32
      %get3A_1283 = arith.index_cast %mul3A_1282 : i32 to index
      %get3A_1284 = tpu.vector_load %arg9[%get3A_1283] {strides = array<i32>} : memref<16384xi32, #tpu.memory_space<vmem>>, vector<16xi32>,
      %sub3A_1285 = vector.broadcast %min3A_861 : i32 to vector<16xi32>
      %sub3A_1286 = arith.subi %get3A_1284, %sub3A_1285 : vector<16xi32>
      %ge3A_1287 = arith.constant 0 : i32
      %ge3A_1288 = vector.broadcast %ge3A_1287 : i32 to vector<16xi32>
      %ge3A_1289 = arith.cmpi sge, %sub3A_1286, %ge3A_1288 : vector<16xi32>
      %lt3A_1290 = arith.constant 3128 : i32
      %lt3A_1291 = vector.broadcast %lt3A_1290 : i32 to vector<16xi32>
      %lt3A_1292 = arith.cmpi slt, %sub3A_1286, %lt3A_1291 : vector<16xi32>
      %and3A_1293 = arith.andi %ge3A_1289, %lt3A_1292 : vector<16xi1>
      tpu.vector_store_idx %arg11[%sub3A_1286], %get3A_862 masked %and3A_1293 : memref<3128xf32, #tpu.memory_space<vmem>>[vector<16xi32>], vector<16xf32>, vector<16xi1>
      %mul3A_1294 = arith.constant 8 : i32
      %mul3A_1295 = arith.muli %scan3A_1193, %mul3A_1294 : i32
      %add3A_1296 = arith.constant 6 : i32
      %add3A_1297 = arith.addi %mul3A_1295, %add3A_1296 : i32
      %mul3A_1298 = arith.constant 16 : i32
      %mul3A_1299 = arith.muli %add3A_1297, %mul3A_1298 : i32
      %get3A_1300 = arith.index_cast %mul3A_1299 : i32 to index
      %get3A_1301 = tpu.vector_load %arg9[%get3A_1300] {strides = array<i32>} : memref<16384xi32, #tpu.memory_space<vmem>>, vector<16xi32>,
      %sub3A_1302 = vector.broadcast %min3A_861 : i32 to vector<16xi32>
      %sub3A_1303 = arith.subi %get3A_1301, %sub3A_1302 : vector<16xi32>
      %ge3A_1304 = arith.constant 0 : i32
      %ge3A_1305 = vector.broadcast %ge3A_1304 : i32 to vector<16xi32>
      %ge3A_1306 = arith.cmpi sge, %sub3A_1303, %ge3A_1305 : vector<16xi32>
      %lt3A_1307 = arith.constant 3128 : i32
      %lt3A_1308 = vector.broadcast %lt3A_1307 : i32 to vector<16xi32>
      %lt3A_1309 = arith.cmpi slt, %sub3A_1303, %lt3A_1308 : vector<16xi32>
      %and3A_1310 = arith.andi %ge3A_1306, %lt3A_1309 : vector<16xi1>
      tpu.vector_store_idx %arg11[%sub3A_1303], %get3A_862 masked %and3A_1310 : memref<3128xf32, #tpu.memory_space<vmem>>[vector<16xi32>], vector<16xf32>, vector<16xi1>
      %mul3A_1311 = arith.constant 8 : i32
      %mul3A_1312 = arith.muli %scan3A_1193, %mul3A_1311 : i32
      %add3A_1313 = arith.constant 7 : i32
      %add3A_1314 = arith.addi %mul3A_1312, %add3A_1313 : i32
      %mul3A_1315 = arith.constant 16 : i32
      %mul3A_1316 = arith.muli %add3A_1314, %mul3A_1315 : i32
      %get3A_1317 = arith.index_cast %mul3A_1316 : i32 to index
      %get3A_1318 = tpu.vector_load %arg9[%get3A_1317] {strides = array<i32>} : memref<16384xi32, #tpu.memory_space<vmem>>, vector<16xi32>,
      %sub3A_1319 = vector.broadcast %min3A_861 : i32 to vector<16xi32>
      %sub3A_1320 = arith.subi %get3A_1318, %sub3A_1319 : vector<16xi32>
      %ge3A_1321 = arith.constant 0 : i32
      %ge3A_1322 = vector.broadcast %ge3A_1321 : i32 to vector<16xi32>
      %ge3A_1323 = arith.cmpi sge, %sub3A_1320, %ge3A_1322 : vector<16xi32>
      %lt3A_1324 = arith.constant 3128 : i32
      %lt3A_1325 = vector.broadcast %lt3A_1324 : i32 to vector<16xi32>
      %lt3A_1326 = arith.cmpi slt, %sub3A_1320, %lt3A_1325 : vector<16xi32>
      %and3A_1327 = arith.andi %ge3A_1323, %lt3A_1326 : vector<16xi1>
      tpu.vector_store_idx %arg11[%sub3A_1320], %get3A_862 masked %and3A_1327 : memref<3128xf32, #tpu.memory_space<vmem>>[vector<16xi32>], vector<16xf32>, vector<16xi1>
    }
    %scan3A_1082 = arith.constant 32 : i32
    %dma_wait3A_1083 = arith.constant 128 : i32
    %dma_wait3A_1084 = arith.constant 0 : i32
    %dma_wait3A_1085 = tpu.memref_slice %arg10[%dma_wait3A_1083, %dma_wait3A_1084] : memref<512x128xf32, #tpu.memory_space<vmem>> -> memref<128x128xf32, #tpu.memory_space<vmem>>
    %dma_wait3A_1086 = arith.constant 128 : i32
    %dma_wait3A_1087 = tpu.memref_slice %arg8[%dma_wait3A_1086] : memref<512xi32, #tpu.memory_space<vmem>> -> memref<128xi32, #tpu.memory_space<vmem>>
    %dma_wait3A_1088 = arith.constant 0 : i32
    %dma_wait3A_1089 = arith.constant 0 : i32
    %dma_wait3A_1090 = tpu.memref_slice %arg2[%dma_wait3A_1088, %dma_wait3A_1089] : memref<100000x128xf32, #tpu.memory_space<hbm>> -> memref<100000x128xf32, #tpu.memory_space<hbm>>
    tpu.wait_indirect_dma semaphore(%arg13 : memref<!tpu.dma_semaphore, #tpu.memory_space<semaphore_mem>>) src(%dma_wait3A_1090 : memref<100000x128xf32, #tpu.memory_space<hbm>>) dst(%dma_wait3A_1085 : memref<128x128xf32, #tpu.memory_space<vmem>>)
    %add3A_1091 = arith.constant 128 : i32
    %add3A_1092 = arith.addi %mul3A_2, %add3A_1091 : i32
    %dma_start3A_1093 = arith.constant 128 : i32
    %dma_start3A_1094 = arith.constant 0 : i32
    %dma_start3A_1095 = tpu.memref_slice %arg10[%dma_start3A_1093, %dma_start3A_1094] : memref<512x128xf32, #tpu.memory_space<vmem>> -> memref<128x128xf32, #tpu.memory_space<vmem>>
    %dma_start3A_1096 = arith.constant 0 : i32
    %dma_start3A_1097 = tpu.memref_slice %arg6[%add3A_1092, %dma_start3A_1096] : memref<16384x128xf32, #tpu.memory_space<hbm>> -> memref<128x128xf32, #tpu.memory_space<hbm>>
    %dma_start3A_1098 = arith.constant 0 : i32
    %dma_start3A_1099 = tpu.memref_slice %arg6[%add3A_1092, %dma_start3A_1098] : memref<16384x128xf32, #tpu.memory_space<hbm>> -> memref<128x128xf32, #tpu.memory_space<hbm>>
    %dma_start3A_1100 = arith.constant 128 : i32
    %dma_start3A_1101 = arith.constant 0 : i32
    %dma_start3A_1102 = tpu.memref_slice %arg10[%dma_start3A_1100, %dma_start3A_1101] : memref<512x128xf32, #tpu.memory_space<vmem>> -> memref<128x128xf32, #tpu.memory_space<vmem>>
    tpu.enqueue_dma source(%dma_start3A_1102 : memref<128x128xf32, #tpu.memory_space<vmem>>) target(%dma_start3A_1099 : memref<128x128xf32, #tpu.memory_space<hbm>>) target_semaphore(%arg13 : memref<!tpu.dma_semaphore, #tpu.memory_space<semaphore_mem>>)
    %scan3A_1103 = arith.constant 64 : i32
    %scan3A_1104 = arith.constant 32 : i32
    %scan3A_1105 = arith.addi %scan3A_1103, %scan3A_1104 : i32
    %scan3A_1106 = arith.constant 1 : i32
    scf.for %scan3A_1193 = %scan3A_1103 to %scan3A_1105 step %scan3A_1106  : i32 {
      %mul3A_1194 = arith.constant 8 : i32
      %mul3A_1195 = arith.muli %scan3A_1193, %mul3A_1194 : i32
      %add3A_1196 = arith.constant 0 : i32
      %add3A_1197 = arith.addi %mul3A_1195, %add3A_1196 : i32
      %mul3A_1198 = arith.constant 16 : i32
      %mul3A_1199 = arith.muli %add3A_1197, %mul3A_1198 : i32
      %get3A_1200 = arith.index_cast %mul3A_1199 : i32 to index
      %get3A_1201 = tpu.vector_load %arg9[%get3A_1200] {strides = array<i32>} : memref<16384xi32, #tpu.memory_space<vmem>>, vector<16xi32>,
      %sub3A = vector.broadcast %min3A_861 : i32 to vector<16xi32>
      %sub3A_1202 = arith.subi %get3A_1201, %sub3A : vector<16xi32>
      %ge3A = arith.constant 0 : i32
      %ge3A_1203 = vector.broadcast %ge3A : i32 to vector<16xi32>
      %ge3A_1204 = arith.cmpi sge, %sub3A_1202, %ge3A_1203 : vector<16xi32>
      %lt3A_1205 = arith.constant 3128 : i32
      %lt3A_1206 = vector.broadcast %lt3A_1205 : i32 to vector<16xi32>
      %lt3A_1207 = arith.cmpi slt, %sub3A_1202, %lt3A_1206 : vector<16xi32>
      %and3A_1208 = arith.andi %ge3A_1204, %lt3A_1207 : vector<16xi1>
      tpu.vector_store_idx %arg11[%sub3A_1202], %get3A_862 masked %and3A_1208 : memref<3128xf32, #tpu.memory_space<vmem>>[vector<16xi32>], vector<16xf32>, vector<16xi1>
      %mul3A_1209 = arith.constant 8 : i32
      %mul3A_1210 = arith.muli %scan3A_1193, %mul3A_1209 : i32
      %add3A_1211 = arith.constant 1 : i32
      %add3A_1212 = arith.addi %mul3A_1210, %add3A_1211 : i32
      %mul3A_1213 = arith.constant 16 : i32
      %mul3A_1214 = arith.muli %add3A_1212, %mul3A_1213 : i32
      %get3A_1215 = arith.index_cast %mul3A_1214 : i32 to index
      %get3A_1216 = tpu.vector_load %arg9[%get3A_1215] {strides = array<i32>} : memref<16384xi32, #tpu.memory_space<vmem>>, vector<16xi32>,
      %sub3A_1217 = vector.broadcast %min3A_861 : i32 to vector<16xi32>
      %sub3A_1218 = arith.subi %get3A_1216, %sub3A_1217 : vector<16xi32>
      %ge3A_1219 = arith.constant 0 : i32
      %ge3A_1220 = vector.broadcast %ge3A_1219 : i32 to vector<16xi32>
      %ge3A_1221 = arith.cmpi sge, %sub3A_1218, %ge3A_1220 : vector<16xi32>
      %lt3A_1222 = arith.constant 3128 : i32
      %lt3A_1223 = vector.broadcast %lt3A_1222 : i32 to vector<16xi32>
      %lt3A_1224 = arith.cmpi slt, %sub3A_1218, %lt3A_1223 : vector<16xi32>
      %and3A_1225 = arith.andi %ge3A_1221, %lt3A_1224 : vector<16xi1>
      tpu.vector_store_idx %arg11[%sub3A_1218], %get3A_862 masked %and3A_1225 : memref<3128xf32, #tpu.memory_space<vmem>>[vector<16xi32>], vector<16xf32>, vector<16xi1>
      %mul3A_1226 = arith.constant 8 : i32
      %mul3A_1227 = arith.muli %scan3A_1193, %mul3A_1226 : i32
      %add3A_1228 = arith.constant 2 : i32
      %add3A_1229 = arith.addi %mul3A_1227, %add3A_1228 : i32
      %mul3A_1230 = arith.constant 16 : i32
      %mul3A_1231 = arith.muli %add3A_1229, %mul3A_1230 : i32
      %get3A_1232 = arith.index_cast %mul3A_1231 : i32 to index
      %get3A_1233 = tpu.vector_load %arg9[%get3A_1232] {strides = array<i32>} : memref<16384xi32, #tpu.memory_space<vmem>>, vector<16xi32>,
      %sub3A_1234 = vector.broadcast %min3A_861 : i32 to vector<16xi32>
      %sub3A_1235 = arith.subi %get3A_1233, %sub3A_1234 : vector<16xi32>
      %ge3A_1236 = arith.constant 0 : i32
      %ge3A_1237 = vector.broadcast %ge3A_1236 : i32 to vector<16xi32>
      %ge3A_1238 = arith.cmpi sge, %sub3A_1235, %ge3A_1237 : vector<16xi32>
      %lt3A_1239 = arith.constant 3128 : i32
      %lt3A_1240 = vector.broadcast %lt3A_1239 : i32 to vector<16xi32>
      %lt3A_1241 = arith.cmpi slt, %sub3A_1235, %lt3A_1240 : vector<16xi32>
      %and3A_1242 = arith.andi %ge3A_1238, %lt3A_1241 : vector<16xi1>
      tpu.vector_store_idx %arg11[%sub3A_1235], %get3A_862 masked %and3A_1242 : memref<3128xf32, #tpu.memory_space<vmem>>[vector<16xi32>], vector<16xf32>, vector<16xi1>
      %mul3A_1243 = arith.constant 8 : i32
      %mul3A_1244 = arith.muli %scan3A_1193, %mul3A_1243 : i32
      %add3A_1245 = arith.constant 3 : i32
      %add3A_1246 = arith.addi %mul3A_1244, %add3A_1245 : i32
      %mul3A_1247 = arith.constant 16 : i32
      %mul3A_1248 = arith.muli %add3A_1246, %mul3A_1247 : i32
      %get3A_1249 = arith.index_cast %mul3A_1248 : i32 to index
      %get3A_1250 = tpu.vector_load %arg9[%get3A_1249] {strides = array<i32>} : memref<16384xi32, #tpu.memory_space<vmem>>, vector<16xi32>,
      %sub3A_1251 = vector.broadcast %min3A_861 : i32 to vector<16xi32>
      %sub3A_1252 = arith.subi %get3A_1250, %sub3A_1251 : vector<16xi32>
      %ge3A_1253 = arith.constant 0 : i32
      %ge3A_1254 = vector.broadcast %ge3A_1253 : i32 to vector<16xi32>
      %ge3A_1255 = arith.cmpi sge, %sub3A_1252, %ge3A_1254 : vector<16xi32>
      %lt3A_1256 = arith.constant 3128 : i32
      %lt3A_1257 = vector.broadcast %lt3A_1256 : i32 to vector<16xi32>
      %lt3A_1258 = arith.cmpi slt, %sub3A_1252, %lt3A_1257 : vector<16xi32>
      %and3A_1259 = arith.andi %ge3A_1255, %lt3A_1258 : vector<16xi1>
      tpu.vector_store_idx %arg11[%sub3A_1252], %get3A_862 masked %and3A_1259 : memref<3128xf32, #tpu.memory_space<vmem>>[vector<16xi32>], vector<16xf32>, vector<16xi1>
      %mul3A_1260 = arith.constant 8 : i32
      %mul3A_1261 = arith.muli %scan3A_1193, %mul3A_1260 : i32
      %add3A_1262 = arith.constant 4 : i32
      %add3A_1263 = arith.addi %mul3A_1261, %add3A_1262 : i32
      %mul3A_1264 = arith.constant 16 : i32
      %mul3A_1265 = arith.muli %add3A_1263, %mul3A_1264 : i32
      %get3A_1266 = arith.index_cast %mul3A_1265 : i32 to index
      %get3A_1267 = tpu.vector_load %arg9[%get3A_1266] {strides = array<i32>} : memref<16384xi32, #tpu.memory_space<vmem>>, vector<16xi32>,
      %sub3A_1268 = vector.broadcast %min3A_861 : i32 to vector<16xi32>
      %sub3A_1269 = arith.subi %get3A_1267, %sub3A_1268 : vector<16xi32>
      %ge3A_1270 = arith.constant 0 : i32
      %ge3A_1271 = vector.broadcast %ge3A_1270 : i32 to vector<16xi32>
      %ge3A_1272 = arith.cmpi sge, %sub3A_1269, %ge3A_1271 : vector<16xi32>
      %lt3A_1273 = arith.constant 3128 : i32
      %lt3A_1274 = vector.broadcast %lt3A_1273 : i32 to vector<16xi32>
      %lt3A_1275 = arith.cmpi slt, %sub3A_1269, %lt3A_1274 : vector<16xi32>
      %and3A_1276 = arith.andi %ge3A_1272, %lt3A_1275 : vector<16xi1>
      tpu.vector_store_idx %arg11[%sub3A_1269], %get3A_862 masked %and3A_1276 : memref<3128xf32, #tpu.memory_space<vmem>>[vector<16xi32>], vector<16xf32>, vector<16xi1>
      %mul3A_1277 = arith.constant 8 : i32
      %mul3A_1278 = arith.muli %scan3A_1193, %mul3A_1277 : i32
      %add3A_1279 = arith.constant 5 : i32
      %add3A_1280 = arith.addi %mul3A_1278, %add3A_1279 : i32
      %mul3A_1281 = arith.constant 16 : i32
      %mul3A_1282 = arith.muli %add3A_1280, %mul3A_1281 : i32
      %get3A_1283 = arith.index_cast %mul3A_1282 : i32 to index
      %get3A_1284 = tpu.vector_load %arg9[%get3A_1283] {strides = array<i32>} : memref<16384xi32, #tpu.memory_space<vmem>>, vector<16xi32>,
      %sub3A_1285 = vector.broadcast %min3A_861 : i32 to vector<16xi32>
      %sub3A_1286 = arith.subi %get3A_1284, %sub3A_1285 : vector<16xi32>
      %ge3A_1287 = arith.constant 0 : i32
      %ge3A_1288 = vector.broadcast %ge3A_1287 : i32 to vector<16xi32>
      %ge3A_1289 = arith.cmpi sge, %sub3A_1286, %ge3A_1288 : vector<16xi32>
      %lt3A_1290 = arith.constant 3128 : i32
      %lt3A_1291 = vector.broadcast %lt3A_1290 : i32 to vector<16xi32>
      %lt3A_1292 = arith.cmpi slt, %sub3A_1286, %lt3A_1291 : vector<16xi32>
      %and3A_1293 = arith.andi %ge3A_1289, %lt3A_1292 : vector<16xi1>
      tpu.vector_store_idx %arg11[%sub3A_1286], %get3A_862 masked %and3A_1293 : memref<3128xf32, #tpu.memory_space<vmem>>[vector<16xi32>], vector<16xf32>, vector<16xi1>
      %mul3A_1294 = arith.constant 8 : i32
      %mul3A_1295 = arith.muli %scan3A_1193, %mul3A_1294 : i32
      %add3A_1296 = arith.constant 6 : i32
      %add3A_1297 = arith.addi %mul3A_1295, %add3A_1296 : i32
      %mul3A_1298 = arith.constant 16 : i32
      %mul3A_1299 = arith.muli %add3A_1297, %mul3A_1298 : i32
      %get3A_1300 = arith.index_cast %mul3A_1299 : i32 to index
      %get3A_1301 = tpu.vector_load %arg9[%get3A_1300] {strides = array<i32>} : memref<16384xi32, #tpu.memory_space<vmem>>, vector<16xi32>,
      %sub3A_1302 = vector.broadcast %min3A_861 : i32 to vector<16xi32>
      %sub3A_1303 = arith.subi %get3A_1301, %sub3A_1302 : vector<16xi32>
      %ge3A_1304 = arith.constant 0 : i32
      %ge3A_1305 = vector.broadcast %ge3A_1304 : i32 to vector<16xi32>
      %ge3A_1306 = arith.cmpi sge, %sub3A_1303, %ge3A_1305 : vector<16xi32>
      %lt3A_1307 = arith.constant 3128 : i32
      %lt3A_1308 = vector.broadcast %lt3A_1307 : i32 to vector<16xi32>
      %lt3A_1309 = arith.cmpi slt, %sub3A_1303, %lt3A_1308 : vector<16xi32>
      %and3A_1310 = arith.andi %ge3A_1306, %lt3A_1309 : vector<16xi1>
      tpu.vector_store_idx %arg11[%sub3A_1303], %get3A_862 masked %and3A_1310 : memref<3128xf32, #tpu.memory_space<vmem>>[vector<16xi32>], vector<16xf32>, vector<16xi1>
      %mul3A_1311 = arith.constant 8 : i32
      %mul3A_1312 = arith.muli %scan3A_1193, %mul3A_1311 : i32
      %add3A_1313 = arith.constant 7 : i32
      %add3A_1314 = arith.addi %mul3A_1312, %add3A_1313 : i32
      %mul3A_1315 = arith.constant 16 : i32
      %mul3A_1316 = arith.muli %add3A_1314, %mul3A_1315 : i32
      %get3A_1317 = arith.index_cast %mul3A_1316 : i32 to index
      %get3A_1318 = tpu.vector_load %arg9[%get3A_1317] {strides = array<i32>} : memref<16384xi32, #tpu.memory_space<vmem>>, vector<16xi32>,
      %sub3A_1319 = vector.broadcast %min3A_861 : i32 to vector<16xi32>
      %sub3A_1320 = arith.subi %get3A_1318, %sub3A_1319 : vector<16xi32>
      %ge3A_1321 = arith.constant 0 : i32
      %ge3A_1322 = vector.broadcast %ge3A_1321 : i32 to vector<16xi32>
      %ge3A_1323 = arith.cmpi sge, %sub3A_1320, %ge3A_1322 : vector<16xi32>
      %lt3A_1324 = arith.constant 3128 : i32
      %lt3A_1325 = vector.broadcast %lt3A_1324 : i32 to vector<16xi32>
      %lt3A_1326 = arith.cmpi slt, %sub3A_1320, %lt3A_1325 : vector<16xi32>
      %and3A_1327 = arith.andi %ge3A_1323, %lt3A_1326 : vector<16xi1>
      tpu.vector_store_idx %arg11[%sub3A_1320], %get3A_862 masked %and3A_1327 : memref<3128xf32, #tpu.memory_space<vmem>>[vector<16xi32>], vector<16xf32>, vector<16xi1>
    }
    %scan3A_1107 = arith.constant 32 : i32
    %dma_wait3A_1108 = arith.constant 256 : i32
    %dma_wait3A_1109 = arith.constant 0 : i32
    %dma_wait3A_1110 = tpu.memref_slice %arg10[%dma_wait3A_1108, %dma_wait3A_1109] : memref<512x128xf32, #tpu.memory_space<vmem>> -> memref<128x128xf32, #tpu.memory_space<vmem>>
    %dma_wait3A_1111 = arith.constant 256 : i32
    %dma_wait3A_1112 = tpu.memref_slice %arg8[%dma_wait3A_1111] : memref<512xi32, #tpu.memory_space<vmem>> -> memref<128xi32, #tpu.memory_space<vmem>>
    %dma_wait3A_1113 = arith.constant 0 : i32
    %dma_wait3A_1114 = arith.constant 0 : i32
    %dma_wait3A_1115 = tpu.memref_slice %arg2[%dma_wait3A_1113, %dma_wait3A_1114] : memref<100000x128xf32, #tpu.memory_space<hbm>> -> memref<100000x128xf32, #tpu.memory_space<hbm>>
    tpu.wait_indirect_dma semaphore(%arg13 : memref<!tpu.dma_semaphore, #tpu.memory_space<semaphore_mem>>) src(%dma_wait3A_1115 : memref<100000x128xf32, #tpu.memory_space<hbm>>) dst(%dma_wait3A_1110 : memref<128x128xf32, #tpu.memory_space<vmem>>)
    %add3A_1116 = arith.constant 256 : i32
    %add3A_1117 = arith.addi %mul3A_2, %add3A_1116 : i32
    %dma_start3A_1118 = arith.constant 256 : i32
    %dma_start3A_1119 = arith.constant 0 : i32
    %dma_start3A_1120 = tpu.memref_slice %arg10[%dma_start3A_1118, %dma_start3A_1119] : memref<512x128xf32, #tpu.memory_space<vmem>> -> memref<128x128xf32, #tpu.memory_space<vmem>>
    %dma_start3A_1121 = arith.constant 0 : i32
    %dma_start3A_1122 = tpu.memref_slice %arg6[%add3A_1117, %dma_start3A_1121] : memref<16384x128xf32, #tpu.memory_space<hbm>> -> memref<128x128xf32, #tpu.memory_space<hbm>>
    %dma_start3A_1123 = arith.constant 0 : i32
    %dma_start3A_1124 = tpu.memref_slice %arg6[%add3A_1117, %dma_start3A_1123] : memref<16384x128xf32, #tpu.memory_space<hbm>> -> memref<128x128xf32, #tpu.memory_space<hbm>>
    %dma_start3A_1125 = arith.constant 256 : i32
    %dma_start3A_1126 = arith.constant 0 : i32
    %dma_start3A_1127 = tpu.memref_slice %arg10[%dma_start3A_1125, %dma_start3A_1126] : memref<512x128xf32, #tpu.memory_space<vmem>> -> memref<128x128xf32, #tpu.memory_space<vmem>>
    tpu.enqueue_dma source(%dma_start3A_1127 : memref<128x128xf32, #tpu.memory_space<vmem>>) target(%dma_start3A_1124 : memref<128x128xf32, #tpu.memory_space<hbm>>) target_semaphore(%arg13 : memref<!tpu.dma_semaphore, #tpu.memory_space<semaphore_mem>>)
    %scan3A_1128 = arith.constant 96 : i32
    %scan3A_1129 = arith.constant 32 : i32
    %scan3A_1130 = arith.addi %scan3A_1128, %scan3A_1129 : i32
    %scan3A_1131 = arith.constant 1 : i32
    scf.for %scan3A_1193 = %scan3A_1128 to %scan3A_1130 step %scan3A_1131  : i32 {
      %mul3A_1194 = arith.constant 8 : i32
      %mul3A_1195 = arith.muli %scan3A_1193, %mul3A_1194 : i32
      %add3A_1196 = arith.constant 0 : i32
      %add3A_1197 = arith.addi %mul3A_1195, %add3A_1196 : i32
      %mul3A_1198 = arith.constant 16 : i32
      %mul3A_1199 = arith.muli %add3A_1197, %mul3A_1198 : i32
      %get3A_1200 = arith.index_cast %mul3A_1199 : i32 to index
      %get3A_1201 = tpu.vector_load %arg9[%get3A_1200] {strides = array<i32>} : memref<16384xi32, #tpu.memory_space<vmem>>, vector<16xi32>,
      %sub3A = vector.broadcast %min3A_861 : i32 to vector<16xi32>
      %sub3A_1202 = arith.subi %get3A_1201, %sub3A : vector<16xi32>
      %ge3A = arith.constant 0 : i32
      %ge3A_1203 = vector.broadcast %ge3A : i32 to vector<16xi32>
      %ge3A_1204 = arith.cmpi sge, %sub3A_1202, %ge3A_1203 : vector<16xi32>
      %lt3A_1205 = arith.constant 3128 : i32
      %lt3A_1206 = vector.broadcast %lt3A_1205 : i32 to vector<16xi32>
      %lt3A_1207 = arith.cmpi slt, %sub3A_1202, %lt3A_1206 : vector<16xi32>
      %and3A_1208 = arith.andi %ge3A_1204, %lt3A_1207 : vector<16xi1>
      tpu.vector_store_idx %arg11[%sub3A_1202], %get3A_862 masked %and3A_1208 : memref<3128xf32, #tpu.memory_space<vmem>>[vector<16xi32>], vector<16xf32>, vector<16xi1>
      %mul3A_1209 = arith.constant 8 : i32
      %mul3A_1210 = arith.muli %scan3A_1193, %mul3A_1209 : i32
      %add3A_1211 = arith.constant 1 : i32
      %add3A_1212 = arith.addi %mul3A_1210, %add3A_1211 : i32
      %mul3A_1213 = arith.constant 16 : i32
      %mul3A_1214 = arith.muli %add3A_1212, %mul3A_1213 : i32
      %get3A_1215 = arith.index_cast %mul3A_1214 : i32 to index
      %get3A_1216 = tpu.vector_load %arg9[%get3A_1215] {strides = array<i32>} : memref<16384xi32, #tpu.memory_space<vmem>>, vector<16xi32>,
      %sub3A_1217 = vector.broadcast %min3A_861 : i32 to vector<16xi32>
      %sub3A_1218 = arith.subi %get3A_1216, %sub3A_1217 : vector<16xi32>
      %ge3A_1219 = arith.constant 0 : i32
      %ge3A_1220 = vector.broadcast %ge3A_1219 : i32 to vector<16xi32>
      %ge3A_1221 = arith.cmpi sge, %sub3A_1218, %ge3A_1220 : vector<16xi32>
      %lt3A_1222 = arith.constant 3128 : i32
      %lt3A_1223 = vector.broadcast %lt3A_1222 : i32 to vector<16xi32>
      %lt3A_1224 = arith.cmpi slt, %sub3A_1218, %lt3A_1223 : vector<16xi32>
      %and3A_1225 = arith.andi %ge3A_1221, %lt3A_1224 : vector<16xi1>
      tpu.vector_store_idx %arg11[%sub3A_1218], %get3A_862 masked %and3A_1225 : memref<3128xf32, #tpu.memory_space<vmem>>[vector<16xi32>], vector<16xf32>, vector<16xi1>
      %mul3A_1226 = arith.constant 8 : i32
      %mul3A_1227 = arith.muli %scan3A_1193, %mul3A_1226 : i32
      %add3A_1228 = arith.constant 2 : i32
      %add3A_1229 = arith.addi %mul3A_1227, %add3A_1228 : i32
      %mul3A_1230 = arith.constant 16 : i32
      %mul3A_1231 = arith.muli %add3A_1229, %mul3A_1230 : i32
      %get3A_1232 = arith.index_cast %mul3A_1231 : i32 to index
      %get3A_1233 = tpu.vector_load %arg9[%get3A_1232] {strides = array<i32>} : memref<16384xi32, #tpu.memory_space<vmem>>, vector<16xi32>,
      %sub3A_1234 = vector.broadcast %min3A_861 : i32 to vector<16xi32>
      %sub3A_1235 = arith.subi %get3A_1233, %sub3A_1234 : vector<16xi32>
      %ge3A_1236 = arith.constant 0 : i32
      %ge3A_1237 = vector.broadcast %ge3A_1236 : i32 to vector<16xi32>
      %ge3A_1238 = arith.cmpi sge, %sub3A_1235, %ge3A_1237 : vector<16xi32>
      %lt3A_1239 = arith.constant 3128 : i32
      %lt3A_1240 = vector.broadcast %lt3A_1239 : i32 to vector<16xi32>
      %lt3A_1241 = arith.cmpi slt, %sub3A_1235, %lt3A_1240 : vector<16xi32>
      %and3A_1242 = arith.andi %ge3A_1238, %lt3A_1241 : vector<16xi1>
      tpu.vector_store_idx %arg11[%sub3A_1235], %get3A_862 masked %and3A_1242 : memref<3128xf32, #tpu.memory_space<vmem>>[vector<16xi32>], vector<16xf32>, vector<16xi1>
      %mul3A_1243 = arith.constant 8 : i32
      %mul3A_1244 = arith.muli %scan3A_1193, %mul3A_1243 : i32
      %add3A_1245 = arith.constant 3 : i32
      %add3A_1246 = arith.addi %mul3A_1244, %add3A_1245 : i32
      %mul3A_1247 = arith.constant 16 : i32
      %mul3A_1248 = arith.muli %add3A_1246, %mul3A_1247 : i32
      %get3A_1249 = arith.index_cast %mul3A_1248 : i32 to index
      %get3A_1250 = tpu.vector_load %arg9[%get3A_1249] {strides = array<i32>} : memref<16384xi32, #tpu.memory_space<vmem>>, vector<16xi32>,
      %sub3A_1251 = vector.broadcast %min3A_861 : i32 to vector<16xi32>
      %sub3A_1252 = arith.subi %get3A_1250, %sub3A_1251 : vector<16xi32>
      %ge3A_1253 = arith.constant 0 : i32
      %ge3A_1254 = vector.broadcast %ge3A_1253 : i32 to vector<16xi32>
      %ge3A_1255 = arith.cmpi sge, %sub3A_1252, %ge3A_1254 : vector<16xi32>
      %lt3A_1256 = arith.constant 3128 : i32
      %lt3A_1257 = vector.broadcast %lt3A_1256 : i32 to vector<16xi32>
      %lt3A_1258 = arith.cmpi slt, %sub3A_1252, %lt3A_1257 : vector<16xi32>
      %and3A_1259 = arith.andi %ge3A_1255, %lt3A_1258 : vector<16xi1>
      tpu.vector_store_idx %arg11[%sub3A_1252], %get3A_862 masked %and3A_1259 : memref<3128xf32, #tpu.memory_space<vmem>>[vector<16xi32>], vector<16xf32>, vector<16xi1>
      %mul3A_1260 = arith.constant 8 : i32
      %mul3A_1261 = arith.muli %scan3A_1193, %mul3A_1260 : i32
      %add3A_1262 = arith.constant 4 : i32
      %add3A_1263 = arith.addi %mul3A_1261, %add3A_1262 : i32
      %mul3A_1264 = arith.constant 16 : i32
      %mul3A_1265 = arith.muli %add3A_1263, %mul3A_1264 : i32
      %get3A_1266 = arith.index_cast %mul3A_1265 : i32 to index
      %get3A_1267 = tpu.vector_load %arg9[%get3A_1266] {strides = array<i32>} : memref<16384xi32, #tpu.memory_space<vmem>>, vector<16xi32>,
      %sub3A_1268 = vector.broadcast %min3A_861 : i32 to vector<16xi32>
      %sub3A_1269 = arith.subi %get3A_1267, %sub3A_1268 : vector<16xi32>
      %ge3A_1270 = arith.constant 0 : i32
      %ge3A_1271 = vector.broadcast %ge3A_1270 : i32 to vector<16xi32>
      %ge3A_1272 = arith.cmpi sge, %sub3A_1269, %ge3A_1271 : vector<16xi32>
      %lt3A_1273 = arith.constant 3128 : i32
      %lt3A_1274 = vector.broadcast %lt3A_1273 : i32 to vector<16xi32>
      %lt3A_1275 = arith.cmpi slt, %sub3A_1269, %lt3A_1274 : vector<16xi32>
      %and3A_1276 = arith.andi %ge3A_1272, %lt3A_1275 : vector<16xi1>
      tpu.vector_store_idx %arg11[%sub3A_1269], %get3A_862 masked %and3A_1276 : memref<3128xf32, #tpu.memory_space<vmem>>[vector<16xi32>], vector<16xf32>, vector<16xi1>
      %mul3A_1277 = arith.constant 8 : i32
      %mul3A_1278 = arith.muli %scan3A_1193, %mul3A_1277 : i32
      %add3A_1279 = arith.constant 5 : i32
      %add3A_1280 = arith.addi %mul3A_1278, %add3A_1279 : i32
      %mul3A_1281 = arith.constant 16 : i32
      %mul3A_1282 = arith.muli %add3A_1280, %mul3A_1281 : i32
      %get3A_1283 = arith.index_cast %mul3A_1282 : i32 to index
      %get3A_1284 = tpu.vector_load %arg9[%get3A_1283] {strides = array<i32>} : memref<16384xi32, #tpu.memory_space<vmem>>, vector<16xi32>,
      %sub3A_1285 = vector.broadcast %min3A_861 : i32 to vector<16xi32>
      %sub3A_1286 = arith.subi %get3A_1284, %sub3A_1285 : vector<16xi32>
      %ge3A_1287 = arith.constant 0 : i32
      %ge3A_1288 = vector.broadcast %ge3A_1287 : i32 to vector<16xi32>
      %ge3A_1289 = arith.cmpi sge, %sub3A_1286, %ge3A_1288 : vector<16xi32>
      %lt3A_1290 = arith.constant 3128 : i32
      %lt3A_1291 = vector.broadcast %lt3A_1290 : i32 to vector<16xi32>
      %lt3A_1292 = arith.cmpi slt, %sub3A_1286, %lt3A_1291 : vector<16xi32>
      %and3A_1293 = arith.andi %ge3A_1289, %lt3A_1292 : vector<16xi1>
      tpu.vector_store_idx %arg11[%sub3A_1286], %get3A_862 masked %and3A_1293 : memref<3128xf32, #tpu.memory_space<vmem>>[vector<16xi32>], vector<16xf32>, vector<16xi1>
      %mul3A_1294 = arith.constant 8 : i32
      %mul3A_1295 = arith.muli %scan3A_1193, %mul3A_1294 : i32
      %add3A_1296 = arith.constant 6 : i32
      %add3A_1297 = arith.addi %mul3A_1295, %add3A_1296 : i32
      %mul3A_1298 = arith.constant 16 : i32
      %mul3A_1299 = arith.muli %add3A_1297, %mul3A_1298 : i32
      %get3A_1300 = arith.index_cast %mul3A_1299 : i32 to index
      %get3A_1301 = tpu.vector_load %arg9[%get3A_1300] {strides = array<i32>} : memref<16384xi32, #tpu.memory_space<vmem>>, vector<16xi32>,
      %sub3A_1302 = vector.broadcast %min3A_861 : i32 to vector<16xi32>
      %sub3A_1303 = arith.subi %get3A_1301, %sub3A_1302 : vector<16xi32>
      %ge3A_1304 = arith.constant 0 : i32
      %ge3A_1305 = vector.broadcast %ge3A_1304 : i32 to vector<16xi32>
      %ge3A_1306 = arith.cmpi sge, %sub3A_1303, %ge3A_1305 : vector<16xi32>
      %lt3A_1307 = arith.constant 3128 : i32
      %lt3A_1308 = vector.broadcast %lt3A_1307 : i32 to vector<16xi32>
      %lt3A_1309 = arith.cmpi slt, %sub3A_1303, %lt3A_1308 : vector<16xi32>
      %and3A_1310 = arith.andi %ge3A_1306, %lt3A_1309 : vector<16xi1>
      tpu.vector_store_idx %arg11[%sub3A_1303], %get3A_862 masked %and3A_1310 : memref<3128xf32, #tpu.memory_space<vmem>>[vector<16xi32>], vector<16xf32>, vector<16xi1>
      %mul3A_1311 = arith.constant 8 : i32
      %mul3A_1312 = arith.muli %scan3A_1193, %mul3A_1311 : i32
      %add3A_1313 = arith.constant 7 : i32
      %add3A_1314 = arith.addi %mul3A_1312, %add3A_1313 : i32
      %mul3A_1315 = arith.constant 16 : i32
      %mul3A_1316 = arith.muli %add3A_1314, %mul3A_1315 : i32
      %get3A_1317 = arith.index_cast %mul3A_1316 : i32 to index
      %get3A_1318 = tpu.vector_load %arg9[%get3A_1317] {strides = array<i32>} : memref<16384xi32, #tpu.memory_space<vmem>>, vector<16xi32>,
      %sub3A_1319 = vector.broadcast %min3A_861 : i32 to vector<16xi32>
      %sub3A_1320 = arith.subi %get3A_1318, %sub3A_1319 : vector<16xi32>
      %ge3A_1321 = arith.constant 0 : i32
      %ge3A_1322 = vector.broadcast %ge3A_1321 : i32 to vector<16xi32>
      %ge3A_1323 = arith.cmpi sge, %sub3A_1320, %ge3A_1322 : vector<16xi32>
      %lt3A_1324 = arith.constant 3128 : i32
      %lt3A_1325 = vector.broadcast %lt3A_1324 : i32 to vector<16xi32>
      %lt3A_1326 = arith.cmpi slt, %sub3A_1320, %lt3A_1325 : vector<16xi32>
      %and3A_1327 = arith.andi %ge3A_1323, %lt3A_1326 : vector<16xi1>
      tpu.vector_store_idx %arg11[%sub3A_1320], %get3A_862 masked %and3A_1327 : memref<3128xf32, #tpu.memory_space<vmem>>[vector<16xi32>], vector<16xf32>, vector<16xi1>
    }
    %scan3A_1132 = arith.constant 32 : i32
    %dma_wait3A_1133 = arith.constant 384 : i32
    %dma_wait3A_1134 = arith.constant 0 : i32
    %dma_wait3A_1135 = tpu.memref_slice %arg10[%dma_wait3A_1133, %dma_wait3A_1134] : memref<512x128xf32, #tpu.memory_space<vmem>> -> memref<128x128xf32, #tpu.memory_space<vmem>>
    %dma_wait3A_1136 = arith.constant 384 : i32
    %dma_wait3A_1137 = tpu.memref_slice %arg8[%dma_wait3A_1136] : memref<512xi32, #tpu.memory_space<vmem>> -> memref<128xi32, #tpu.memory_space<vmem>>
    %dma_wait3A_1138 = arith.constant 0 : i32
    %dma_wait3A_1139 = arith.constant 0 : i32
    %dma_wait3A_1140 = tpu.memref_slice %arg2[%dma_wait3A_1138, %dma_wait3A_1139] : memref<100000x128xf32, #tpu.memory_space<hbm>> -> memref<100000x128xf32, #tpu.memory_space<hbm>>
    tpu.wait_indirect_dma semaphore(%arg13 : memref<!tpu.dma_semaphore, #tpu.memory_space<semaphore_mem>>) src(%dma_wait3A_1140 : memref<100000x128xf32, #tpu.memory_space<hbm>>) dst(%dma_wait3A_1135 : memref<128x128xf32, #tpu.memory_space<vmem>>)
    %add3A_1141 = arith.constant 384 : i32
    %add3A_1142 = arith.addi %mul3A_2, %add3A_1141 : i32
    %dma_start3A_1143 = arith.constant 384 : i32
    %dma_start3A_1144 = arith.constant 0 : i32
    %dma_start3A_1145 = tpu.memref_slice %arg10[%dma_start3A_1143, %dma_start3A_1144] : memref<512x128xf32, #tpu.memory_space<vmem>> -> memref<128x128xf32, #tpu.memory_space<vmem>>
    %dma_start3A_1146 = arith.constant 0 : i32
    %dma_start3A_1147 = tpu.memref_slice %arg6[%add3A_1142, %dma_start3A_1146] : memref<16384x128xf32, #tpu.memory_space<hbm>> -> memref<128x128xf32, #tpu.memory_space<hbm>>
    %dma_start3A_1148 = arith.constant 0 : i32
    %dma_start3A_1149 = tpu.memref_slice %arg6[%add3A_1142, %dma_start3A_1148] : memref<16384x128xf32, #tpu.memory_space<hbm>> -> memref<128x128xf32, #tpu.memory_space<hbm>>
    %dma_start3A_1150 = arith.constant 384 : i32
    %dma_start3A_1151 = arith.constant 0 : i32
    %dma_start3A_1152 = tpu.memref_slice %arg10[%dma_start3A_1150, %dma_start3A_1151] : memref<512x128xf32, #tpu.memory_space<vmem>> -> memref<128x128xf32, #tpu.memory_space<vmem>>
    tpu.enqueue_dma source(%dma_start3A_1152 : memref<128x128xf32, #tpu.memory_space<vmem>>) target(%dma_start3A_1149 : memref<128x128xf32, #tpu.memory_space<hbm>>) target_semaphore(%arg13 : memref<!tpu.dma_semaphore, #tpu.memory_space<semaphore_mem>>)
    "tpu.region"() ({
      %run_scoped3A = tpu.sem_alloc : memref<!tpu.dma_semaphore, #tpu.memory_space<semaphore_mem>>
      %dma_start3A_1193 = tpu.memref_slice %arg7[%min3A_861] : memref<100000xf32, #tpu.memory_space<hbm>> -> memref<3128xf32, #tpu.memory_space<hbm>>
      %dma_start3A_1194 = tpu.memref_slice %arg7[%min3A_861] : memref<100000xf32, #tpu.memory_space<hbm>> -> memref<3128xf32, #tpu.memory_space<hbm>>
      tpu.enqueue_dma source(%arg11 : memref<3128xf32, #tpu.memory_space<vmem>>) target(%dma_start3A_1194 : memref<3128xf32, #tpu.memory_space<hbm>>) target_semaphore(%run_scoped3A : memref<!tpu.dma_semaphore, #tpu.memory_space<semaphore_mem>>)
      %dma_wait3A_1195 = tpu.memref_slice %arg7[%min3A_861] : memref<100000xf32, #tpu.memory_space<hbm>> -> memref<3128xf32, #tpu.memory_space<hbm>>
      %dma_wait3A_1196 = tpu.memref_slice %arg7[%min3A_861] : memref<100000xf32, #tpu.memory_space<hbm>> -> memref<3128xf32, #tpu.memory_space<hbm>>
      tpu.wait_dma2 semaphore(%run_scoped3A : memref<!tpu.dma_semaphore, #tpu.memory_space<semaphore_mem>>) src(%arg11 : memref<3128xf32, #tpu.memory_space<vmem>>) dst(%dma_wait3A_1196 : memref<3128xf32, #tpu.memory_space<hbm>>)
      tpu.yield
    }) : () -> ()
    %dma_wait3A_1153 = arith.constant 0 : i32
    %dma_wait3A_1154 = arith.constant 0 : i32
    %dma_wait3A_1155 = tpu.memref_slice %arg10[%dma_wait3A_1153, %dma_wait3A_1154] : memref<512x128xf32, #tpu.memory_space<vmem>> -> memref<128x128xf32, #tpu.memory_space<vmem>>
    %dma_wait3A_1156 = arith.constant 0 : i32
    %dma_wait3A_1157 = tpu.memref_slice %arg6[%add3A_1067, %dma_wait3A_1156] : memref<16384x128xf32, #tpu.memory_space<hbm>> -> memref<128x128xf32, #tpu.memory_space<hbm>>
    %dma_wait3A_1158 = arith.constant 0 : i32
    %dma_wait3A_1159 = tpu.memref_slice %arg6[%add3A_1067, %dma_wait3A_1158] : memref<16384x128xf32, #tpu.memory_space<hbm>> -> memref<128x128xf32, #tpu.memory_space<hbm>>
    %dma_wait3A_1160 = arith.constant 0 : i32
    %dma_wait3A_1161 = arith.constant 0 : i32
    %dma_wait3A_1162 = tpu.memref_slice %arg10[%dma_wait3A_1160, %dma_wait3A_1161] : memref<512x128xf32, #tpu.memory_space<vmem>> -> memref<128x128xf32, #tpu.memory_space<vmem>>
    tpu.wait_dma2 semaphore(%arg13 : memref<!tpu.dma_semaphore, #tpu.memory_space<semaphore_mem>>) src(%dma_wait3A_1162 : memref<128x128xf32, #tpu.memory_space<vmem>>) dst(%dma_wait3A_1159 : memref<128x128xf32, #tpu.memory_space<hbm>>)
    %dma_wait3A_1163 = arith.constant 128 : i32
    %dma_wait3A_1164 = arith.constant 0 : i32
    %dma_wait3A_1165 = tpu.memref_slice %arg10[%dma_wait3A_1163, %dma_wait3A_1164] : memref<512x128xf32, #tpu.memory_space<vmem>> -> memref<128x128xf32, #tpu.memory_space<vmem>>
    %dma_wait3A_1166 = arith.constant 0 : i32
    %dma_wait3A_1167 = tpu.memref_slice %arg6[%add3A_1092, %dma_wait3A_1166] : memref<16384x128xf32, #tpu.memory_space<hbm>> -> memref<128x128xf32, #tpu.memory_space<hbm>>
    %dma_wait3A_1168 = arith.constant 0 : i32
    %dma_wait3A_1169 = tpu.memref_slice %arg6[%add3A_1092, %dma_wait3A_1168] : memref<16384x128xf32, #tpu.memory_space<hbm>> -> memref<128x128xf32, #tpu.memory_space<hbm>>
    %dma_wait3A_1170 = arith.constant 128 : i32
    %dma_wait3A_1171 = arith.constant 0 : i32
    %dma_wait3A_1172 = tpu.memref_slice %arg10[%dma_wait3A_1170, %dma_wait3A_1171] : memref<512x128xf32, #tpu.memory_space<vmem>> -> memref<128x128xf32, #tpu.memory_space<vmem>>
    tpu.wait_dma2 semaphore(%arg13 : memref<!tpu.dma_semaphore, #tpu.memory_space<semaphore_mem>>) src(%dma_wait3A_1172 : memref<128x128xf32, #tpu.memory_space<vmem>>) dst(%dma_wait3A_1169 : memref<128x128xf32, #tpu.memory_space<hbm>>)
    %dma_wait3A_1173 = arith.constant 256 : i32
    %dma_wait3A_1174 = arith.constant 0 : i32
    %dma_wait3A_1175 = tpu.memref_slice %arg10[%dma_wait3A_1173, %dma_wait3A_1174] : memref<512x128xf32, #tpu.memory_space<vmem>> -> memref<128x128xf32, #tpu.memory_space<vmem>>
    %dma_wait3A_1176 = arith.constant 0 : i32
    %dma_wait3A_1177 = tpu.memref_slice %arg6[%add3A_1117, %dma_wait3A_1176] : memref<16384x128xf32, #tpu.memory_space<hbm>> -> memref<128x128xf32, #tpu.memory_space<hbm>>
    %dma_wait3A_1178 = arith.constant 0 : i32
    %dma_wait3A_1179 = tpu.memref_slice %arg6[%add3A_1117, %dma_wait3A_1178] : memref<16384x128xf32, #tpu.memory_space<hbm>> -> memref<128x128xf32, #tpu.memory_space<hbm>>
    %dma_wait3A_1180 = arith.constant 256 : i32
    %dma_wait3A_1181 = arith.constant 0 : i32
    %dma_wait3A_1182 = tpu.memref_slice %arg10[%dma_wait3A_1180, %dma_wait3A_1181] : memref<512x128xf32, #tpu.memory_space<vmem>> -> memref<128x128xf32, #tpu.memory_space<vmem>>
    tpu.wait_dma2 semaphore(%arg13 : memref<!tpu.dma_semaphore, #tpu.memory_space<semaphore_mem>>) src(%dma_wait3A_1182 : memref<128x128xf32, #tpu.memory_space<vmem>>) dst(%dma_wait3A_1179 : memref<128x128xf32, #tpu.memory_space<hbm>>)
    %dma_wait3A_1183 = arith.constant 384 : i32
    %dma_wait3A_1184 = arith.constant 0 : i32
    %dma_wait3A_1185 = tpu.memref_slice %arg10[%dma_wait3A_1183, %dma_wait3A_1184] : memref<512x128xf32, #tpu.memory_space<vmem>> -> memref<128x128xf32, #tpu.memory_space<vmem>>
    %dma_wait3A_1186 = arith.constant 0 : i32
    %dma_wait3A_1187 = tpu.memref_slice %arg6[%add3A_1142, %dma_wait3A_1186] : memref<16384x128xf32, #tpu.memory_space<hbm>> -> memref<128x128xf32, #tpu.memory_space<hbm>>
    %dma_wait3A_1188 = arith.constant 0 : i32
    %dma_wait3A_1189 = tpu.memref_slice %arg6[%add3A_1142, %dma_wait3A_1188] : memref<16384x128xf32, #tpu.memory_space<hbm>> -> memref<128x128xf32, #tpu.memory_space<hbm>>
    %dma_wait3A_1190 = arith.constant 384 : i32
    %dma_wait3A_1191 = arith.constant 0 : i32
    %dma_wait3A_1192 = tpu.memref_slice %arg10[%dma_wait3A_1190, %dma_wait3A_1191] : memref<512x128xf32, #tpu.memory_space<vmem>> -> memref<128x128xf32, #tpu.memory_space<vmem>>
    tpu.wait_dma2 semaphore(%arg13 : memref<!tpu.dma_semaphore, #tpu.memory_space<semaphore_mem>>) src(%dma_wait3A_1192 : memref<128x128xf32, #tpu.memory_space<vmem>>) dst(%dma_wait3A_1189 : memref<128x128xf32, #tpu.memory_space<hbm>>)
    return
  }
}

module attributes {stable_mosaic.version = 14 : i64} {
  func.func @_gru_body(%arg0: i32, %arg1: memref<4096x256xf32, #tpu.memory_space<vmem>>, %arg2: memref<4096x128xf32, #tpu.memory_space<vmem>>, %arg3: memref<256x384xf32, #tpu.memory_space<vmem>>, %arg4: memref<128x384xf32, #tpu.memory_space<vmem>>, %arg5: memref<1x384xf32, #tpu.memory_space<vmem>>, %arg6: memref<1x384xf32, #tpu.memory_space<vmem>>, %arg7: memref<4096x128xf32, #tpu.memory_space<vmem>>) attributes {dimension_semantics = [#tpu.dimension_semantics<arbitrary>], iteration_bounds = array<i64: 4>, scalar_prefetch = 0 : i64, scratch_operands = 0 : i64, tpu.core_type = #tpu.core_type<tc>, window_params = [{transform_indices = @transform_0, window_bounds = array<i64: 4096, 256>}, {transform_indices = @transform_1, window_bounds = array<i64: 4096, 128>}, {pipeline_mode = #tpu.pipeline_mode<synchronous>, transform_indices = @transform_2, window_bounds = array<i64: 256, 384>}, {pipeline_mode = #tpu.pipeline_mode<synchronous>, transform_indices = @transform_3, window_bounds = array<i64: 128, 384>}, {pipeline_mode = #tpu.pipeline_mode<synchronous>, transform_indices = @transform_4, window_bounds = array<i64: 1, 384>}, {pipeline_mode = #tpu.pipeline_mode<synchronous>, transform_indices = @transform_5, window_bounds = array<i64: 1, 384>}, {transform_indices = @transform_6, window_bounds = array<i64: 4096, 128>}]} {
    %get3A = arith.constant 0 : index
    %get3A_0 = arith.constant 0 : index
    %get3A_1 = vector.load %arg2[%get3A, %get3A_0] : memref<4096x128xf32, #tpu.memory_space<vmem>>, vector<4096x128xf32>
    %get3A_2 = arith.constant 0 : index
    %get3A_3 = arith.constant 0 : index
    %get3A_4 = vector.load %arg1[%get3A_2, %get3A_3] : memref<4096x256xf32, #tpu.memory_space<vmem>>, vector<4096x256xf32>
    %get3A_5 = arith.constant 0 : index
    %get3A_6 = arith.constant 0 : index
    %get3A_7 = vector.load %arg3[%get3A_5, %get3A_6] : memref<256x384xf32, #tpu.memory_space<vmem>>, vector<256x384xf32>
    %dot_general3A = arith.constant dense<0.000000e+00> : vector<4096x384xf32>
    %dot_general3A_8 = tpu.matmul %get3A_4, %get3A_7, %dot_general3A {dimension_numbers = #tpu.dot_dimension_numbers<[1], [0], [0], [1], [0, 0, 1, 1], [], []>, transpose_lhs_hint = false} : vector<4096x256xf32>, vector<256x384xf32>, vector<4096x384xf32> -> vector<4096x384xf32>
    %get3A_9 = arith.constant 0 : index
    %get3A_10 = arith.constant 0 : index
    %get3A_11 = vector.load %arg4[%get3A_9, %get3A_10] : memref<128x384xf32, #tpu.memory_space<vmem>>, vector<128x384xf32>
    %dot_general3A_12 = arith.constant dense<0.000000e+00> : vector<4096x384xf32>
    %dot_general3A_13 = tpu.matmul %get3A_1, %get3A_11, %dot_general3A_12 {dimension_numbers = #tpu.dot_dimension_numbers<[1], [0], [0], [1], [0, 0, 1, 1], [], []>, transpose_lhs_hint = false} : vector<4096x128xf32>, vector<128x384xf32>, vector<4096x384xf32> -> vector<4096x384xf32>
    %get3A_14 = arith.constant 0 : index
    %get3A_15 = arith.constant 0 : index
    %get3A_16 = vector.load %arg5[%get3A_14, %get3A_15] : memref<1x384xf32, #tpu.memory_space<vmem>>, vector<1x384xf32>
    %add3A = vector.broadcast %get3A_16 : vector<1x384xf32> to vector<4096x384xf32>
    %add3A_17 = arith.addf %dot_general3A_8, %add3A : vector<4096x384xf32>
    %get3A_18 = arith.constant 0 : index
    %get3A_19 = arith.constant 0 : index
    %get3A_20 = vector.load %arg6[%get3A_18, %get3A_19] : memref<1x384xf32, #tpu.memory_space<vmem>>, vector<1x384xf32>
    %add3A_21 = vector.broadcast %get3A_20 : vector<1x384xf32> to vector<4096x384xf32>
    %add3A_22 = arith.addf %dot_general3A_13, %add3A_21 : vector<4096x384xf32>
    %slice3A = vector.extract_strided_slice %add3A_17 {offsets = [0, 0], sizes = [4096, 128], strides = [1, 1]} : vector<4096x384xf32> to vector<4096x128xf32>
    %slice3A_23 = vector.extract_strided_slice %add3A_22 {offsets = [0, 0], sizes = [4096, 128], strides = [1, 1]} : vector<4096x384xf32> to vector<4096x128xf32>
    %add3A_24 = arith.addf %slice3A, %slice3A_23 : vector<4096x128xf32>
    %logistic3A = arith.negf %add3A_24 : vector<4096x128xf32>
    %logistic3A_25 = math.exp %logistic3A : vector<4096x128xf32>
    %logistic3A_26 = arith.constant 1.000000e+00 : f32
    %logistic3A_27 = vector.broadcast %logistic3A_26 : f32 to vector<4096x128xf32>
    %logistic3A_28 = arith.addf %logistic3A_27, %logistic3A_25 : vector<4096x128xf32>
    %logistic3A_29 = arith.divf %logistic3A_27, %logistic3A_28 : vector<4096x128xf32>
    %slice3A_30 = vector.extract_strided_slice %add3A_17 {offsets = [0, 128], sizes = [4096, 128], strides = [1, 1]} : vector<4096x384xf32> to vector<4096x128xf32>
    %slice3A_31 = vector.extract_strided_slice %add3A_22 {offsets = [0, 128], sizes = [4096, 128], strides = [1, 1]} : vector<4096x384xf32> to vector<4096x128xf32>
    %add3A_32 = arith.addf %slice3A_30, %slice3A_31 : vector<4096x128xf32>
    %logistic3A_33 = arith.negf %add3A_32 : vector<4096x128xf32>
    %logistic3A_34 = math.exp %logistic3A_33 : vector<4096x128xf32>
    %logistic3A_35 = arith.constant 1.000000e+00 : f32
    %logistic3A_36 = vector.broadcast %logistic3A_35 : f32 to vector<4096x128xf32>
    %logistic3A_37 = arith.addf %logistic3A_36, %logistic3A_34 : vector<4096x128xf32>
    %logistic3A_38 = arith.divf %logistic3A_36, %logistic3A_37 : vector<4096x128xf32>
    %slice3A_39 = vector.extract_strided_slice %add3A_17 {offsets = [0, 256], sizes = [4096, 128], strides = [1, 1]} : vector<4096x384xf32> to vector<4096x128xf32>
    %slice3A_40 = vector.extract_strided_slice %add3A_22 {offsets = [0, 256], sizes = [4096, 128], strides = [1, 1]} : vector<4096x384xf32> to vector<4096x128xf32>
    %mul3A = arith.mulf %logistic3A_29, %slice3A_40 : vector<4096x128xf32>
    %add3A_41 = arith.addf %slice3A_39, %mul3A : vector<4096x128xf32>
    %tanh3A = math.tanh %add3A_41 : vector<4096x128xf32>
    %sub3A = arith.constant 1.000000e+00 : f32
    %sub3A_42 = vector.broadcast %sub3A : f32 to vector<4096x128xf32>
    %sub3A_43 = arith.subf %sub3A_42, %logistic3A_38 : vector<4096x128xf32>
    %mul3A_44 = arith.mulf %sub3A_43, %tanh3A : vector<4096x128xf32>
    %mul3A_45 = arith.mulf %logistic3A_38, %get3A_1 : vector<4096x128xf32>
    %add3A_46 = arith.addf %mul3A_44, %mul3A_45 : vector<4096x128xf32>
    %swap3A = arith.constant 0 : index
    %swap3A_47 = arith.constant 0 : index
    %swap3A_48 = vector.load %arg7[%swap3A, %swap3A_47] : memref<4096x128xf32, #tpu.memory_space<vmem>>, vector<4096x128xf32>
    tpu.vector_store %arg7[%swap3A, %swap3A_47], %add3A_46 {strides = array<i32>} : memref<4096x128xf32, #tpu.memory_space<vmem>>, vector<4096x128xf32>,
    return
  }
  func.func @transform_0(%arg0: i32) -> (i32, i32) {
    %c0_i32 = arith.constant 0 : i32
    %c0_i32_0 = arith.constant 0 : i32
    return %arg0, %c0_i32 : i32, i32
  }
  func.func @transform_1(%arg0: i32) -> (i32, i32) {
    %c0_i32 = arith.constant 0 : i32
    %c0_i32_0 = arith.constant 0 : i32
    return %arg0, %c0_i32 : i32, i32
  }
  func.func @transform_2(%arg0: i32) -> (i32, i32) {
    %c0_i32 = arith.constant 0 : i32
    %c0_i32_0 = arith.constant 0 : i32
    %c0_i32_1 = arith.constant 0 : i32
    return %c0_i32, %c0_i32_0 : i32, i32
  }
  func.func @transform_3(%arg0: i32) -> (i32, i32) {
    %c0_i32 = arith.constant 0 : i32
    %c0_i32_0 = arith.constant 0 : i32
    %c0_i32_1 = arith.constant 0 : i32
    return %c0_i32, %c0_i32_0 : i32, i32
  }
  func.func @transform_4(%arg0: i32) -> (i32, i32) {
    %c0_i32 = arith.constant 0 : i32
    %c0_i32_0 = arith.constant 0 : i32
    %c0_i32_1 = arith.constant 0 : i32
    return %c0_i32, %c0_i32_0 : i32, i32
  }
  func.func @transform_5(%arg0: i32) -> (i32, i32) {
    %c0_i32 = arith.constant 0 : i32
    %c0_i32_0 = arith.constant 0 : i32
    %c0_i32_1 = arith.constant 0 : i32
    return %c0_i32, %c0_i32_0 : i32, i32
  }
  func.func @transform_6(%arg0: i32) -> (i32, i32) {
    %c0_i32 = arith.constant 0 : i32
    %c0_i32_0 = arith.constant 0 : i32
    return %arg0, %c0_i32 : i32, i32
  }
}

</mosaic_0001>

<sc_bundles>
// kernel: kernel.5.cloned.1.call-start
scs
__scs_entry_jumppad:
0x0: {  	(pc) =	sbr.rel $0x88, $3  }
0x1: {  	(tag) =	ssettag $0x0;
	lr =	simm.s32 $0x1  }
0x2: {  	[smem:$0x3F98] =	sst lr;
	_ =	strace $0xD0000000  }
0x3: {  	_ = 	snop  }
0x4: {  	_ = 	snop  }
0x5: {  	_ = 	snop  }
0x6: {  	_ = 	snop  }
0x7: {  	_ = 	snop  }
__scs_overlays_trampoline_lowered:
0x8: {  	[smem:$0x3FA7] =	sst s0  }
0x9: {  	[smem:$0x3FA8] =	sst s1  }
0xa: {  	[smem:$0x3FA9] =	sst s2  }
0xb: {  	[smem:$0x3FAA] =	sst s3  }
0xc: {  	[smem:$0x3FAB] =	sst s4  }
0xd: {  	[smem:$0x3FAC] =	sst s5  }
0xe: {  	[smem:$0x3FAD] =	sst s6  }
0xf: {  	[smem:$0x3FAE] =	sst s7  }
0x10: {  	[smem:$0x3FAF] =	sst s8  }
0x11: {  	[smem:$0x3FB0] =	sst s9;
	s0 =	simm.s32 @!p0 $0x0  }
0x12: {  	s1 =	sld [smem:$0x3F96];
	s0 =	simm.s32 @p0 $0x1  }
0x13: {  	[smem:$0x3FB1] =	sst s0;
	s0 =	simm.s32 @!p1 $0x0  }
0x14: {  	s2 =	sld [smem:$0x3F95];
	s0 =	simm.s32 @p1 $0x1  }
0x15: {  	[smem:$0x3FB2] =	sst s0;
	s0 =	simm.s32 @!p2 $0x0  }
0x16: {  	s3 =	sld [smem:$0x3FDB];
	s0 =	simm.s32 @p2 $0x1  }
0x17: {  	s4 =	simm.s32 $0x1BF5;
	[smem:$0x3FB4] =	sst s0  }
0x18: {  	s0 =	sld [smem:$0x3F97];
	_ =	swait.ge [sflag:s4], $0x0  }
0x19: {  	s7 =	sld [smem:$0x3F98]  }
0x1a: {  	s8 =	sadd.s32 $0xFFFFE003, lr  }
0x1b: {  	s9 =	sadd.s32 $0xFFFFFEF7, lr;
	s5 =	simm.s32 $0xFFFFFFFF;
	p2 =	slt.u32 s8, $0xFFFFF086  }
0x1c: {  	p1 =	slt.u32 s9, $0xF7A;
	s5 =	simm.s32 @!p2 $0x0  }
0x1d: {  	s5 =	simm.s32 @p1 $0x1;
	p0 =	seq.s32 s7, s2  }
0x1e: {  	s7 =	smul.u32 @!p0 $0xF7A, s2;
	p2 =	seq.s32 @!p0 s5, $0x0  }
0x1f: {  	s9 =	smul.u32 $0xF7A, s1;
	s8 =	simm.s32 @!p0 $0x1BF5;
	p2 =	por !p2, p0  }
0x20: {  	[sflag:s8] =	ssyncset.s32 @!p0 $0xFFFFF086;
	s6 =	sadd.s32 @!p0 s3, s7;
	s7 =	simm.s32 @!p0 $0x108  }
0x21: {  	s3 =	sadd.s32 s3, s9;
	s6 =	sadd.s32 @!p0 $0x88, s6;
	s7 =	simm.s32 @p2 $0x1082  }
0x22: {  	[simem:s7], [sflag:s8] =	dma.local @!p0 [hbm:s6], $0xF7A  }
0x23: {  	s9 =	sor.u32 $0xD0000000, s2;
	s6 =	simm.s32 $0x108;
	_ =	swait.ge @!p0 [sflag:s8], $0x0  }
0x24: {  	s3 =	sadd.s32 $0x88, s3;
	s6 =	simm.s32 @!p1 $0x1082;
	[sflag:s4] =	ssyncset.s32 $0xFFFFF086  }
0x25: {  	[simem:s6], [sflag:s4] =	dma.local [hbm:s3], $0xF7A  }
0x26: {  	[smem:$0x3F98] =	sst s1;
	(tag) =	ssettag s2;
	_ =	strace s9  }
0x27: {  	s1 =	sld [smem:$0x3FA8]  }
0x28: {  	s2 =	sld [smem:$0x3FA9]  }
0x29: {  	s4 =	sld [smem:$0x3FAB]  }
0x2a: {  	p0 =	seq.s32 s5, $0x0;
	s5 =	sld [smem:$0x3FAC]  }
0x2b: {  	s6 =	sld [smem:$0x3FAD]  }
0x2c: {  	s7 =	sld [smem:$0x3FAE]  }
0x2d: {  	s3 =	simm.s32 $0x108;
	s8 =	sld [smem:$0x3FAF]  }
0x2e: {  	s3 =	simm.s32 @!p0 $0x1082;
	s9 =	sld [smem:$0x3FB0]  }
0x2f: {  	lr =	sadd.s32 s0, s3;
	s0 =	sld [smem:$0x3FA7]  }
0x30: {  	s3 =	sld [smem:$0x3FAA]  }
0x31: {  	[smem:$0x3FB3] =	sst s10  }
0x32: {  	s10 =	sld [smem:$0x3FB1];
	_ =	sdelay $0x3  }
0x33: {  	p0 =	seq.s32 s10, $0x1;
	s10 =	sld [smem:$0x3FB3];
	_ =	sdelay $0x3  }
0x34: {  	[smem:$0x3FB3] =	sst s10  }
0x35: {  	s10 =	sld [smem:$0x3FB2];
	_ =	sdelay $0x3  }
0x36: {  	p1 =	seq.s32 s10, $0x1;
	s10 =	sld [smem:$0x3FB3];
	_ =	sdelay $0x3  }
0x37: {  	[smem:$0x3FB3] =	sst s10  }
0x38: {  	s10 =	sld [smem:$0x3FB4]  }
0x39: {  	_ = 	snop;
	(pc) =	sbr.ind lr, $3  }
0x3a: {  	_ = 	snop  }
0x3b: {  	_ = 	snop  }
0x3c: {  	p2 =	seq.s32 s10, $0x1;
	s10 =	sld [smem:$0x3FB3]  }
0x3d: {  	_ =	shalt  }
0x3e: {  	_ =	shalt  }
0x3f: {  	_ =	shalt  }
0x40: {  	_ =	shalt  }
0x41: {  	_ =	shalt  }
0x42: {  	_ =	shalt  }
0x43: {  	_ =	shalt  }
0x44: {  	_ =	shalt  }
0x45: {  	_ =	shalt  }
0x46: {  	_ =	shalt  }
0x47: {  	_ =	shalt  }
0x48: {  	_ =	shalt  }
0x49: {  	_ =	shalt  }
0x4a: {  	_ =	shalt  }
0x4b: {  	_ =	shalt  }
0x4c: {  	_ =	shalt  }
0x4d: {  	_ =	shalt  }
0x4e: {  	_ =	shalt  }
0x4f: {  	_ =	shalt  }
0x50: {  	_ =	shalt  }
0x51: {  	_ =	shalt  }
0x52: {  	_ =	shalt  }
0x53: {  	_ =	shalt  }
0x54: {  	_ =	shalt  }
0x55: {  	_ =	shalt  }
0x56: {  	_ =	shalt  }
0x57: {  	_ =	shalt  }
0x58: {  	_ =	shalt  }
0x59: {  	_ =	shalt  }
0x5a: {  	_ =	shalt  }
0x5b: {  	_ =	shalt  }
0x5c: {  	_ =	shalt  }
0x5d: {  	_ =	shalt  }
0x5e: {  	_ =	shalt  }
0x5f: {  	_ =	shalt  }
0x60: {  	_ =	shalt  }
0x61: {  	_ =	shalt  }
0x62: {  	_ =	shalt  }
0x63: {  	_ =	shalt  }
0x64: {  	_ =	shalt  }
0x65: {  	_ =	shalt  }
0x66: {  	_ =	shalt  }
0x67: {  	_ =	shalt  }
0x68: {  	_ =	shalt  }
0x69: {  	_ =	shalt  }
0x6a: {  	_ =	shalt  }
0x6b: {  	_ =	shalt  }
0x6c: {  	_ =	shalt  }
0x6d: {  	_ =	shalt  }
0x6e: {  	_ =	shalt  }
0x6f: {  	_ =	shalt  }
0x70: {  	_ =	shalt  }
0x71: {  	_ =	shalt  }
0x72: {  	_ =	shalt  }
0x73: {  	_ =	shalt  }
0x74: {  	_ =	shalt  }
0x75: {  	_ =	shalt  }
0x76: {  	_ =	shalt  }
0x77: {  	_ =	shalt  }
0x78: {  	_ =	shalt  }
0x79: {  	_ =	shalt  }
0x7a: {  	_ =	shalt  }
0x7b: {  	_ =	shalt  }
0x7c: {  	_ =	shalt  }
0x7d: {  	_ =	shalt  }
0x7e: {  	_ =	shalt  }
0x7f: {  	_ =	shalt  }
0x80: {  	_ =	shalt  }
0x81: {  	_ =	shalt  }
0x82: {  	_ =	shalt  }
0x83: {  	_ =	shalt  }
0x84: {  	_ =	shalt  }
0x85: {  	_ =	shalt  }
0x86: {  	_ =	shalt  }
0x87: {  	_ =	shalt  }
.Lfunc_end0:
.L_simem_size_0:
called_computation_lowered:
.L_overlay_start_0:
0x88: {  	s2 =	sld [smem:$0x3FD9]  }
0x89: {  	s3 =	sld [smem:$0x3FFE];
	_ =	sdelay $0x1  }
0x8a: {  	s1 =	srdreg.scid  }
0x8b: {  	s0 =	sand.u32 $0x1, s1  }
0x8c: {  	s14 =	sshll.u32 s0, $0xA;
	s2 =	sadd.s32 s3, s2  }
0x8d: {  	s2 =	sadd.s32 s2, s14  }
0x8e: {  	[smem:$0x3FBF] =	sst s2  }
0x8f: {  	_ = 	snop  }
0x90: {  	s2 =	sld [smem:$0x3FD0];
	_ =	sdelay $0x1  }
0x91: {  	s15 =	sld [smem:$0x3FC9]  }
0x92: {  	s5 =	simm.s32 $0xA;
	s6 =	simm.s32 $0x10;
	s4 =	sld [smem:$0x3FC5]  }
0x93: {  	[smem:s6], [sflag:s5] =	dma.local [hbm:s2], $0x1  }
0x94: {  	_ =	swait.eq [sflag:s5], $0x1  }
0x95: {  	[sflag:s5] =	ssyncset.done $0x0  }
0x96: {  	s16 =	sld [smem:$0x10];
	[sflag:s5] =	ssyncadd.s32 $0xFFFFFFFF  }
0x97: {  	s17 =	sld [smem:$0x11];
	(tm) =	ssettm $0x1  }
0x98: {  	s18 =	sld [smem:$0x3FFB];
	_ =	sdelay $0x3  }
0x99: {  	_ =	strace s18  }
0x9a: {  	s6 =	sld [smem:$0x3FFC];
	_ =	sdelay $0x3  }
0x9b: {  	_ =	strace s6  }
0x9c: {  	s6 =	sld [smem:$0x3FFD];
	_ =	sdelay $0x3  }
0x9d: {  	_ =	strace s6  }
0x9e: {  	_ =	strace $0x8FFFFFFF  }
0x9f: {  	s19 =	sld [smem:$0x3FDB];
	_ =	sdelay $0x1  }
0xa0: {  	s7 =	simm.s32 $_scs_section_size  }
0xa1: {  	s8 =	simm.s32 $_size__tile_overlayer_lowered;
	s9 =	simm.s32 $_tile_overlayer_lowered  }
0xa2: {  	s22 =	simm.s32 $0x1BFF;
	s21 =	sshll.u32 s9, $0x1;
	s6 =	sadd.s32 s7, s19  }
0xa3: {  	s10 =	simm.s32 $0x0;
	s20 =	sshll.u32 s8, $0x1;
	s8 =	sadd.s32 s21, s6  }
0xa4: {  	[timem:s10], [sflag:s22] =	dma.local [hbm:s8], s20  }
0xa5: {  	_ =	swait.ge [sflag:s22], s20  }
0xa6: {  	s7 =	ssub.s32 $0x0, s20;
	[sflag:s22] =	ssyncset.done $0x0  }
0xa7: {  	[sflag:s22] =	ssyncadd.s32 s7;
	_ =	sdelay $0x1  }
0xa8: {  	s23 =	simm.s32 $0x1B8B  }
0xa9: {  	_ =	swait.ge [sflag:s23], $0x1  }
0xaa: {  	[sflag:s23] =	ssyncset.done $0x0  }
0xab: {  	s25 =	simm.s32 $0x1B8E;
	s24 =	sld [smem:$0x3FFE];
	[sflag:s23] =	ssyncadd.s32 $0xFFFFFFFF  }
0xac: {  	s26 =	simm.s32 $execute0_lowered;
	[smem:$0x3FD2] =	sst s25  }
0xad: {  	s8 =	sshll.u32 s26, $0x1;
	_ =	strace $0x80000046;
	[dreg:$0x1] =	wrdreg $0xFFFFFFFF  }
0xae: {  	s28 =	simm.s32 $_size_execute0_lowered;
	s6 =	sadd.s32 s6, s8;
	[dreg:$0x0] =	wrdreg $0x0  }
0xaf: {  	s8 =	sshll.u32 s28, $0x1;
	[dreg:$0x2] =	wrdreg s6  }
0xb0: {  	[dreg:$0x3] =	wrdreg s8  }
0xb1: {  	[dreg:$0x4] =	wrdreg $0xC0  }
0xb2: {  	_ =	task [dreg:s10], $0x5FFFF  }
0xb3: {  	[dreg:$0x1] =	wrdreg $0xFFFFFFFF  }
0xb4: {  	[dreg:$0x0] =	wrdreg $0x60  }
0xb5: {  	[dreg:$0x2] =	wrdreg s16  }
0xb6: {  	[dreg:$0x3] =	wrdreg s15  }
0xb7: {  	[dreg:$0x4] =	wrdreg s24  }
0xb8: {  	[dreg:$0x5] =	wrdreg s4  }
0xb9: {  	[dreg:$0x6] =	wrdreg s17  }
0xba: {  	[dreg:$0x7] =	wrdreg $0x9  }
0xbb: {  	_ =	task.clear_ibuf [dreg:s10], $0x8FFFF;
	_ =	strace $0x90000046  }
0xbc: {  	s29 =	simm.s32 $0x9;
	_ =	strace $0x80000048  }
0xbd: {  	_ =	swait.ge [sflag:s29], $0x1  }
0xbe: {  	[sflag:s29] =	ssyncadd.s32 $0xFFFFFFFF  }
0xbf: {  	_ =	strace $0x90000048  }
0xc0: {  	_ =	sfence  }
0xc1: {  	s30 =	sld [smem:$0x0];
	_ =	sdelay $0x2  }
0xc2: {  	s31 =	sshll.u32 s1, $0xD;
	s1 =	sshrl.u32 s1, $0x2  }
0xc3: {  	s3 =	sand.u32 $0x4000, s31;
	s1 =	sadd.s32 s1, s30  }
0xc4: {  	s0 =	sor.u32 s3, s0;
	s1 =	sshll.u32 s1, $0x11  }
0xc5: {  	s0 =	sor.u32 s1, s0  }
0xc6: {  	s0 =	sadd.s32 $0x8F2B, s0  }
0xc7: {  	[sflag:s0] =	ssyncadd.remote.s32 $0x1  }
0xc8: {  	_ =	sfence.sel $0xFFFF  }
0xc9: {  	[dreg:$0x0] =	wrdreg $0xFFFFFFFF;
	(pc) =	sbr.abs _section_cstart, $3  }
0xca: {  	[dreg:$0x1] =	wrdreg $0xFFFFFFFF  }
0xcb: {  	_ =	task.clear_ibuf [dreg:s10], $0x2FFFF;
	_ =	strace $0x9FFFFFFF  }
0xcc: {  	(tm) =	ssettm $0x7FFFFFFF  }
0xcd: {  	_ =	shalt  }
tec
execute0_lowered:
.L_overlay_start_1:
0x0: {  	(tag) =	ssettag $0x1  }
0x1: {  	s0 =	srdreg.scid;
	s1 =	stileid.u32  }
0x2: {  	s0 =	sand.u32 $0x1, s0;
	s1 =	sshll.u32 s1, $0x1  }
0x3: {  	s5 =	sor.u32 s0, s1;
	s0 =	ssub.s32 $0x2, s0  }
0x4: {  	s4 =	rddreg [dreg:$0x1];
	s1 =	simm.s32 $0x0;
	s2 =	sshrl.u32 s0, $0x1  }
0x5: {  	s6 =	sshll.u32 s5, $0x6;
	[smem:$0x7FF] =	sst s1;
	s12 =	ssub.s32 s0, s2  }
0x6: {  	s10 =	sadd.s32 $0x40, s6;
	s11 =	sadd.s32 $0x80, s6;
	s3 =	sadd.s32 $0xC0, s6  }
0x7: {  	s16 =	sadd.s32 $0x100, s6;
	s17 =	sadd.s32 $0x140, s6;
	s18 =	sadd.s32 $0x180, s6  }
0x8: {  	s22 =	sadd.s32 $0x1C0, s6;
	s23 =	sadd.s32 $0x200, s6;
	s24 =	sadd.s32 $0x240, s6  }
0x9: {  	s7 =	sadd.s32 $0x280, s6;
	s8 =	sadd.s32 $0x2C0, s6;
	s9 =	sadd.s32 $0x300, s6  }
0xa: {  	s0 =	sand.u32 $0x7C0, s10;
	s13 =	sand.u32 $0x7C0, s11;
	s14 =	sand.u32 $0x7C0, s3  }
0xb: {  	s19 =	sand.u32 $0x7C0, s17;
	s20 =	sand.u32 $0x7C0, s18;
	s25 =	sand.u32 $0x7C0, s23  }
0xc: {  	s26 =	sand.u32 $0x7C0, s24;
	s10 =	sand.u32 $0x7C0, s8;
	s11 =	sand.u32 $0x7C0, s9  }
0xd: {  	s24 =	sadd.s32 $0x4C0, s6;
	s9 =	sadd.s32 $0x580, s6;
	s0 =	sadd.s32 s4, s0  }
0xe: {  	s12 =	smax.u32 s12, $0x1;
	s15 =	sadd.s32 s4, s14;
	[dreg:$0x6] =	wrdreg s0  }
0xf: {  	s21 =	sadd.s32 s4, s20;
	s3 =	sadd.s32 s4, s26;
	[dreg:$0x8] =	wrdreg s15  }
0x10: {  	s14 =	sadd.s32 $0x340, s6;
	s20 =	sadd.s32 $0x440, s6;
	[dreg:$0xb] =	wrdreg s21  }
0x11: {  	s26 =	sadd.s32 $0x540, s6;
	s0 =	sadd.s32 s4, s13;
	[dreg:$0xe] =	wrdreg s3  }
0x12: {  	s13 =	sadd.s32 s4, s11;
	s15 =	sadd.s32 $0x380, s6;
	s21 =	sxor.u32 $0x400, s6  }
0x13: {  	s8 =	sand.u32 $0x7C0, s26;
	s11 =	sadd.s32 $0x600, s6;
	[dreg:$0x7] =	wrdreg s0  }
0x14: {  	s3 =	sadd.s32 s4, s6;
	s0 =	sand.u32 $0x7C0, s16;
	[dreg:$0x11] =	wrdreg s13  }
0x15: {  	s16 =	sadd.s32 $0x3C0, s6;
	s17 =	sand.u32 $0x7C0, s15;
	s2 =	sadd.s32 s4, s21  }
0x16: {  	s15 =	sadd.s32 $0x640, s6;
	s0 =	sadd.s32 s4, s0;
	[dreg:$0x15] =	wrdreg s2  }
0x17: {  	s18 =	sand.u32 $0x7C0, s16;
	[dreg:$0x9] =	wrdreg s0;
	s0 =	sadd.s32 s4, s19  }
0x18: {  	s21 =	sadd.s32 $0x780, s6;
	s19 =	sadd.s32 s4, s18;
	[dreg:$0xa] =	wrdreg s0  }
0x19: {  	s16 =	sadd.s32 $0x680, s6;
	s0 =	sand.u32 $0x7C0, s22;
	[dreg:$0x14] =	wrdreg s19  }
0x1a: {  	s22 =	sadd.s32 $0x480, s6;
	s19 =	sadd.s32 $0x700, s6;
	s0 =	sadd.s32 s4, s0  }
0x1b: {  	s23 =	sand.u32 $0x7C0, s22;
	[dreg:$0xc] =	wrdreg s0;
	s0 =	sadd.s32 s4, s25  }
0x1c: {  	s25 =	sadd.s32 $0x500, s6;
	[dreg:$0xd] =	wrdreg s0;
	s0 =	sand.u32 $0x7C0, s7  }
0x1d: {  	s22 =	sand.u32 $0x7C0, s21;
	s2 =	sand.u32 $0x7C0, s25;
	s0 =	sadd.s32 s4, s0  }
0x1e: {  	s21 =	simm.s32 $0x1;
	s7 =	sadd.s32 s4, s2;
	[dreg:$0xf] =	wrdreg s0  }
0x1f: {  	s0 =	sadd.s32 s4, s10;
	[dreg:$0x19] =	wrdreg s7;
	s10 =	sadd.s32 $0x5C0, s6  }
0x20: {  	s7 =	smul.u32 $0xC38, s5;
	[dreg:$0x10] =	wrdreg s0;
	s0 =	sand.u32 $0x7C0, s14  }
0x21: {  	s2 =	sand.u32 $0x7C0, s10;
	s14 =	sand.u32 $0x7C0, s11;
	s10 =	sshll.u32 s5, $0xD  }
0x22: {  	s0 =	sadd.s32 s4, s0;
	s13 =	sadd.s32 s4, s2;
	s25 =	sadd.s32 s4, s14  }
0x23: {  	s2 =	sand.u32 $0x7C0, s16;
	s14 =	simm.s32 $0x80;
	[dreg:$0x12] =	wrdreg s0  }
0x24: {  	s16 =	simm.s32 $0x8200;
	s0 =	sadd.s32 s4, s17;
	[dreg:$0x1c] =	wrdreg s13  }
0x25: {  	s17 =	sadd.s32 $0x6C0, s6;
	[dreg:$0x13] =	wrdreg s0;
	s0 =	sand.u32 $0x7C0, s20  }
0x26: {  	s28 =	sadd.s32 s4, s2;
	s20 =	sadd.s32 $0x740, s6;
	s0 =	sadd.s32 s4, s0  }
0x27: {  	s13 =	simm.s32 $0x3;
	s2 =	sand.u32 $0x7C0, s20;
	[dreg:$0x16] =	wrdreg s0  }
0x28: {  	s18 =	sand.u32 $0x7C0, s17;
	s31 =	sadd.s32 s4, s2;
	s2 =	rddreg [dreg:$0x0]  }
0x29: {  	s6 =	sadd.s32 $0x7C0, s6;
	s0 =	sadd.s32 s4, s23;
	s23 =	rddreg [dreg:$0x3]  }
0x2a: {  	s17 =	simm.s32 $0xC200;
	[dreg:$0x17] =	wrdreg s0;
	s0 =	sand.u32 $0x7C0, s24  }
0x2b: {  	s29 =	sadd.s32 s4, s18;
	s24 =	rddreg [dreg:$0x4];
	s0 =	sadd.s32 s4, s0  }
0x2c: {  	s6 =	sand.u32 $0x7C0, s6;
	s20 =	smin.u32 s7, $0x17A68;
	[dreg:$0x18] =	wrdreg s0  }
0x2d: {  	s18 =	simm.s32 $0x10200;
	s0 =	sadd.s32 s4, s8;
	s8 =	rddreg [dreg:$0x2]  }
0x2e: {  	[dreg:$0x1a] =	wrdreg s0;
	s0 =	sand.u32 $0x7C0, s9;
	s9 =	sshrl.u32 s20, $0x3  }
0x2f: {  	v0 =	vmov s20;
	s11 =	sadd.s32 s10, s8;
	s7 =	sadd.s32 $0x1800, s8;
	s20 =	simm.s32 $0x2  }
0x30: {  	s0 =	sadd.s32 s4, s0;
	s5 =	sadd.s32 s23, s9;
	s8 =	sadd.s32 $0x1A00, s11  }
0x31: {  	s10 =	sadd.s32 $0x2A00, s11;
	[dreg:$0x1b] =	wrdreg s0;
	s0 =	sand.u32 $0x7C0, s15  }
0x32: {  	s15 =	simm.s32 $0x4200;
	s26 =	sadd.s32 s4, s0;
	s0 =	sand.u32 $0x7C0, s19  }
0x33: {  	_ =	strace $0x80000047;
	s19 =	simm.s32 $0x14200;
	s30 =	sadd.s32 s4, s0  }
0x34: {  	s0 =	sadd.s32 s4, s22;
	s4 =	sadd.s32 s4, s6;
	s6 =	sadd.s32 s24, s9  }
0x35: {  	s9 =	sadd.s32 $0x2200, s11;
	s11 =	sadd.s32 $0x3200, s11;
	s22 =	simm.s32 $0x0  }
.LBB2_1:
0x36: {  	[tilespmem:s1], [sflag:$0x3] =	stream.linear.gather [hbm4b:s3+s1], $0x200, $0x38;
	[tilespmem:$0x14F00] =	vst v63  }
0x37: {  	_ =	swait.ge [sflag:s13], $0x200  }
0x38: {  	[sflag:s13] =	ssyncset.done $0x0  }
0x39: {  	[sflag:s13] =	ssyncadd.s32 $0xFFFFFE00  }
0x3a: {  	[tilespmem:s15], [sflag:$0x1] =	stream.indirect.gather [hbm4b:s2+s14], $0x80, s1, s14, $0xb8;
	[tilespmem:$0x14F00] =	vst v63  }
0x3b: {  	_ = 	snop  }
0x3c: {  	[tilespmem:s16], [sflag:$0x1] =	stream.indirect.gather [hbm4b:s2+s14], $0x80, s14, s14, $0xb8;
	[tilespmem:$0x14F00] =	vst v63  }
0x3d: {  	s23 =	simm.s32 $0x100  }
0x3e: {  	[tilespmem:s17], [sflag:$0x1] =	stream.indirect.gather [hbm4b:s2+s14], $0x80, s23, s14, $0xb8;
	[tilespmem:$0x14F00] =	vst v63  }
0x3f: {  	s24 =	simm.s32 $0x180  }
0x40: {  	[tilespmem:s18], [sflag:$0x1] =	stream.indirect.gather [hbm4b:s2+s14], $0x80, s24, s14, $0xb8;
	[tilespmem:$0x14F00] =	vst v63  }
0x41: {  	s24 =	simm.s32 $0x200  }
0x42: {  	[tilespmem:s24], [sflag:$0x2] =	stream.linear.gather [hbm4b:s3+s1], $0x200, $0x38;
	[tilespmem:$0x14F00] =	vst v63  }
0x43: {  	s23 =	rddreg [dreg:$0x6];
	s24 =	simm.s32 $0x400  }
0x44: {  	[tilespmem:s24], [sflag:$0x2] =	stream.linear.gather [hbm4b:s23+s1], $0x200, $0x38;
	[tilespmem:$0x14F00] =	vst v63  }
0x45: {  	s23 =	rddreg [dreg:$0x7];
	s24 =	simm.s32 $0x600  }
0x46: {  	[tilespmem:s24], [sflag:$0x2] =	stream.linear.gather [hbm4b:s23+s1], $0x200, $0x38;
	[tilespmem:$0x14F00] =	vst v63  }
0x47: {  	s23 =	rddreg [dreg:$0x8];
	s24 =	simm.s32 $0x800  }
0x48: {  	[tilespmem:s24], [sflag:$0x2] =	stream.linear.gather [hbm4b:s23+s1], $0x200, $0x38;
	[tilespmem:$0x14F00] =	vst v63  }
0x49: {  	s23 =	rddreg [dreg:$0x9];
	s24 =	simm.s32 $0xA00  }
0x4a: {  	[tilespmem:s24], [sflag:$0x2] =	stream.linear.gather [hbm4b:s23+s1], $0x200, $0x38;
	[tilespmem:$0x14F00] =	vst v63  }
0x4b: {  	s23 =	rddreg [dreg:$0xa];
	s24 =	simm.s32 $0xC00  }
0x4c: {  	[tilespmem:s24], [sflag:$0x2] =	stream.linear.gather [hbm4b:s23+s1], $0x200, $0x38;
	[tilespmem:$0x14F00] =	vst v63  }
0x4d: {  	s23 =	rddreg [dreg:$0xb];
	s24 =	simm.s32 $0xE00  }
0x4e: {  	[tilespmem:s24], [sflag:$0x2] =	stream.linear.gather [hbm4b:s23+s1], $0x200, $0x38;
	[tilespmem:$0x14F00] =	vst v63  }
0x4f: {  	s23 =	rddreg [dreg:$0xc];
	s24 =	simm.s32 $0x1000  }
0x50: {  	[tilespmem:s24], [sflag:$0x2] =	stream.linear.gather [hbm4b:s23+s1], $0x200, $0x38;
	[tilespmem:$0x14F00] =	vst v63  }
0x51: {  	s23 =	rddreg [dreg:$0xd];
	s24 =	simm.s32 $0x1200  }
0x52: {  	[tilespmem:s24], [sflag:$0x2] =	stream.linear.gather [hbm4b:s23+s1], $0x200, $0x38;
	[tilespmem:$0x14F00] =	vst v63  }
0x53: {  	s23 =	rddreg [dreg:$0xe];
	s24 =	simm.s32 $0x1400  }
0x54: {  	[tilespmem:s24], [sflag:$0x2] =	stream.linear.gather [hbm4b:s23+s1], $0x200, $0x38;
	[tilespmem:$0x14F00] =	vst v63  }
0x55: {  	s23 =	rddreg [dreg:$0xf];
	s24 =	simm.s32 $0x1600  }
0x56: {  	[tilespmem:s24], [sflag:$0x2] =	stream.linear.gather [hbm4b:s23+s1], $0x200, $0x38;
	[tilespmem:$0x14F00] =	vst v63  }
0x57: {  	s23 =	rddreg [dreg:$0x10];
	s24 =	simm.s32 $0x1800  }
0x58: {  	[tilespmem:s24], [sflag:$0x2] =	stream.linear.gather [hbm4b:s23+s1], $0x200, $0x38;
	[tilespmem:$0x14F00] =	vst v63  }
0x59: {  	s23 =	rddreg [dreg:$0x11];
	s24 =	simm.s32 $0x1A00  }
0x5a: {  	[tilespmem:s24], [sflag:$0x2] =	stream.linear.gather [hbm4b:s23+s1], $0x200, $0x38;
	[tilespmem:$0x14F00] =	vst v63  }
0x5b: {  	s23 =	rddreg [dreg:$0x12];
	s24 =	simm.s32 $0x1C00  }
0x5c: {  	[tilespmem:s24], [sflag:$0x2] =	stream.linear.gather [hbm4b:s23+s1], $0x200, $0x38;
	[tilespmem:$0x14F00] =	vst v63  }
0x5d: {  	s23 =	rddreg [dreg:$0x13];
	s24 =	simm.s32 $0x1E00  }
0x5e: {  	[tilespmem:s24], [sflag:$0x2] =	stream.linear.gather [hbm4b:s23+s1], $0x200, $0x38;
	[tilespmem:$0x14F00] =	vst v63  }
0x5f: {  	s23 =	rddreg [dreg:$0x14];
	s24 =	simm.s32 $0x2000  }
0x60: {  	[tilespmem:s24], [sflag:$0x2] =	stream.linear.gather [hbm4b:s23+s1], $0x200, $0x38;
	[tilespmem:$0x14F00] =	vst v63  }
0x61: {  	s23 =	rddreg [dreg:$0x15];
	s24 =	simm.s32 $0x2200  }
0x62: {  	[tilespmem:s24], [sflag:$0x2] =	stream.linear.gather [hbm4b:s23+s1], $0x200, $0x38;
	[tilespmem:$0x14F00] =	vst v63  }
0x63: {  	s23 =	rddreg [dreg:$0x16];
	s24 =	simm.s32 $0x2400  }
0x64: {  	[tilespmem:s24], [sflag:$0x2] =	stream.linear.gather [hbm4b:s23+s1], $0x200, $0x38;
	[tilespmem:$0x14F00] =	vst v63  }
0x65: {  	s23 =	rddreg [dreg:$0x17];
	s24 =	simm.s32 $0x2600  }
0x66: {  	[tilespmem:s24], [sflag:$0x2] =	stream.linear.gather [hbm4b:s23+s1], $0x200, $0x38;
	[tilespmem:$0x14F00] =	vst v63  }
0x67: {  	s23 =	rddreg [dreg:$0x18];
	s24 =	simm.s32 $0x2800  }
0x68: {  	[tilespmem:s24], [sflag:$0x2] =	stream.linear.gather [hbm4b:s23+s1], $0x200, $0x38;
	[tilespmem:$0x14F00] =	vst v63  }
0x69: {  	s23 =	rddreg [dreg:$0x19];
	s24 =	simm.s32 $0x2A00  }
0x6a: {  	[tilespmem:s24], [sflag:$0x2] =	stream.linear.gather [hbm4b:s23+s1], $0x200, $0x38;
	[tilespmem:$0x14F00] =	vst v63  }
0x6b: {  	s23 =	rddreg [dreg:$0x1a];
	s24 =	simm.s32 $0x2C00  }
0x6c: {  	[tilespmem:s24], [sflag:$0x2] =	stream.linear.gather [hbm4b:s23+s1], $0x200, $0x38;
	[tilespmem:$0x14F00] =	vst v63  }
0x6d: {  	s23 =	rddreg [dreg:$0x1b];
	s24 =	simm.s32 $0x2E00  }
0x6e: {  	[tilespmem:s24], [sflag:$0x2] =	stream.linear.gather [hbm4b:s23+s1], $0x200, $0x38;
	[tilespmem:$0x14F00] =	vst v63  }
0x6f: {  	s23 =	rddreg [dreg:$0x1c];
	s24 =	simm.s32 $0x3000  }
0x70: {  	[tilespmem:s24], [sflag:$0x2] =	stream.linear.gather [hbm4b:s23+s1], $0x200, $0x38;
	[tilespmem:$0x14F00] =	vst v63  }
0x71: {  	s24 =	simm.s32 $0x3200  }
0x72: {  	[tilespmem:s24], [sflag:$0x2] =	stream.linear.gather [hbm4b:s25+s1], $0x200, $0x38;
	[tilespmem:$0x14F00] =	vst v63  }
0x73: {  	s24 =	simm.s32 $0x3400  }
0x74: {  	[tilespmem:s24], [sflag:$0x2] =	stream.linear.gather [hbm4b:s26+s1], $0x200, $0x38;
	[tilespmem:$0x14F00] =	vst v63  }
0x75: {  	s24 =	simm.s32 $0x3600  }
0x76: {  	[tilespmem:s24], [sflag:$0x2] =	stream.linear.gather [hbm4b:s28+s1], $0x200, $0x38;
	[tilespmem:$0x14F00] =	vst v63  }
0x77: {  	s24 =	simm.s32 $0x3800  }
0x78: {  	[tilespmem:s24], [sflag:$0x2] =	stream.linear.gather [hbm4b:s29+s1], $0x200, $0x38;
	[tilespmem:$0x14F00] =	vst v63  }
0x79: {  	s24 =	simm.s32 $0x3A00  }
0x7a: {  	[tilespmem:s24], [sflag:$0x2] =	stream.linear.gather [hbm4b:s30+s1], $0x200, $0x38;
	[tilespmem:$0x14F00] =	vst v63  }
0x7b: {  	s24 =	simm.s32 $0x3C00  }
0x7c: {  	[tilespmem:s24], [sflag:$0x2] =	stream.linear.gather [hbm4b:s31+s1], $0x200, $0x38;
	[tilespmem:$0x14F00] =	vst v63  }
0x7d: {  	s24 =	simm.s32 $0x3E00  }
0x7e: {  	[tilespmem:s24], [sflag:$0x2] =	stream.linear.gather [hbm4b:s0+s1], $0x200, $0x38;
	[tilespmem:$0x14F00] =	vst v63  }
0x7f: {  	s24 =	simm.s32 $0x4000  }
0x80: {  	[tilespmem:s24], [sflag:$0x2] =	stream.linear.gather [hbm4b:s4+s1], $0x200, $0x38;
	[tilespmem:$0x14F00] =	vst v63  }
0x81: {  	_ = 	snop  }
0x82: {  	[tilespmem:s19], [sflag:$0x3] =	stream.linear.gather [hbm4b:s5+s1], $0xC38, $0x38;
	[tilespmem:$0x14F00] =	vst v63  }
0x83: {  	_ =	swait.ge [sflag:s13], $0xC38  }
0x84: {  	[sflag:s13] =	ssyncset.done $0x0  }
0x85: {  	s24 =	simm.s32 $0x14E80;
	[sflag:s13] =	ssyncadd.s32 $0xFFFFF3C8  }
0x86: {  	[tilespmem:s24], [sflag:$0x3] =	stream.linear.gather [hbm4b:s7+s1], $0x80, $0x38;
	[tilespmem:$0x14F00] =	vst v63  }
0x87: {  	_ =	swait.ge [sflag:s13], $0x80  }
0x88: {  	[sflag:s13] =	ssyncset.done $0x0  }
0x89: {  	[sflag:s13] =	ssyncadd.s32 $0xFFFFFF80  }
0x8a: {  	v1 =	vld [tilespmem:$0x14E80];
	_ =	swait.ge [sflag:s20], $0x200  }
0x8b: {  	[sflag:s20] =	ssyncset.done $0x0  }
0x8c: {  	[sflag:s20] =	ssyncadd.s32 $0xFFFFFE00  }
0x8d: {  	_ =	swait.ge [sflag:s20], $0x200  }
0x8e: {  	[sflag:s20] =	ssyncset.done $0x0  }
0x8f: {  	[sflag:s20] =	ssyncadd.s32 $0xFFFFFE00  }
0x90: {  	_ =	swait.ge [sflag:s20], $0x200  }
0x91: {  	[sflag:s20] =	ssyncset.done $0x0  }
0x92: {  	[sflag:s20] =	ssyncadd.s32 $0xFFFFFE00  }
0x93: {  	_ =	swait.ge [sflag:s20], $0x200  }
0x94: {  	[sflag:s20] =	ssyncset.done $0x0  }
0x95: {  	[sflag:s20] =	ssyncadd.s32 $0xFFFFFE00  }
0x96: {  	_ =	swait.ge [sflag:s20], $0x200  }
0x97: {  	[sflag:s20] =	ssyncset.done $0x0  }
0x98: {  	[sflag:s20] =	ssyncadd.s32 $0xFFFFFE00  }
0x99: {  	_ =	swait.ge [sflag:s20], $0x200  }
0x9a: {  	[sflag:s20] =	ssyncset.done $0x0  }
0x9b: {  	[sflag:s20] =	ssyncadd.s32 $0xFFFFFE00  }
0x9c: {  	_ =	swait.ge [sflag:s20], $0x200  }
0x9d: {  	[sflag:s20] =	ssyncset.done $0x0  }
0x9e: {  	[sflag:s20] =	ssyncadd.s32 $0xFFFFFE00  }
0x9f: {  	_ =	swait.ge [sflag:s20], $0x200  }
0xa0: {  	[sflag:s20] =	ssyncset.done $0x0  }
0xa1: {  	[sflag:s20] =	ssyncadd.s32 $0xFFFFFE00  }
0xa2: {  	_ =	swait.ge [sflag:s20], $0x200  }
0xa3: {  	[sflag:s20] =	ssyncset.done $0x0  }
0xa4: {  	[sflag:s20] =	ssyncadd.s32 $0xFFFFFE00  }
0xa5: {  	_ =	swait.ge [sflag:s20], $0x200  }
0xa6: {  	[sflag:s20] =	ssyncset.done $0x0  }
0xa7: {  	[sflag:s20] =	ssyncadd.s32 $0xFFFFFE00  }
0xa8: {  	_ =	swait.ge [sflag:s20], $0x200  }
0xa9: {  	[sflag:s20] =	ssyncset.done $0x0  }
0xaa: {  	[sflag:s20] =	ssyncadd.s32 $0xFFFFFE00  }
0xab: {  	_ =	swait.ge [sflag:s20], $0x200  }
0xac: {  	[sflag:s20] =	ssyncset.done $0x0  }
0xad: {  	[sflag:s20] =	ssyncadd.s32 $0xFFFFFE00  }
0xae: {  	_ =	swait.ge [sflag:s20], $0x200  }
0xaf: {  	[sflag:s20] =	ssyncset.done $0x0  }
0xb0: {  	[sflag:s20] =	ssyncadd.s32 $0xFFFFFE00  }
0xb1: {  	_ =	swait.ge [sflag:s20], $0x200  }
0xb2: {  	[sflag:s20] =	ssyncset.done $0x0  }
0xb3: {  	[sflag:s20] =	ssyncadd.s32 $0xFFFFFE00  }
0xb4: {  	_ =	swait.ge [sflag:s20], $0x200  }
0xb5: {  	[sflag:s20] =	ssyncset.done $0x0  }
0xb6: {  	[sflag:s20] =	ssyncadd.s32 $0xFFFFFE00  }
0xb7: {  	_ =	swait.ge [sflag:s20], $0x200  }
0xb8: {  	[sflag:s20] =	ssyncset.done $0x0  }
0xb9: {  	[sflag:s20] =	ssyncadd.s32 $0xFFFFFE00  }
0xba: {  	_ =	swait.ge [sflag:s20], $0x200  }
0xbb: {  	[sflag:s20] =	ssyncset.done $0x0  }
0xbc: {  	[sflag:s20] =	ssyncadd.s32 $0xFFFFFE00  }
0xbd: {  	_ =	swait.ge [sflag:s20], $0x200  }
0xbe: {  	[sflag:s20] =	ssyncset.done $0x0  }
0xbf: {  	[sflag:s20] =	ssyncadd.s32 $0xFFFFFE00  }
0xc0: {  	_ =	swait.ge [sflag:s20], $0x200  }
0xc1: {  	[sflag:s20] =	ssyncset.done $0x0  }
0xc2: {  	[sflag:s20] =	ssyncadd.s32 $0xFFFFFE00  }
0xc3: {  	_ =	swait.ge [sflag:s20], $0x200  }
0xc4: {  	[sflag:s20] =	ssyncset.done $0x0  }
0xc5: {  	[sflag:s20] =	ssyncadd.s32 $0xFFFFFE00  }
0xc6: {  	_ =	swait.ge [sflag:s20], $0x200  }
0xc7: {  	[sflag:s20] =	ssyncset.done $0x0  }
0xc8: {  	[sflag:s20] =	ssyncadd.s32 $0xFFFFFE00  }
0xc9: {  	_ =	swait.ge [sflag:s20], $0x200  }
0xca: {  	[sflag:s20] =	ssyncset.done $0x0  }
0xcb: {  	[sflag:s20] =	ssyncadd.s32 $0xFFFFFE00  }
0xcc: {  	_ =	swait.ge [sflag:s20], $0x200  }
0xcd: {  	[sflag:s20] =	ssyncset.done $0x0  }
0xce: {  	[sflag:s20] =	ssyncadd.s32 $0xFFFFFE00  }
0xcf: {  	_ =	swait.ge [sflag:s20], $0x200  }
0xd0: {  	[sflag:s20] =	ssyncset.done $0x0  }
0xd1: {  	[sflag:s20] =	ssyncadd.s32 $0xFFFFFE00  }
0xd2: {  	_ =	swait.ge [sflag:s20], $0x200  }
0xd3: {  	[sflag:s20] =	ssyncset.done $0x0  }
0xd4: {  	[sflag:s20] =	ssyncadd.s32 $0xFFFFFE00  }
0xd5: {  	_ =	swait.ge [sflag:s20], $0x200  }
0xd6: {  	[sflag:s20] =	ssyncset.done $0x0  }
0xd7: {  	[sflag:s20] =	ssyncadd.s32 $0xFFFFFE00  }
0xd8: {  	_ =	swait.ge [sflag:s20], $0x200  }
0xd9: {  	[sflag:s20] =	ssyncset.done $0x0  }
0xda: {  	[sflag:s20] =	ssyncadd.s32 $0xFFFFFE00  }
0xdb: {  	_ =	swait.ge [sflag:s20], $0x200  }
0xdc: {  	[sflag:s20] =	ssyncset.done $0x0  }
0xdd: {  	[sflag:s20] =	ssyncadd.s32 $0xFFFFFE00  }
0xde: {  	_ =	swait.ge [sflag:s20], $0x200  }
0xdf: {  	[sflag:s20] =	ssyncset.done $0x0  }
0xe0: {  	[sflag:s20] =	ssyncadd.s32 $0xFFFFFE00  }
0xe1: {  	_ =	swait.ge [sflag:s20], $0x200  }
0xe2: {  	[sflag:s20] =	ssyncset.done $0x0  }
0xe3: {  	[sflag:s20] =	ssyncadd.s32 $0xFFFFFE00  }
0xe4: {  	_ =	swait.ge [sflag:s20], $0x200  }
0xe5: {  	[sflag:s20] =	ssyncset.done $0x0  }
0xe6: {  	[sflag:s20] =	ssyncadd.s32 $0xFFFFFE00  }
0xe7: {  	_ =	swait.ge [sflag:s20], $0x200  }
0xe8: {  	[sflag:s20] =	ssyncset.done $0x0  }
0xe9: {  	s23 =	simm.s32 $0x0;
	[sflag:s20] =	ssyncadd.s32 $0xFFFFFE00  }
.LBB2_2:
0xea: {  	s24 =	sshra.s32 s23, $0x2  }
0xeb: {  	v2 =	vld [tilespmem:s24+$0x200];
	_ =	sdelay $0x4  }
0xec: {  	v2 =	vsub.s32 v2, v0  }
0xed: {  	vm0 =	vlt.u32 v2, $0xC38;
	_ =	sdelay $0x5  }
0xee: {  	[tilespmem:v2+s19+$0x0] =	vst.idx.msk vm0, v1  }
0xef: {  	v2 =	vld [tilespmem:s24+$0x210];
	_ =	sdelay $0x4  }
0xf0: {  	v2 =	vsub.s32 v2, v0  }
0xf1: {  	vm9 =	vlt.u32 v2, $0xC38;
	_ =	sdelay $0x5  }
0xf2: {  	[tilespmem:v2+s19+$0x0] =	vst.idx.msk vm9, v1  }
0xf3: {  	v2 =	vld [tilespmem:s24+$0x220];
	_ =	sdelay $0x4  }
0xf4: {  	v2 =	vsub.s32 v2, v0  }
0xf5: {  	vm10 =	vlt.u32 v2, $0xC38;
	_ =	sdelay $0x5  }
0xf6: {  	[tilespmem:v2+s19+$0x0] =	vst.idx.msk vm10, v1  }
0xf7: {  	v2 =	vld [tilespmem:s24+$0x230];
	_ =	sdelay $0x4  }
0xf8: {  	v2 =	vsub.s32 v2, v0  }
0xf9: {  	vm11 =	vlt.u32 v2, $0xC38;
	_ =	sdelay $0x5  }
0xfa: {  	[tilespmem:v2+s19+$0x0] =	vst.idx.msk vm11, v1  }
0xfb: {  	v2 =	vld [tilespmem:s24+$0x240];
	_ =	sdelay $0x4  }
0xfc: {  	v2 =	vsub.s32 v2, v0  }
0xfd: {  	vm12 =	vlt.u32 v2, $0xC38;
	_ =	sdelay $0x5  }
0xfe: {  	[tilespmem:v2+s19+$0x0] =	vst.idx.msk vm12, v1  }
0xff: {  	v2 =	vld [tilespmem:s24+$0x250];
	_ =	sdelay $0x4  }
0x100: {  	v2 =	vsub.s32 v2, v0  }
0x101: {  	vm13 =	vlt.u32 v2, $0xC38;
	_ =	sdelay $0x5  }
0x102: {  	[tilespmem:v2+s19+$0x0] =	vst.idx.msk vm13, v1  }
0x103: {  	v2 =	vld [tilespmem:s24+$0x260];
	_ =	sdelay $0x4  }
0x104: {  	v2 =	vsub.s32 v2, v0  }
0x105: {  	vm14 =	vlt.u32 v2, $0xC38;
	_ =	sdelay $0x5  }
0x106: {  	[tilespmem:v2+s19+$0x0] =	vst.idx.msk vm14, v1  }
0x107: {  	v2 =	vld [tilespmem:s24+$0x270];
	_ =	sdelay $0x4  }
0x108: {  	v2 =	vsub.s32 v2, v0  }
0x109: {  	vm15 =	vlt.u32 v2, $0xC38  }
0x10a: {  	p0 =	sne.s32 s23, $0x3E00  }
.Ltmp0:
0x10b: {  	_ = 	snop;
	(pc) =	sbr.rel @p0 .LBB2_2-.Ltmp0, $2  }
0x10c: {  	_ =	sdelay $0x2  }
0x10d: {  	s23 =	sadd.s32 $0x200, s23;
	[tilespmem:v2+s19+$0x0] =	vst.idx.msk vm15, v1  }
0x10e: {  	_ =	swait.ge [sflag:s21], $0x4000  }
0x10f: {  	[sflag:s21] =	ssyncset.done $0x0  }
0x110: {  	s23 =	simm.s32 $0x0;
	[sflag:s21] =	ssyncadd.s32 $0xFFFFC000  }
0x111: {  	[hbm4b:s8+s23] =	stream.linear.scatter [tilespmem:s15], [sflag:$0x1], $0x4000, $0x38;
	[tilespmem:$0x14F00] =	vst v63  }
.LBB2_4:
0x112: {  	s24 =	sshra.s32 s23, $0x2  }
0x113: {  	v2 =	vld [tilespmem:s24+$0x1200];
	_ =	sdelay $0x4  }
0x114: {  	v2 =	vsub.s32 v2, v0  }
0x115: {  	vm0 =	vlt.u32 v2, $0xC38;
	_ =	sdelay $0x5  }
0x116: {  	[tilespmem:v2+s19+$0x0] =	vst.idx.msk vm0, v1  }
0x117: {  	v2 =	vld [tilespmem:s24+$0x1210];
	_ =	sdelay $0x4  }
0x118: {  	v2 =	vsub.s32 v2, v0  }
0x119: {  	vm9 =	vlt.u32 v2, $0xC38;
	_ =	sdelay $0x5  }
0x11a: {  	[tilespmem:v2+s19+$0x0] =	vst.idx.msk vm9, v1  }
0x11b: {  	v2 =	vld [tilespmem:s24+$0x1220];
	_ =	sdelay $0x4  }
0x11c: {  	v2 =	vsub.s32 v2, v0  }
0x11d: {  	vm10 =	vlt.u32 v2, $0xC38;
	_ =	sdelay $0x5  }
0x11e: {  	[tilespmem:v2+s19+$0x0] =	vst.idx.msk vm10, v1  }
0x11f: {  	v2 =	vld [tilespmem:s24+$0x1230];
	_ =	sdelay $0x4  }
0x120: {  	v2 =	vsub.s32 v2, v0  }
0x121: {  	vm11 =	vlt.u32 v2, $0xC38;
	_ =	sdelay $0x5  }
0x122: {  	[tilespmem:v2+s19+$0x0] =	vst.idx.msk vm11, v1  }
0x123: {  	v2 =	vld [tilespmem:s24+$0x1240];
	_ =	sdelay $0x4  }
0x124: {  	v2 =	vsub.s32 v2, v0  }
0x125: {  	vm12 =	vlt.u32 v2, $0xC38;
	_ =	sdelay $0x5  }
0x126: {  	[tilespmem:v2+s19+$0x0] =	vst.idx.msk vm12, v1  }
0x127: {  	v2 =	vld [tilespmem:s24+$0x1250];
	_ =	sdelay $0x4  }
0x128: {  	v2 =	vsub.s32 v2, v0  }
0x129: {  	vm13 =	vlt.u32 v2, $0xC38;
	_ =	sdelay $0x5  }
0x12a: {  	[tilespmem:v2+s19+$0x0] =	vst.idx.msk vm13, v1  }
0x12b: {  	v2 =	vld [tilespmem:s24+$0x1260];
	_ =	sdelay $0x4  }
0x12c: {  	v2 =	vsub.s32 v2, v0  }
0x12d: {  	vm14 =	vlt.u32 v2, $0xC38;
	_ =	sdelay $0x5  }
0x12e: {  	[tilespmem:v2+s19+$0x0] =	vst.idx.msk vm14, v1  }
0x12f: {  	v2 =	vld [tilespmem:s24+$0x1270];
	_ =	sdelay $0x4  }
0x130: {  	v2 =	vsub.s32 v2, v0  }
0x131: {  	vm15 =	vlt.u32 v2, $0xC38  }
0x132: {  	p0 =	sne.s32 s23, $0x3E00  }
.Ltmp1:
0x133: {  	_ = 	snop;
	(pc) =	sbr.rel @p0 .LBB2_4-.Ltmp1, $2  }
0x134: {  	_ =	sdelay $0x2  }
0x135: {  	s23 =	sadd.s32 $0x200, s23;
	[tilespmem:v2+s19+$0x0] =	vst.idx.msk vm15, v1  }
0x136: {  	_ =	swait.ge [sflag:s21], $0x4000  }
0x137: {  	[sflag:s21] =	ssyncset.done $0x0  }
0x138: {  	s23 =	simm.s32 $0x0;
	[sflag:s21] =	ssyncadd.s32 $0xFFFFC000  }
0x139: {  	[hbm4b:s9+s23] =	stream.linear.scatter [tilespmem:s16], [sflag:$0x1], $0x4000, $0x38;
	[tilespmem:$0x14F00] =	vst v63  }
.LBB2_6:
0x13a: {  	s24 =	sshra.s32 s23, $0x2  }
0x13b: {  	v2 =	vld [tilespmem:s24+$0x2200];
	_ =	sdelay $0x4  }
0x13c: {  	v2 =	vsub.s32 v2, v0  }
0x13d: {  	vm0 =	vlt.u32 v2, $0xC38;
	_ =	sdelay $0x5  }
0x13e: {  	[tilespmem:v2+s19+$0x0] =	vst.idx.msk vm0, v1  }
0x13f: {  	v2 =	vld [tilespmem:s24+$0x2210];
	_ =	sdelay $0x4  }
0x140: {  	v2 =	vsub.s32 v2, v0  }
0x141: {  	vm9 =	vlt.u32 v2, $0xC38;
	_ =	sdelay $0x5  }
0x142: {  	[tilespmem:v2+s19+$0x0] =	vst.idx.msk vm9, v1  }
0x143: {  	v2 =	vld [tilespmem:s24+$0x2220];
	_ =	sdelay $0x4  }
0x144: {  	v2 =	vsub.s32 v2, v0  }
0x145: {  	vm10 =	vlt.u32 v2, $0xC38;
	_ =	sdelay $0x5  }
0x146: {  	[tilespmem:v2+s19+$0x0] =	vst.idx.msk vm10, v1  }
0x147: {  	v2 =	vld [tilespmem:s24+$0x2230];
	_ =	sdelay $0x4  }
0x148: {  	v2 =	vsub.s32 v2, v0  }
0x149: {  	vm11 =	vlt.u32 v2, $0xC38;
	_ =	sdelay $0x5  }
0x14a: {  	[tilespmem:v2+s19+$0x0] =	vst.idx.msk vm11, v1  }
0x14b: {  	v2 =	vld [tilespmem:s24+$0x2240];
	_ =	sdelay $0x4  }
0x14c: {  	v2 =	vsub.s32 v2, v0  }
0x14d: {  	vm12 =	vlt.u32 v2, $0xC38;
	_ =	sdelay $0x5  }
0x14e: {  	[tilespmem:v2+s19+$0x0] =	vst.idx.msk vm12, v1  }
0x14f: {  	v2 =	vld [tilespmem:s24+$0x2250];
	_ =	sdelay $0x4  }
0x150: {  	v2 =	vsub.s32 v2, v0  }
0x151: {  	vm13 =	vlt.u32 v2, $0xC38;
	_ =	sdelay $0x5  }
0x152: {  	[tilespmem:v2+s19+$0x0] =	vst.idx.msk vm13, v1  }
0x153: {  	v2 =	vld [tilespmem:s24+$0x2260];
	_ =	sdelay $0x4  }
0x154: {  	v2 =	vsub.s32 v2, v0  }
0x155: {  	vm14 =	vlt.u32 v2, $0xC38;
	_ =	sdelay $0x5  }
0x156: {  	[tilespmem:v2+s19+$0x0] =	vst.idx.msk vm14, v1  }
0x157: {  	v2 =	vld [tilespmem:s24+$0x2270];
	_ =	sdelay $0x4  }
0x158: {  	v2 =	vsub.s32 v2, v0  }
0x159: {  	vm15 =	vlt.u32 v2, $0xC38  }
0x15a: {  	p0 =	sne.s32 s23, $0x3E00  }
.Ltmp2:
0x15b: {  	_ = 	snop;
	(pc) =	sbr.rel @p0 .LBB2_6-.Ltmp2, $2  }
0x15c: {  	_ =	sdelay $0x2  }
0x15d: {  	s23 =	sadd.s32 $0x200, s23;
	[tilespmem:v2+s19+$0x0] =	vst.idx.msk vm15, v1  }
0x15e: {  	_ =	swait.ge [sflag:s21], $0x4000  }
0x15f: {  	[sflag:s21] =	ssyncset.done $0x0  }
0x160: {  	s23 =	simm.s32 $0x0;
	[sflag:s21] =	ssyncadd.s32 $0xFFFFC000  }
0x161: {  	[hbm4b:s10+s23] =	stream.linear.scatter [tilespmem:s17], [sflag:$0x1], $0x4000, $0x38;
	[tilespmem:$0x14F00] =	vst v63  }
.LBB2_8:
0x162: {  	s24 =	sshra.s32 s23, $0x2  }
0x163: {  	v2 =	vld [tilespmem:s24+$0x3200];
	_ =	sdelay $0x4  }
0x164: {  	v2 =	vsub.s32 v2, v0  }
0x165: {  	vm0 =	vlt.u32 v2, $0xC38;
	_ =	sdelay $0x5  }
0x166: {  	[tilespmem:v2+s19+$0x0] =	vst.idx.msk vm0, v1  }
0x167: {  	v2 =	vld [tilespmem:s24+$0x3210];
	_ =	sdelay $0x4  }
0x168: {  	v2 =	vsub.s32 v2, v0  }
0x169: {  	vm9 =	vlt.u32 v2, $0xC38;
	_ =	sdelay $0x5  }
0x16a: {  	[tilespmem:v2+s19+$0x0] =	vst.idx.msk vm9, v1  }
0x16b: {  	v2 =	vld [tilespmem:s24+$0x3220];
	_ =	sdelay $0x4  }
0x16c: {  	v2 =	vsub.s32 v2, v0  }
0x16d: {  	vm10 =	vlt.u32 v2, $0xC38;
	_ =	sdelay $0x5  }
0x16e: {  	[tilespmem:v2+s19+$0x0] =	vst.idx.msk vm10, v1  }
0x16f: {  	v2 =	vld [tilespmem:s24+$0x3230];
	_ =	sdelay $0x4  }
0x170: {  	v2 =	vsub.s32 v2, v0  }
0x171: {  	vm11 =	vlt.u32 v2, $0xC38;
	_ =	sdelay $0x5  }
0x172: {  	[tilespmem:v2+s19+$0x0] =	vst.idx.msk vm11, v1  }
0x173: {  	v2 =	vld [tilespmem:s24+$0x3240];
	_ =	sdelay $0x4  }
0x174: {  	v2 =	vsub.s32 v2, v0  }
0x175: {  	vm12 =	vlt.u32 v2, $0xC38;
	_ =	sdelay $0x5  }
0x176: {  	[tilespmem:v2+s19+$0x0] =	vst.idx.msk vm12, v1  }
0x177: {  	v2 =	vld [tilespmem:s24+$0x3250];
	_ =	sdelay $0x4  }
0x178: {  	v2 =	vsub.s32 v2, v0  }
0x179: {  	vm13 =	vlt.u32 v2, $0xC38;
	_ =	sdelay $0x5  }
0x17a: {  	[tilespmem:v2+s19+$0x0] =	vst.idx.msk vm13, v1  }
0x17b: {  	v2 =	vld [tilespmem:s24+$0x3260];
	_ =	sdelay $0x4  }
0x17c: {  	v2 =	vsub.s32 v2, v0  }
0x17d: {  	vm14 =	vlt.u32 v2, $0xC38;
	_ =	sdelay $0x5  }
0x17e: {  	[tilespmem:v2+s19+$0x0] =	vst.idx.msk vm14, v1  }
0x17f: {  	v2 =	vld [tilespmem:s24+$0x3270];
	_ =	sdelay $0x4  }
0x180: {  	v2 =	vsub.s32 v2, v0  }
0x181: {  	vm15 =	vlt.u32 v2, $0xC38  }
0x182: {  	p0 =	sne.s32 s23, $0x3E00  }
.Ltmp3:
0x183: {  	_ = 	snop;
	(pc) =	sbr.rel @p0 .LBB2_8-.Ltmp3, $2  }
0x184: {  	_ =	sdelay $0x2  }
0x185: {  	s23 =	sadd.s32 $0x200, s23;
	[tilespmem:v2+s19+$0x0] =	vst.idx.msk vm15, v1  }
0x186: {  	_ =	swait.ge [sflag:s21], $0x4000  }
0x187: {  	[sflag:s21] =	ssyncset.done $0x0  }
0x188: {  	[sflag:s21] =	ssyncadd.s32 $0xFFFFC000  }
0x189: {  	[hbm4b:s11+s1] =	stream.linear.scatter [tilespmem:s18], [sflag:$0x1], $0x4000, $0x38;
	[tilespmem:$0x14F00] =	vst v63  }
0x18a: {  	_ = 	snop  }
0x18b: {  	[hbm4b:s6+s1] =	stream.linear.scatter [tilespmem:s19], [sflag:$0x3], $0xC38, $0x38;
	[tilespmem:$0x14F00] =	vst v63  }
0x18c: {  	_ =	swait.ge [sflag:s13], $0xC38  }
0x18d: {  	[sflag:s13] =	ssyncset.done $0x0  }
0x18e: {  	[sflag:s13] =	ssyncadd.s32 $0xFFFFF3C8  }
0x18f: {  	_ =	swait.ge [sflag:s21], $0x4000  }
0x190: {  	[sflag:s21] =	ssyncset.done $0x0  }
0x191: {  	[sflag:s21] =	ssyncadd.s32 $0xFFFFC000  }
0x192: {  	_ =	swait.ge [sflag:s21], $0x4000  }
0x193: {  	[sflag:s21] =	ssyncset.done $0x0  }
0x194: {  	s22 =	sadd.s32 $0x1, s22;
	[sflag:s21] =	ssyncadd.s32 $0xFFFFC000  }
0x195: {  	p0 =	sne.s32 s22, s12;
	_ =	swait.ge [sflag:s21], $0x4000  }
.Ltmp4:
0x196: {  	[sflag:s21] =	ssyncset.done $0x0;
	(pc) =	sbr.rel @p0 .LBB2_1-.Ltmp4, $4  }
0x197: {  	[sflag:s21] =	ssyncadd.s32 $0xFFFFC000  }
0x198: {  	_ =	swait.ge [sflag:s21], $0x4000  }
0x199: {  	[sflag:s21] =	ssyncset.done $0x0  }
0x19a: {  	[sflag:s21] =	ssyncadd.s32 $0xFFFFC000  }
0x19b: {  	_ =	sfence.sel $0x180000  }
0x19c: {  	[bflag:$0x0] =	sbarrier.arrive $0xFFFF  }
0x19d: {  	_ =	strace $0x90000047  }
0x19e: {  	s0 =	stileid.u32;
	[bflag:$0x2] =	sbarrier.arrive $0xFFFF  }
0x19f: {  	p0 =	sne.s32 s0, $0x0;
	s0 =	rddreg [dreg:$0x5]  }
0x1a0: {  	s0 =	sadd.s32 @!p0 $0x100000, s0  }
0x1a1: {  	[sflag:s0] =	ssyncadd.tile.s32 @!p0 $0x1;
	_ =	shalt  }
.Lfunc_end2:
_tile_overlayer_lowered:
.L_overlay_start_2:
0x1a2: {  	(tag) =	ssettag $0x2  }
0x1a3: {  	s0 =	rddreg [dreg:$0x0];
	s2 =	stileid.u32  }
0x1a4: {  	s1 =	rddreg [dreg:$0x1];
	p0 =	sne.s32 s2, $0x0  }
0x1a5: {  	s3 =	rddreg [dreg:$0x2];
	[bflag:$0x3] =	sbarrier.arrive $0xFFFF;
	s2 =	simm.s32 @!p0 $0x1C03  }
0x1a6: {  	[timem:s3], [sflag:s2] =	dma.local @!p0 [hbm:s0], s1  }
0x1a7: {  	s0 =	simm.s32 @!p0 $0x3  }
0x1a8: {  	_ =	swait.ge @!p0 [sflag:s0], s1  }
0x1a9: {  	s1 =	ssub.s32 @!p0 $0x0, s1;
	[sflag:s0] =	ssyncset.done @!p0 $0x0  }
0x1aa: {  	[sflag:s0] =	ssyncadd.s32 @!p0 s1  }
0x1ab: {  	[bflag:$0x3] =	sbarrier.arrive $0xFFFF  }
0x1ac: {  	_ =	shalt  }

// kernel: kernel.8.cloned.1.call-start
scs
__scs_entry_jumppad:
0x0: {  	(pc) =	sbr.rel $0x88, $3  }
0x1: {  	(tag) =	ssettag $0x0;
	lr =	simm.s32 $0x1  }
0x2: {  	[smem:$0x3F98] =	sst lr;
	_ =	strace $0xD0000000  }
0x3: {  	_ = 	snop  }
0x4: {  	_ = 	snop  }
0x5: {  	_ = 	snop  }
0x6: {  	_ = 	snop  }
0x7: {  	_ = 	snop  }
__scs_overlays_trampoline_lowered:
0x8: {  	[smem:$0x3FA7] =	sst s0  }
0x9: {  	[smem:$0x3FA8] =	sst s1  }
0xa: {  	[smem:$0x3FA9] =	sst s2  }
0xb: {  	[smem:$0x3FAA] =	sst s3  }
0xc: {  	[smem:$0x3FAB] =	sst s4  }
0xd: {  	[smem:$0x3FAC] =	sst s5  }
0xe: {  	[smem:$0x3FAD] =	sst s6  }
0xf: {  	[smem:$0x3FAE] =	sst s7  }
0x10: {  	[smem:$0x3FAF] =	sst s8  }
0x11: {  	[smem:$0x3FB0] =	sst s9;
	s0 =	simm.s32 @!p0 $0x0  }
0x12: {  	s1 =	sld [smem:$0x3F96];
	s0 =	simm.s32 @p0 $0x1  }
0x13: {  	[smem:$0x3FB1] =	sst s0;
	s0 =	simm.s32 @!p1 $0x0  }
0x14: {  	s2 =	sld [smem:$0x3F95];
	s0 =	simm.s32 @p1 $0x1  }
0x15: {  	[smem:$0x3FB2] =	sst s0;
	s0 =	simm.s32 @!p2 $0x0  }
0x16: {  	s3 =	sld [smem:$0x3FDB];
	s0 =	simm.s32 @p2 $0x1  }
0x17: {  	s4 =	simm.s32 $0x1BF5;
	[smem:$0x3FB4] =	sst s0  }
0x18: {  	s0 =	sld [smem:$0x3F97];
	_ =	swait.ge [sflag:s4], $0x0  }
0x19: {  	s7 =	sld [smem:$0x3F98]  }
0x1a: {  	s8 =	sadd.s32 $0xFFFFE003, lr  }
0x1b: {  	s9 =	sadd.s32 $0xFFFFFEF7, lr;
	s5 =	simm.s32 $0xFFFFFFFF;
	p2 =	slt.u32 s8, $0xFFFFF086  }
0x1c: {  	p1 =	slt.u32 s9, $0xF7A;
	s5 =	simm.s32 @!p2 $0x0  }
0x1d: {  	s5 =	simm.s32 @p1 $0x1;
	p0 =	seq.s32 s7, s2  }
0x1e: {  	s7 =	smul.u32 @!p0 $0xF7A, s2;
	p2 =	seq.s32 @!p0 s5, $0x0  }
0x1f: {  	s9 =	smul.u32 $0xF7A, s1;
	s8 =	simm.s32 @!p0 $0x1BF5;
	p2 =	por !p2, p0  }
0x20: {  	[sflag:s8] =	ssyncset.s32 @!p0 $0xFFFFF086;
	s6 =	sadd.s32 @!p0 s3, s7;
	s7 =	simm.s32 @!p0 $0x108  }
0x21: {  	s3 =	sadd.s32 s3, s9;
	s6 =	sadd.s32 @!p0 $0x88, s6;
	s7 =	simm.s32 @p2 $0x1082  }
0x22: {  	[simem:s7], [sflag:s8] =	dma.local @!p0 [hbm:s6], $0xF7A  }
0x23: {  	s9 =	sor.u32 $0xD0000000, s2;
	s6 =	simm.s32 $0x108;
	_ =	swait.ge @!p0 [sflag:s8], $0x0  }
0x24: {  	s3 =	sadd.s32 $0x88, s3;
	s6 =	simm.s32 @!p1 $0x1082;
	[sflag:s4] =	ssyncset.s32 $0xFFFFF086  }
0x25: {  	[simem:s6], [sflag:s4] =	dma.local [hbm:s3], $0xF7A  }
0x26: {  	[smem:$0x3F98] =	sst s1;
	(tag) =	ssettag s2;
	_ =	strace s9  }
0x27: {  	s1 =	sld [smem:$0x3FA8]  }
0x28: {  	s2 =	sld [smem:$0x3FA9]  }
0x29: {  	s4 =	sld [smem:$0x3FAB]  }
0x2a: {  	p0 =	seq.s32 s5, $0x0;
	s5 =	sld [smem:$0x3FAC]  }
0x2b: {  	s6 =	sld [smem:$0x3FAD]  }
0x2c: {  	s7 =	sld [smem:$0x3FAE]  }
0x2d: {  	s3 =	simm.s32 $0x108;
	s8 =	sld [smem:$0x3FAF]  }
0x2e: {  	s3 =	simm.s32 @!p0 $0x1082;
	s9 =	sld [smem:$0x3FB0]  }
0x2f: {  	lr =	sadd.s32 s0, s3;
	s0 =	sld [smem:$0x3FA7]  }
0x30: {  	s3 =	sld [smem:$0x3FAA]  }
0x31: {  	[smem:$0x3FB3] =	sst s10  }
0x32: {  	s10 =	sld [smem:$0x3FB1];
	_ =	sdelay $0x3  }
0x33: {  	p0 =	seq.s32 s10, $0x1;
	s10 =	sld [smem:$0x3FB3];
	_ =	sdelay $0x3  }
0x34: {  	[smem:$0x3FB3] =	sst s10  }
0x35: {  	s10 =	sld [smem:$0x3FB2];
	_ =	sdelay $0x3  }
0x36: {  	p1 =	seq.s32 s10, $0x1;
	s10 =	sld [smem:$0x3FB3];
	_ =	sdelay $0x3  }
0x37: {  	[smem:$0x3FB3] =	sst s10  }
0x38: {  	s10 =	sld [smem:$0x3FB4]  }
0x39: {  	_ = 	snop;
	(pc) =	sbr.ind lr, $3  }
0x3a: {  	_ = 	snop  }
0x3b: {  	_ = 	snop  }
0x3c: {  	p2 =	seq.s32 s10, $0x1;
	s10 =	sld [smem:$0x3FB3]  }
0x3d: {  	_ =	shalt  }
0x3e: {  	_ =	shalt  }
0x3f: {  	_ =	shalt  }
0x40: {  	_ =	shalt  }
0x41: {  	_ =	shalt  }
0x42: {  	_ =	shalt  }
0x43: {  	_ =	shalt  }
0x44: {  	_ =	shalt  }
0x45: {  	_ =	shalt  }
0x46: {  	_ =	shalt  }
0x47: {  	_ =	shalt  }
0x48: {  	_ =	shalt  }
0x49: {  	_ =	shalt  }
0x4a: {  	_ =	shalt  }
0x4b: {  	_ =	shalt  }
0x4c: {  	_ =	shalt  }
0x4d: {  	_ =	shalt  }
0x4e: {  	_ =	shalt  }
0x4f: {  	_ =	shalt  }
0x50: {  	_ =	shalt  }
0x51: {  	_ =	shalt  }
0x52: {  	_ =	shalt  }
0x53: {  	_ =	shalt  }
0x54: {  	_ =	shalt  }
0x55: {  	_ =	shalt  }
0x56: {  	_ =	shalt  }
0x57: {  	_ =	shalt  }
0x58: {  	_ =	shalt  }
0x59: {  	_ =	shalt  }
0x5a: {  	_ =	shalt  }
0x5b: {  	_ =	shalt  }
0x5c: {  	_ =	shalt  }
0x5d: {  	_ =	shalt  }
0x5e: {  	_ =	shalt  }
0x5f: {  	_ =	shalt  }
0x60: {  	_ =	shalt  }
0x61: {  	_ =	shalt  }
0x62: {  	_ =	shalt  }
0x63: {  	_ =	shalt  }
0x64: {  	_ =	shalt  }
0x65: {  	_ =	shalt  }
0x66: {  	_ =	shalt  }
0x67: {  	_ =	shalt  }
0x68: {  	_ =	shalt  }
0x69: {  	_ =	shalt  }
0x6a: {  	_ =	shalt  }
0x6b: {  	_ =	shalt  }
0x6c: {  	_ =	shalt  }
0x6d: {  	_ =	shalt  }
0x6e: {  	_ =	shalt  }
0x6f: {  	_ =	shalt  }
0x70: {  	_ =	shalt  }
0x71: {  	_ =	shalt  }
0x72: {  	_ =	shalt  }
0x73: {  	_ =	shalt  }
0x74: {  	_ =	shalt  }
0x75: {  	_ =	shalt  }
0x76: {  	_ =	shalt  }
0x77: {  	_ =	shalt  }
0x78: {  	_ =	shalt  }
0x79: {  	_ =	shalt  }
0x7a: {  	_ =	shalt  }
0x7b: {  	_ =	shalt  }
0x7c: {  	_ =	shalt  }
0x7d: {  	_ =	shalt  }
0x7e: {  	_ =	shalt  }
0x7f: {  	_ =	shalt  }
0x80: {  	_ =	shalt  }
0x81: {  	_ =	shalt  }
0x82: {  	_ =	shalt  }
0x83: {  	_ =	shalt  }
0x84: {  	_ =	shalt  }
0x85: {  	_ =	shalt  }
0x86: {  	_ =	shalt  }
0x87: {  	_ =	shalt  }
.Lfunc_end0:
.L_simem_size_0:
called_computation.1_lowered:
.L_overlay_start_0:
0x88: {  	s2 =	sld [smem:$0x3FD9]  }
0x89: {  	s3 =	sld [smem:$0x3FFE];
	_ =	sdelay $0x1  }
0x8a: {  	s1 =	srdreg.scid  }
0x8b: {  	s0 =	sand.u32 $0x1, s1  }
0x8c: {  	s14 =	sshll.u32 s0, $0xA;
	s2 =	sadd.s32 s3, s2  }
0x8d: {  	s2 =	sadd.s32 s2, s14  }
0x8e: {  	[smem:$0x3FBF] =	sst s2  }
0x8f: {  	_ = 	snop  }
0x90: {  	s2 =	sld [smem:$0x3FD0];
	_ =	sdelay $0x2  }
0x91: {  	s4 =	simm.s32 $0xA;
	s5 =	simm.s32 $0x10;
	s15 =	sld [smem:$0x3FC9]  }
0x92: {  	[smem:s5], [sflag:s4] =	dma.local [hbm:s2], $0x1  }
0x93: {  	_ =	swait.eq [sflag:s4], $0x1  }
0x94: {  	[sflag:s4] =	ssyncset.done $0x0  }
0x95: {  	[sflag:s4] =	ssyncadd.s32 $0xFFFFFFFF  }
0x96: {  	s16 =	sld [smem:$0x10];
	(tm) =	ssettm $0x1  }
0x97: {  	s17 =	sld [smem:$0x3FFB];
	_ =	sdelay $0x3  }
0x98: {  	_ =	strace s17  }
0x99: {  	s4 =	sld [smem:$0x3FFC];
	_ =	sdelay $0x3  }
0x9a: {  	_ =	strace s4  }
0x9b: {  	s4 =	sld [smem:$0x3FFD];
	_ =	sdelay $0x3  }
0x9c: {  	_ =	strace s4  }
0x9d: {  	_ =	strace $0x8FFFFFFF  }
0x9e: {  	s18 =	sld [smem:$0x3FDB];
	_ =	sdelay $0x1  }
0x9f: {  	s19 =	simm.s32 $_scs_section_size  }
0xa0: {  	s6 =	simm.s32 $_size__tile_overlayer_lowered;
	s7 =	simm.s32 $_tile_overlayer_lowered  }
0xa1: {  	s22 =	simm.s32 $0x1BFF;
	s21 =	sshll.u32 s7, $0x1;
	s4 =	sadd.s32 s19, s18  }
0xa2: {  	s8 =	simm.s32 $0x0;
	s20 =	sshll.u32 s6, $0x1;
	s6 =	sadd.s32 s21, s4  }
0xa3: {  	[timem:s8], [sflag:s22] =	dma.local [hbm:s6], s20  }
0xa4: {  	_ =	swait.ge [sflag:s22], s20  }
0xa5: {  	s5 =	ssub.s32 $0x0, s20;
	[sflag:s22] =	ssyncset.done $0x0  }
0xa6: {  	[sflag:s22] =	ssyncadd.s32 s5;
	_ =	sdelay $0x1  }
0xa7: {  	s23 =	simm.s32 $0x1B8B  }
0xa8: {  	_ =	swait.ge [sflag:s23], $0x1  }
0xa9: {  	[sflag:s23] =	ssyncset.done $0x0  }
0xaa: {  	s25 =	simm.s32 $0x1B8E;
	s24 =	sld [smem:$0x3FFE];
	[sflag:s23] =	ssyncadd.s32 $0xFFFFFFFF  }
0xab: {  	s26 =	simm.s32 $execute0_lowered;
	[smem:$0x3FD2] =	sst s25  }
0xac: {  	s6 =	sshll.u32 s26, $0x1;
	_ =	strace $0x80000049;
	[dreg:$0x1] =	wrdreg $0xFFFFFFFF  }
0xad: {  	s28 =	simm.s32 $_size_execute0_lowered;
	s4 =	sadd.s32 s4, s6;
	[dreg:$0x0] =	wrdreg $0x0  }
0xae: {  	s6 =	sshll.u32 s28, $0x1;
	[dreg:$0x2] =	wrdreg s4  }
0xaf: {  	[dreg:$0x3] =	wrdreg s6  }
0xb0: {  	[dreg:$0x4] =	wrdreg $0xC0  }
0xb1: {  	_ =	task [dreg:s8], $0x5FFFF  }
0xb2: {  	[dreg:$0x1] =	wrdreg $0xFFFFFFFF  }
0xb3: {  	[dreg:$0x0] =	wrdreg $0x60  }
0xb4: {  	[dreg:$0x2] =	wrdreg s16  }
0xb5: {  	[dreg:$0x3] =	wrdreg s24  }
0xb6: {  	[dreg:$0x4] =	wrdreg s15  }
0xb7: {  	[dreg:$0x5] =	wrdreg $0x9  }
0xb8: {  	_ =	task.clear_ibuf [dreg:s8], $0x6FFFF;
	_ =	strace $0x90000049  }
0xb9: {  	s29 =	simm.s32 $0x9;
	_ =	strace $0x8000004B  }
0xba: {  	_ =	swait.ge [sflag:s29], $0x1  }
0xbb: {  	[sflag:s29] =	ssyncadd.s32 $0xFFFFFFFF  }
0xbc: {  	_ =	strace $0x9000004B  }
0xbd: {  	_ =	sfence  }
0xbe: {  	s30 =	sld [smem:$0x0];
	_ =	sdelay $0x2  }
0xbf: {  	s31 =	sshll.u32 s1, $0xD;
	s1 =	sshrl.u32 s1, $0x2  }
0xc0: {  	s3 =	sand.u32 $0x4000, s31;
	s1 =	sadd.s32 s1, s30  }
0xc1: {  	s0 =	sor.u32 s3, s0;
	s1 =	sshll.u32 s1, $0x11  }
0xc2: {  	s0 =	sor.u32 s1, s0  }
0xc3: {  	s0 =	sadd.s32 $0x8F2B, s0  }
0xc4: {  	[sflag:s0] =	ssyncadd.remote.s32 $0x1  }
0xc5: {  	_ =	sfence.sel $0xFFFF  }
0xc6: {  	[dreg:$0x0] =	wrdreg $0xFFFFFFFF;
	(pc) =	sbr.abs _section_cstart, $3  }
0xc7: {  	[dreg:$0x1] =	wrdreg $0xFFFFFFFF  }
0xc8: {  	_ =	task.clear_ibuf [dreg:s8], $0x2FFFF;
	_ =	strace $0x9FFFFFFF  }
0xc9: {  	(tm) =	ssettm $0x7FFFFFFF  }
tec
execute0_lowered:
.L_overlay_start_1:
0x0: {  	(tag) =	ssettag $0x1  }
0x1: {  	s1 =	rddreg [dreg:$0x0]  }
0x2: {  	s6 =	rddreg [dreg:$0x1]  }
0x3: {  	s4 =	rddreg [dreg:$0x2]  }
0x4: {  	s0 =	rddreg [dreg:$0x3];
	s3 =	simm.s32 $0x0;
	s2 =	srdreg.scid  }
0x5: {  	[smem:$0x7FF] =	sst s3;
	s19 =	sand.u32 $0x1, s2  }
0x6: {  	s2 =	stileid.u32;
	_ =	strace $0x8000004A;
	s5 =	sshll.u32 s19, $0x6  }
0x7: {  	s7 =	sshll.u32 s2, $0xE;
	s8 =	sshll.u32 s2, $0x7;
	s4 =	sadd.s32 s4, s5  }
0x8: {  	s9 =	sshll.u32 s19, $0xD;
	s5 =	simm.s32 $0x3;
	s4 =	sadd.s32 s8, s4  }
0x9: {  	[tilespmem:s3], [sflag:$0x3] =	stream.linear.gather [hbm4b:s4+s3], $0x200, $0x38;
	[tilespmem:$0x10200] =	vst v63  }
0xa: {  	s7 =	sor.u32 s9, s7;
	_ =	swait.ge [sflag:s5], $0x200  }
0xb: {  	s12 =	sadd.s32 s7, s6;
	[sflag:s5] =	ssyncset.done $0x0  }
0xc: {  	s7 =	simm.s32 $0x200;
	s6 =	sadd.s32 $0x1800, s12;
	[sflag:s5] =	ssyncadd.s32 $0xFFFFFE00  }
0xd: {  	[tilespmem:s7], [sflag:$0x2] =	stream.linear.gather [hbm4b:s6+s3], $0x4000, $0x38;
	[tilespmem:$0x10200] =	vst v63  }
0xe: {  	s9 =	simm.s32 $0x4200;
	s8 =	sadd.s32 $0x2000, s12  }
0xf: {  	[tilespmem:s9], [sflag:$0x2] =	stream.linear.gather [hbm4b:s8+s3], $0x4000, $0x38;
	[tilespmem:$0x10200] =	vst v63  }
0x10: {  	s11 =	simm.s32 $0x8200;
	s10 =	sadd.s32 $0x2800, s12  }
0x11: {  	[tilespmem:s11], [sflag:$0x2] =	stream.linear.gather [hbm4b:s10+s3], $0x4000, $0x38;
	[tilespmem:$0x10200] =	vst v63  }
0x12: {  	s13 =	simm.s32 $0xC200;
	s14 =	simm.s32 $0x2;
	s12 =	sadd.s32 $0x3000, s12  }
0x13: {  	[tilespmem:s13], [sflag:$0x2] =	stream.linear.gather [hbm4b:s12+s3], $0x4000, $0x38;
	[tilespmem:$0x10200] =	vst v63  }
0x14: {  	_ =	swait.ge [sflag:s14], $0x4000  }
0x15: {  	[sflag:s14] =	ssyncset.done $0x0  }
0x16: {  	s15 =	simm.s32 $0x80;
	[sflag:s14] =	ssyncadd.s32 $0xFFFFC000  }
0x17: {  	[hbm4b:s1+s15] =	stream.indirect.scatter [tilespmem:s7], [sflag:$0x1], $0x80, s3, s15, $0xb8;
	[tilespmem:$0x10200] =	vst v63  }
0x18: {  	_ =	swait.ge [sflag:s14], $0x4000  }
0x19: {  	[sflag:s14] =	ssyncset.done $0x0  }
0x1a: {  	[sflag:s14] =	ssyncadd.s32 $0xFFFFC000  }
0x1b: {  	[hbm4b:s1+s15] =	stream.indirect.scatter [tilespmem:s9], [sflag:$0x1], $0x80, s15, s15, $0xb8;
	[tilespmem:$0x10200] =	vst v63  }
0x1c: {  	_ =	swait.ge [sflag:s14], $0x4000  }
0x1d: {  	[sflag:s14] =	ssyncset.done $0x0  }
0x1e: {  	s16 =	simm.s32 $0x100;
	[sflag:s14] =	ssyncadd.s32 $0xFFFFC000  }
0x1f: {  	[hbm4b:s1+s15] =	stream.indirect.scatter [tilespmem:s11], [sflag:$0x1], $0x80, s16, s15, $0xb8;
	[tilespmem:$0x10200] =	vst v63  }
0x20: {  	_ =	swait.ge [sflag:s14], $0x4000  }
0x21: {  	[sflag:s14] =	ssyncset.done $0x0  }
0x22: {  	s18 =	simm.s32 $0x180;
	s17 =	simm.s32 $0x1;
	[sflag:s14] =	ssyncadd.s32 $0xFFFFC000  }
0x23: {  	[hbm4b:s1+s15] =	stream.indirect.scatter [tilespmem:s13], [sflag:$0x1], $0x80, s18, s15, $0xb8;
	[tilespmem:$0x10200] =	vst v63  }
0x24: {  	_ =	swait.ge [sflag:s17], $0x4000  }
0x25: {  	s19 =	ssub.s32 $0x2, s19;
	[sflag:s17] =	ssyncset.done $0x0  }
0x26: {  	s20 =	sshrl.u32 s19, $0x1;
	[sflag:s17] =	ssyncadd.s32 $0xFFFFC000  }
0x27: {  	s19 =	ssub.s32 s19, s20;
	_ =	swait.ge [sflag:s17], $0x4000  }
0x28: {  	s19 =	smax.u32 s19, $0x1;
	[sflag:s17] =	ssyncset.done $0x0  }
0x29: {  	p0 =	sne.s32 s19, $0x1;
	[sflag:s17] =	ssyncadd.s32 $0xFFFFC000  }
.Ltmp0:
0x2a: {  	_ =	swait.ge [sflag:s17], $0x4000;
	(pc) =	sbr.rel @!p0 .LBB2_2-.Ltmp0, $4  }
0x2b: {  	[sflag:s17] =	ssyncset.done $0x0  }
0x2c: {  	[sflag:s17] =	ssyncadd.s32 $0xFFFFC000  }
0x2d: {  	_ =	swait.ge [sflag:s17], $0x4000  }
0x2e: {  	s19 =	sadd.s32 $0xFFFFFFFF, s19;
	[sflag:s17] =	ssyncset.done $0x0  }
.LBB2_1:
0x2f: {  	p0 =	sne.s32 s19, $0x1;
	s19 =	sadd.s32 $0xFFFFFFFF, s19;
	[sflag:s17] =	ssyncadd.s32 $0xFFFFC000  }
0x30: {  	[tilespmem:s3], [sflag:$0x3] =	stream.linear.gather [hbm4b:s4+s3], $0x200, $0x38;
	[tilespmem:$0x10200] =	vst v63  }
0x31: {  	_ =	swait.ge [sflag:s5], $0x200  }
0x32: {  	[sflag:s5] =	ssyncset.done $0x0  }
0x33: {  	[sflag:s5] =	ssyncadd.s32 $0xFFFFFE00  }
0x34: {  	[tilespmem:s7], [sflag:$0x2] =	stream.linear.gather [hbm4b:s6+s3], $0x4000, $0x38;
	[tilespmem:$0x10200] =	vst v63  }
0x35: {  	_ = 	snop  }
0x36: {  	[tilespmem:s9], [sflag:$0x2] =	stream.linear.gather [hbm4b:s8+s3], $0x4000, $0x38;
	[tilespmem:$0x10200] =	vst v63  }
0x37: {  	_ = 	snop  }
0x38: {  	[tilespmem:s11], [sflag:$0x2] =	stream.linear.gather [hbm4b:s10+s3], $0x4000, $0x38;
	[tilespmem:$0x10200] =	vst v63  }
0x39: {  	_ = 	snop  }
0x3a: {  	[tilespmem:s13], [sflag:$0x2] =	stream.linear.gather [hbm4b:s12+s3], $0x4000, $0x38;
	[tilespmem:$0x10200] =	vst v63  }
0x3b: {  	_ =	swait.ge [sflag:s14], $0x4000  }
0x3c: {  	[sflag:s14] =	ssyncset.done $0x0  }
0x3d: {  	[sflag:s14] =	ssyncadd.s32 $0xFFFFC000  }
0x3e: {  	[hbm4b:s1+s15] =	stream.indirect.scatter [tilespmem:s7], [sflag:$0x1], $0x80, s3, s15, $0xb8;
	[tilespmem:$0x10200] =	vst v63  }
0x3f: {  	_ =	swait.ge [sflag:s14], $0x4000  }
0x40: {  	[sflag:s14] =	ssyncset.done $0x0  }
0x41: {  	[sflag:s14] =	ssyncadd.s32 $0xFFFFC000  }
0x42: {  	[hbm4b:s1+s15] =	stream.indirect.scatter [tilespmem:s9], [sflag:$0x1], $0x80, s15, s15, $0xb8;
	[tilespmem:$0x10200] =	vst v63  }
0x43: {  	_ =	swait.ge [sflag:s14], $0x4000  }
0x44: {  	[sflag:s14] =	ssyncset.done $0x0  }
0x45: {  	[sflag:s14] =	ssyncadd.s32 $0xFFFFC000  }
0x46: {  	[hbm4b:s1+s15] =	stream.indirect.scatter [tilespmem:s11], [sflag:$0x1], $0x80, s16, s15, $0xb8;
	[tilespmem:$0x10200] =	vst v63  }
0x47: {  	_ =	swait.ge [sflag:s14], $0x4000  }
0x48: {  	[sflag:s14] =	ssyncset.done $0x0  }
0x49: {  	[sflag:s14] =	ssyncadd.s32 $0xFFFFC000  }
0x4a: {  	[hbm4b:s1+s15] =	stream.indirect.scatter [tilespmem:s13], [sflag:$0x1], $0x80, s18, s15, $0xb8;
	[tilespmem:$0x10200] =	vst v63  }
0x4b: {  	_ =	swait.ge [sflag:s17], $0x4000  }
0x4c: {  	[sflag:s17] =	ssyncset.done $0x0  }
0x4d: {  	[sflag:s17] =	ssyncadd.s32 $0xFFFFC000  }
0x4e: {  	_ =	swait.ge [sflag:s17], $0x4000  }
0x4f: {  	[sflag:s17] =	ssyncset.done $0x0  }
0x50: {  	[sflag:s17] =	ssyncadd.s32 $0xFFFFC000  }
.Ltmp1:
0x51: {  	_ =	swait.ge [sflag:s17], $0x4000;
	(pc) =	sbr.rel @p0 .LBB2_1-.Ltmp1, $4  }
0x52: {  	[sflag:s17] =	ssyncset.done $0x0  }
0x53: {  	[sflag:s17] =	ssyncadd.s32 $0xFFFFC000  }
0x54: {  	_ =	swait.ge [sflag:s17], $0x4000  }
0x55: {  	[sflag:s17] =	ssyncset.done $0x0  }
.LBB2_2:
0x56: {  	[sflag:s17] =	ssyncadd.s32 $0xFFFFC000  }
0x57: {  	_ =	sfence.sel $0x180000  }
0x58: {  	[bflag:$0x0] =	sbarrier.arrive $0xFFFF  }
0x59: {  	p0 =	sne.s32 s2, $0x0;
	_ =	strace $0x9000004A  }
0x5a: {  	s0 =	sadd.s32 @!p0 $0x100000, s0;
	[bflag:$0x2] =	sbarrier.arrive $0xFFFF  }
0x5b: {  	[sflag:s0] =	ssyncadd.tile.s32 @!p0 $0x1;
	_ =	shalt  }
.Lfunc_end2:
_tile_overlayer_lowered:
.L_overlay_start_2:
0x5c: {  	(tag) =	ssettag $0x2  }
0x5d: {  	s0 =	rddreg [dreg:$0x0];
	s2 =	stileid.u32  }
0x5e: {  	s1 =	rddreg [dreg:$0x1];
	p0 =	sne.s32 s2, $0x0  }
0x5f: {  	s3 =	rddreg [dreg:$0x2];
	[bflag:$0x3] =	sbarrier.arrive $0xFFFF;
	s2 =	simm.s32 @!p0 $0x1C03  }
0x60: {  	[timem:s3], [sflag:s2] =	dma.local @!p0 [hbm:s0], s1  }
0x61: {  	s0 =	simm.s32 @!p0 $0x3  }
0x62: {  	_ =	swait.ge @!p0 [sflag:s0], s1  }
0x63: {  	s1 =	ssub.s32 @!p0 $0x0, s1;
	[sflag:s0] =	ssyncset.done @!p0 $0x0  }
0x64: {  	[sflag:s0] =	ssyncadd.s32 @!p0 s1  }
0x65: {  	[bflag:$0x3] =	sbarrier.arrive $0xFFFF  }
0x66: {  	_ =	shalt  }

</sc_bundles>
